<compile_context>
chip_gen: v7x
topology: tpu7x:2x2x1
jax: 0.10.2.dev20260603
libtpu: 0.0.44.dev20260713+nightly
codegen_flags: <defaults>
</compile_context>

<pallas_src>
import functools

import jax
import jax.numpy as jnp
from jax import lax
from jax.experimental import pallas as pl
from jax.experimental.pallas import tpu as pltpu
from jax.experimental.pallas import tpu_sc as plsc

N = 10000
K = 16
D = 128
H = 128

_NW = 32
_C = 120
_B = 1000

_SPLITS = (N,)


_NBUF = 6
_DEPTH = 3


def _gather_rows(table, idx_grp, rpw, nch, clast):
    assert nch % _NBUF == 0
    ngrp = nch // _NBUF
    mesh = plsc.VectorSubcoreMesh(core_axis_name="c", subcore_axis_name="s")

    @functools.partial(
        pl.kernel,
        mesh=mesh,
        out_type=jax.ShapeDtypeStruct((_NW * rpw, D), jnp.float32),
        scratch_types=[
            pltpu.VMEM((nch, _C), jnp.int32),
            pltpu.VMEM((_NBUF, _C, D), jnp.float32),
        ] + [pltpu.SemaphoreType.DMA] * (2 * _NBUF),
    )
    def k(table_hbm, idx_hbm, out_hbm, idx_v, rows_v, *sems):
        gs, ws = sems[:_NBUF], sems[_NBUF:]
        wid = lax.axis_index("s") * 2 + lax.axis_index("c")
        base = wid * rpw
        pltpu.sync_copy(idx_hbm.at[wid], idx_v)

        def gstart(j, b):
            pltpu.make_async_copy(
                table_hbm.at[idx_v.at[j]], rows_v.at[b], gs[b]).start()

        def gwait(j, b):
            pltpu.make_async_copy(
                table_hbm.at[idx_v.at[j]], rows_v.at[b], gs[b]).wait()

        def wdesc(j, b, n):
            return pltpu.make_async_copy(
                rows_v.at[b, pl.ds(0, n)],
                out_hbm.at[pl.ds(base + j * _C, n)], ws[b])

        for b in range(_DEPTH):
            gstart(b, b)

        def group(g, carry):
            for b in range(_NBUF):
                j = g * _NBUF + b
                gwait(j, b)
                if b == _NBUF - 1:
                    @pl.when(g < ngrp - 1)
                    def _():
                        wdesc(j, b, _C).start()

                    @pl.when(g == ngrp - 1)
                    def _():
                        wdesc(j, b, clast).start()
                else:
                    wdesc(j, b, _C).start()
                bn = (b + _DEPTH) % _NBUF
                jn = j + _DEPTH
                if b < _DEPTH:
                    @pl.when(g >= 1)
                    def _():
                        wdesc(0, bn, _C).wait()
                    gstart(jn, bn)
                else:
                    @pl.when(g < ngrp - 1)
                    def _():
                        wdesc(0, bn, _C).wait()
                        gstart(jn, bn)
            return carry

        lax.fori_loop(0, ngrp, group, 0)
        for b in range(_NBUF):
            wdesc(0, b, _C if b < _NBUF - 1 else clast).wait()

    return k(table, idx_grp)


def _sage_layer(m, xin, wihT, whhT, bvec, wselfT, wneighT, bout, act, nq):

    def body(m_ref, x_ref, wih_ref, whh_ref, b_ref, ws_ref, wn_ref, bo_ref,
             o_ref):
        wih = wih_ref[...]
        whh = whh_ref[...]
        bias = b_ref[...]
        h = jnp.zeros((_B, H), jnp.float32)
        c = jnp.zeros((_B, H), jnp.float32)
        for t in range(K):
            g = jnp.dot(m_ref[t], wih, preferred_element_type=jnp.float32)
            g = g + jnp.dot(h, whh, preferred_element_type=jnp.float32) + bias
            gi = 0.5 * jnp.tanh(g[:, 0 * H:1 * H]) + 0.5
            gf = 0.5 * jnp.tanh(g[:, 1 * H:2 * H]) + 0.5
            gg = jnp.tanh(g[:, 2 * H:3 * H])
            go = 0.5 * jnp.tanh(g[:, 3 * H:4 * H]) + 0.5
            c = gf * c + gi * gg
            h = go * jnp.tanh(c)
        out = (jnp.dot(x_ref[...], ws_ref[...],
                       preferred_element_type=jnp.float32)
               + jnp.dot(h, wn_ref[...], preferred_element_type=jnp.float32)
               + bo_ref[...])
        o_ref[...] = act(out)

    return pl.pallas_call(
        body,
        grid=(pl.cdiv(nq, _B),),
        in_specs=[
            pl.BlockSpec((K, _B, D), lambda i: (0, i, 0)),
            pl.BlockSpec((_B, D), lambda i: (i, 0)),
            pl.BlockSpec((D, 4 * H), lambda i: (0, 0)),
            pl.BlockSpec((H, 4 * H), lambda i: (0, 0)),
            pl.BlockSpec((1, 4 * H), lambda i: (0, 0)),
            pl.BlockSpec((D, H), lambda i: (0, 0)),
            pl.BlockSpec((H, H), lambda i: (0, 0)),
            pl.BlockSpec((1, H), lambda i: (0, 0)),
        ],
        out_specs=pl.BlockSpec((_B, H), lambda i: (i, 0)),
        out_shape=jax.ShapeDtypeStruct((nq, H), jnp.float32),
    )(m, xin, wihT, whhT, bvec, wselfT, wneighT, bout)


def _split_indices(src):
    out = []
    n0 = 0
    for nq in _SPLITS:
        rpw = nq * K // _NW
        nch = -(-rpw // _C)
        clast = rpw - (nch - 1) * _C
        seg = src.reshape(N, K)[n0:n0 + nq].T.reshape(_NW, rpw)
        pad = jnp.zeros((_NW, nch * _C - rpw), jnp.int32)
        idx = jnp.concatenate([seg, pad], axis=1).reshape(_NW, nch, _C)
        out.append((idx, rpw, nch, clast, n0, nq))
        n0 += nq
    return out


def kernel(x, edge_index, W_ih1, W_hh1, b_ih1, b_hh1, W_self1, W_neigh1,
           bias1, W_ih2, W_hh2, b_ih2, b_hh2, W_self2, W_neigh2, bias2):
    src = edge_index[0]
    groups = _split_indices(src)

    s = jnp.concatenate([
        jnp.full((H,), 0.5, jnp.float32),
        jnp.full((H,), 0.5, jnp.float32),
        jnp.ones((H,), jnp.float32),
        jnp.full((H,), 0.5, jnp.float32),
    ])

    def layer(table, xin, wih, whh, bih, bhh, wself, wneigh, bias, act):
        parts = []
        for idx, rpw, nch, clast, n0, nq in groups:
            m = _gather_rows(table, idx, rpw, nch, clast).reshape(K, nq, D)
            parts.append(_sage_layer(
                m, lax.dynamic_slice_in_dim(xin, n0, nq, 0),
                wih.T * s, whh.T * s, ((bih + bhh) * s).reshape(1, -1),
                wself.T, wneigh.T, bias.reshape(1, -1), act, nq))
        return jnp.concatenate(parts, axis=0)

    h1 = layer(x, x, W_ih1, W_hh1, b_ih1, b_hh1, W_self1, W_neigh1, bias1,
               jax.nn.relu)
    out = layer(h1, h1, W_ih2, W_hh2, b_ih2, b_hh2, W_self2, W_neigh2,
                bias2, jax.nn.sigmoid)
    return out

# --- scband reference (transcript-rebuilt; emitter-appended) ---
"""Pipeline reference for scband-sage-53188874994047 (READ-ONLY COPY).

The authoritative reference and input builder live on the scoring server;
editing this copy changes nothing except your own understanding.
"""

import jax, jax.numpy as jnp
import numpy as np

N = 10000
K = 16
D = 128
HID = 128
OUT = 128


def _lstm_last_h(m, W_ih, W_hh, b_ih, b_hh):
    # m: [n_nodes, K, d]; PyTorch-style LSTM (gate order i,f,g,o), return final hidden state
    n = m.shape[0]
    h0 = jnp.zeros((n, W_hh.shape[1]), m.dtype)
    def step(carry, x_t):
        h, c = carry
        gates = x_t @ W_ih.T + h @ W_hh.T + b_ih + b_hh
        i, f, g, o = jnp.split(gates, 4, axis=-1)
        i = jax.nn.sigmoid(i)
        f = jax.nn.sigmoid(f)
        g = jnp.tanh(g)
        o = jax.nn.sigmoid(o)
        c = f * c + i * g
        h = o * jnp.tanh(c)
        return (h, c), None
    (h, _), _ = jax.lax.scan(step, (h0, h0), jnp.swapaxes(m, 0, 1))
    return h


def _sage_conv(x, edge_index, W_ih, W_hh, b_ih, b_hh, W_self, W_neigh, bias):
    # DGL SAGEConv(aggregator_type='lstm'): h_neigh = LSTM over neighbor mailbox,
    # rst = fc_self(h_self) + fc_neigh(h_neigh) + bias
    src = edge_index[0]
    m = x[src].reshape(N, K, x.shape[-1])  # dst = repeat(arange(N), K) -> regular mailbox
    h_neigh = _lstm_last_h(m, W_ih, W_hh, b_ih, b_hh)
    return x @ W_self.T + h_neigh @ W_neigh.T + bias


def setup_inputs(seed: int = 0):
    key = jax.random.key(seed)
    ks = jax.random.split(key, 16)
    x = jax.random.normal(ks[0], (N, D), dtype=jnp.float32)
    src = jax.random.randint(ks[1], (N * K,), 0, N)
    dst = jnp.repeat(jnp.arange(N), K)  # every node has exactly K in-neighbors
    edge_index = jnp.stack([src, dst]).astype(jnp.int32)

    def lin(k, fan_in, shape):
        return jax.random.uniform(k, shape, jnp.float32, -1.0, 1.0) / np.sqrt(fan_in)

    inp = {"x": x, "edge_index": edge_index}
    # conv1: LSTM(D -> D), fc_self/fc_neigh: Linear(D -> HID, bias=False), bias param
    inp["W_ih1"] = lin(ks[2], D, (4 * D, D))
    inp["W_hh1"] = lin(ks[3], D, (4 * D, D))
    inp["b_ih1"] = lin(ks[4], D, (4 * D,))
    inp["b_hh1"] = lin(ks[5], D, (4 * D,))
    inp["W_self1"] = lin(ks[6], D, (HID, D))
    inp["W_neigh1"] = lin(ks[7], D, (HID, D))
    inp["bias1"] = jnp.zeros((HID,), jnp.float32)
    # conv2: LSTM(HID -> HID), fc: Linear(HID -> OUT, bias=False), bias param
    inp["W_ih2"] = lin(ks[8], HID, (4 * HID, HID))
    inp["W_hh2"] = lin(ks[9], HID, (4 * HID, HID))
    inp["b_ih2"] = lin(ks[10], HID, (4 * HID,))
    inp["b_hh2"] = lin(ks[11], HID, (4 * HID,))
    inp["W_self2"] = lin(ks[12], HID, (OUT, HID))
    inp["W_neigh2"] = lin(ks[13], HID, (OUT, HID))
    inp["bias2"] = jnp.zeros((OUT,), jnp.float32)
    return inp


def reference(x, edge_index, W_ih1, W_hh1, b_ih1, b_hh1, W_self1, W_neigh1, bias1, W_ih2, W_hh2, b_ih2, b_hh2, W_self2, W_neigh2, bias2):
    h = _sage_conv(x, edge_index, W_ih1, W_hh1, b_ih1, b_hh1, W_self1, W_neigh1, bias1)
    h = jax.nn.relu(h)
    h = _sage_conv(h, edge_index, W_ih2, W_hh2, b_ih2, b_hh2, W_self2, W_neigh2, bias2)
    return jax.nn.sigmoid(h)

if __name__ == "__main__":
    import jax
    _d = setup_inputs()
    print(jax.jit(kernel)(*tuple(_d.values())))

</pallas_src>

<mosaic_0001>
#map = affine_map<(d0, d1) -> (0, 0)>
#map1 = affine_map<(d0, d1) -> (0, 0, 0)>
module attributes {stable_mosaic.version = 14 : i64} {
  func.func @k(%arg0: i32, %arg1: i32, %arg2: memref<10000x128xf32, #tpu.memory_space<hbm>>, %arg3: memref<32x42x120xi32, #tpu.memory_space<hbm>>, %arg4: memref<160000x128xf32, #tpu.memory_space<hbm>>, %arg5: memref<42x120xi32, #tpu.memory_space<vmem>>, %arg6: memref<6x120x128xf32, #tpu.memory_space<vmem>>, %arg7: memref<!tpu.dma_semaphore, #tpu.memory_space<semaphore_mem>>, %arg8: memref<!tpu.dma_semaphore, #tpu.memory_space<semaphore_mem>>, %arg9: memref<!tpu.dma_semaphore, #tpu.memory_space<semaphore_mem>>, %arg10: memref<!tpu.dma_semaphore, #tpu.memory_space<semaphore_mem>>, %arg11: memref<!tpu.dma_semaphore, #tpu.memory_space<semaphore_mem>>, %arg12: memref<!tpu.dma_semaphore, #tpu.memory_space<semaphore_mem>>, %arg13: memref<!tpu.dma_semaphore, #tpu.memory_space<semaphore_mem>>, %arg14: memref<!tpu.dma_semaphore, #tpu.memory_space<semaphore_mem>>, %arg15: memref<!tpu.dma_semaphore, #tpu.memory_space<semaphore_mem>>, %arg16: memref<!tpu.dma_semaphore, #tpu.memory_space<semaphore_mem>>, %arg17: memref<!tpu.dma_semaphore, #tpu.memory_space<semaphore_mem>>, %arg18: memref<!tpu.dma_semaphore, #tpu.memory_space<semaphore_mem>>) attributes {dimension_semantics = [#tpu.dimension_semantics<core_parallel>, #tpu.dimension_semantics<subcore_parallel>], iteration_bounds = array<i64: 2, 16>, scalar_prefetch = 0 : i64, scratch_operands = 14 : i64, tpu.core_type = #tpu.core_type<sc_vector_subcore>, window_params = [{transform_indices = #map}, {transform_indices = #map1}, {transform_indices = #map}]} {
    %mul3A = arith.constant 2 : i32
    %mul3A_0 = arith.muli %arg1, %mul3A : i32
    %add3A = arith.addi %mul3A_0, %arg0 : i32
    %mul3A_1 = arith.constant 5000 : i32
    %mul3A_2 = arith.muli %add3A, %mul3A_1 : i32
    "tpu.region"() ({
      %run_scoped3A = tpu.sem_alloc : memref<!tpu.dma_semaphore, #tpu.memory_space<semaphore_mem>>
      %dma_start3A_132 = arith.constant 0 : i32
      %dma_start3A_133 = arith.constant 0 : i32
      %dma_start3A_134 = tpu.memref_slice %arg3[%add3A, %dma_start3A_132, %dma_start3A_133] : memref<32x42x120xi32, #tpu.memory_space<hbm>> -> memref<1x42x120xi32, #tpu.memory_space<hbm>>
      %dma_start3A_135 = tpu.memref_squeeze %dma_start3A_134 : memref<1x42x120xi32, #tpu.memory_space<hbm>> -> memref<42x120xi32, #tpu.memory_space<hbm>>
      %dma_start3A_136 = arith.constant 0 : i32
      %dma_start3A_137 = arith.constant 0 : i32
      %dma_start3A_138 = tpu.memref_slice %arg3[%add3A, %dma_start3A_136, %dma_start3A_137] : memref<32x42x120xi32, #tpu.memory_space<hbm>> -> memref<1x42x120xi32, #tpu.memory_space<hbm>>
      %dma_start3A_139 = tpu.memref_squeeze %dma_start3A_138 : memref<1x42x120xi32, #tpu.memory_space<hbm>> -> memref<42x120xi32, #tpu.memory_space<hbm>>
      tpu.enqueue_dma source(%dma_start3A_139 : memref<42x120xi32, #tpu.memory_space<hbm>>) target(%arg5 : memref<42x120xi32, #tpu.memory_space<vmem>>) target_semaphore(%run_scoped3A : memref<!tpu.dma_semaphore, #tpu.memory_space<semaphore_mem>>)
      %dma_wait3A_140 = arith.constant 0 : i32
      %dma_wait3A_141 = arith.constant 0 : i32
      %dma_wait3A_142 = tpu.memref_slice %arg3[%add3A, %dma_wait3A_140, %dma_wait3A_141] : memref<32x42x120xi32, #tpu.memory_space<hbm>> -> memref<1x42x120xi32, #tpu.memory_space<hbm>>
      %dma_wait3A_143 = tpu.memref_squeeze %dma_wait3A_142 : memref<1x42x120xi32, #tpu.memory_space<hbm>> -> memref<42x120xi32, #tpu.memory_space<hbm>>
      %dma_wait3A_144 = arith.constant 0 : i32
      %dma_wait3A_145 = arith.constant 0 : i32
      %dma_wait3A_146 = tpu.memref_slice %arg3[%add3A, %dma_wait3A_144, %dma_wait3A_145] : memref<32x42x120xi32, #tpu.memory_space<hbm>> -> memref<1x42x120xi32, #tpu.memory_space<hbm>>
      %dma_wait3A_147 = tpu.memref_squeeze %dma_wait3A_146 : memref<1x42x120xi32, #tpu.memory_space<hbm>> -> memref<42x120xi32, #tpu.memory_space<hbm>>
      tpu.wait_dma2 semaphore(%run_scoped3A : memref<!tpu.dma_semaphore, #tpu.memory_space<semaphore_mem>>) src(%dma_wait3A_147 : memref<42x120xi32, #tpu.memory_space<hbm>>) dst(%arg5 : memref<42x120xi32, #tpu.memory_space<vmem>>)
      tpu.yield
    }) : () -> ()
    %dma_start3A = arith.constant 0 : i32
    %dma_start3A_3 = arith.constant 0 : i32
    %dma_start3A_4 = arith.constant 0 : i32
    %dma_start3A_5 = arith.constant 0 : i32
    %dma_start3A_6 = tpu.memref_slice %arg6[%dma_start3A_3, %dma_start3A_4, %dma_start3A_5] : memref<6x120x128xf32, #tpu.memory_space<vmem>> -> memref<1x120x128xf32, #tpu.memory_space<vmem>>
    %dma_start3A_7 = tpu.memref_squeeze %dma_start3A_6 : memref<1x120x128xf32, #tpu.memory_space<vmem>> -> memref<120x128xf32, #tpu.memory_space<vmem>>
    %dma_start3A_8 = arith.constant 0 : i32
    %dma_start3A_9 = tpu.memref_slice %arg5[%dma_start3A, %dma_start3A_8] : memref<42x120xi32, #tpu.memory_space<vmem>> -> memref<1x120xi32, #tpu.memory_space<vmem>>
    %dma_start3A_10 = tpu.memref_squeeze %dma_start3A_9 : memref<1x120xi32, #tpu.memory_space<vmem>> -> memref<120xi32, #tpu.memory_space<vmem>>
    %dma_start3A_11 = arith.constant 0 : i32
    %dma_start3A_12 = arith.constant 0 : i32
    %dma_start3A_13 = tpu.memref_slice %arg2[%dma_start3A_11, %dma_start3A_12] : memref<10000x128xf32, #tpu.memory_space<hbm>> -> memref<10000x128xf32, #tpu.memory_space<hbm>>
    tpu.enqueue_indirect_dma source(%dma_start3A_13 : memref<10000x128xf32, #tpu.memory_space<hbm>>) target(%dma_start3A_7 : memref<120x128xf32, #tpu.memory_space<vmem>>) offsets(%dma_start3A_10 : memref<120xi32, #tpu.memory_space<vmem>>) semaphore(%arg7 : memref<!tpu.dma_semaphore, #tpu.memory_space<semaphore_mem>>)
    %dma_start3A_14 = arith.constant 1 : i32
    %dma_start3A_15 = arith.constant 1 : i32
    %dma_start3A_16 = arith.constant 0 : i32
    %dma_start3A_17 = arith.constant 0 : i32
    %dma_start3A_18 = tpu.memref_slice %arg6[%dma_start3A_15, %dma_start3A_16, %dma_start3A_17] : memref<6x120x128xf32, #tpu.memory_space<vmem>> -> memref<1x120x128xf32, #tpu.memory_space<vmem>>
    %dma_start3A_19 = tpu.memref_squeeze %dma_start3A_18 : memref<1x120x128xf32, #tpu.memory_space<vmem>> -> memref<120x128xf32, #tpu.memory_space<vmem>>
    %dma_start3A_20 = arith.constant 0 : i32
    %dma_start3A_21 = tpu.memref_slice %arg5[%dma_start3A_14, %dma_start3A_20] : memref<42x120xi32, #tpu.memory_space<vmem>> -> memref<1x120xi32, #tpu.memory_space<vmem>>
    %dma_start3A_22 = tpu.memref_squeeze %dma_start3A_21 : memref<1x120xi32, #tpu.memory_space<vmem>> -> memref<120xi32, #tpu.memory_space<vmem>>
    %dma_start3A_23 = arith.constant 0 : i32
    %dma_start3A_24 = arith.constant 0 : i32
    %dma_start3A_25 = tpu.memref_slice %arg2[%dma_start3A_23, %dma_start3A_24] : memref<10000x128xf32, #tpu.memory_space<hbm>> -> memref<10000x128xf32, #tpu.memory_space<hbm>>
    tpu.enqueue_indirect_dma source(%dma_start3A_25 : memref<10000x128xf32, #tpu.memory_space<hbm>>) target(%dma_start3A_19 : memref<120x128xf32, #tpu.memory_space<vmem>>) offsets(%dma_start3A_22 : memref<120xi32, #tpu.memory_space<vmem>>) semaphore(%arg8 : memref<!tpu.dma_semaphore, #tpu.memory_space<semaphore_mem>>)
    %dma_start3A_26 = arith.constant 2 : i32
    %dma_start3A_27 = arith.constant 2 : i32
    %dma_start3A_28 = arith.constant 0 : i32
    %dma_start3A_29 = arith.constant 0 : i32
    %dma_start3A_30 = tpu.memref_slice %arg6[%dma_start3A_27, %dma_start3A_28, %dma_start3A_29] : memref<6x120x128xf32, #tpu.memory_space<vmem>> -> memref<1x120x128xf32, #tpu.memory_space<vmem>>
    %dma_start3A_31 = tpu.memref_squeeze %dma_start3A_30 : memref<1x120x128xf32, #tpu.memory_space<vmem>> -> memref<120x128xf32, #tpu.memory_space<vmem>>
    %dma_start3A_32 = arith.constant 0 : i32
    %dma_start3A_33 = tpu.memref_slice %arg5[%dma_start3A_26, %dma_start3A_32] : memref<42x120xi32, #tpu.memory_space<vmem>> -> memref<1x120xi32, #tpu.memory_space<vmem>>
    %dma_start3A_34 = tpu.memref_squeeze %dma_start3A_33 : memref<1x120xi32, #tpu.memory_space<vmem>> -> memref<120xi32, #tpu.memory_space<vmem>>
    %dma_start3A_35 = arith.constant 0 : i32
    %dma_start3A_36 = arith.constant 0 : i32
    %dma_start3A_37 = tpu.memref_slice %arg2[%dma_start3A_35, %dma_start3A_36] : memref<10000x128xf32, #tpu.memory_space<hbm>> -> memref<10000x128xf32, #tpu.memory_space<hbm>>
    tpu.enqueue_indirect_dma source(%dma_start3A_37 : memref<10000x128xf32, #tpu.memory_space<hbm>>) target(%dma_start3A_31 : memref<120x128xf32, #tpu.memory_space<vmem>>) offsets(%dma_start3A_34 : memref<120xi32, #tpu.memory_space<vmem>>) semaphore(%arg9 : memref<!tpu.dma_semaphore, #tpu.memory_space<semaphore_mem>>)
    %scan3A = arith.constant 0 : i32
    %scan3A_38 = arith.constant 0 : i32
    %scan3A_39 = arith.constant 7 : i32
    %scan3A_40 = arith.addi %scan3A_38, %scan3A_39 : i32
    %scan3A_41 = arith.constant 1 : i32
    scf.for %scan3A_132 = %scan3A_38 to %scan3A_40 step %scan3A_41  : i32 {
      %mul3A_133 = arith.constant 6 : i32
      %mul3A_134 = arith.muli %scan3A_132, %mul3A_133 : i32
      %add3A_135 = arith.constant 0 : i32
      %add3A_136 = arith.addi %mul3A_134, %add3A_135 : i32
      %dma_wait3A_137 = arith.constant 0 : i32
      %dma_wait3A_138 = arith.constant 0 : i32
      %dma_wait3A_139 = arith.constant 0 : i32
      %dma_wait3A_140 = tpu.memref_slice %arg6[%dma_wait3A_137, %dma_wait3A_138, %dma_wait3A_139] : memref<6x120x128xf32, #tpu.memory_space<vmem>> -> memref<1x120x128xf32, #tpu.memory_space<vmem>>
      %dma_wait3A_141 = tpu.memref_squeeze %dma_wait3A_140 : memref<1x120x128xf32, #tpu.memory_space<vmem>> -> memref<120x128xf32, #tpu.memory_space<vmem>>
      %dma_wait3A_142 = arith.constant 0 : i32
      %dma_wait3A_143 = tpu.memref_slice %arg5[%add3A_136, %dma_wait3A_142] : memref<42x120xi32, #tpu.memory_space<vmem>> -> memref<1x120xi32, #tpu.memory_space<vmem>>
      %dma_wait3A_144 = tpu.memref_squeeze %dma_wait3A_143 : memref<1x120xi32, #tpu.memory_space<vmem>> -> memref<120xi32, #tpu.memory_space<vmem>>
      %dma_wait3A_145 = arith.constant 0 : i32
      %dma_wait3A_146 = arith.constant 0 : i32
      %dma_wait3A_147 = tpu.memref_slice %arg2[%dma_wait3A_145, %dma_wait3A_146] : memref<10000x128xf32, #tpu.memory_space<hbm>> -> memref<10000x128xf32, #tpu.memory_space<hbm>>
      tpu.wait_indirect_dma semaphore(%arg7 : memref<!tpu.dma_semaphore, #tpu.memory_space<semaphore_mem>>) src(%dma_wait3A_147 : memref<10000x128xf32, #tpu.memory_space<hbm>>) dst(%dma_wait3A_141 : memref<120x128xf32, #tpu.memory_space<vmem>>)
      %mul3A_148 = arith.constant 120 : i32
      %mul3A_149 = arith.muli %add3A_136, %mul3A_148 : i32
      %add3A_150 = arith.addi %mul3A_2, %mul3A_149 : i32
      %dma_start3A_151 = arith.constant 0 : i32
      %dma_start3A_152 = arith.constant 0 : i32
      %dma_start3A_153 = arith.constant 0 : i32
      %dma_start3A_154 = tpu.memref_slice %arg6[%dma_start3A_151, %dma_start3A_152, %dma_start3A_153] : memref<6x120x128xf32, #tpu.memory_space<vmem>> -> memref<1x120x128xf32, #tpu.memory_space<vmem>>
      %dma_start3A_155 = tpu.memref_squeeze %dma_start3A_154 : memref<1x120x128xf32, #tpu.memory_space<vmem>> -> memref<120x128xf32, #tpu.memory_space<vmem>>
      %dma_start3A_156 = arith.constant 0 : i32
      %dma_start3A_157 = tpu.memref_slice %arg4[%add3A_150, %dma_start3A_156] : memref<160000x128xf32, #tpu.memory_space<hbm>> -> memref<120x128xf32, #tpu.memory_space<hbm>>
      %dma_start3A_158 = arith.constant 0 : i32
      %dma_start3A_159 = tpu.memref_slice %arg4[%add3A_150, %dma_start3A_158] : memref<160000x128xf32, #tpu.memory_space<hbm>> -> memref<120x128xf32, #tpu.memory_space<hbm>>
      %dma_start3A_160 = arith.constant 0 : i32
      %dma_start3A_161 = arith.constant 0 : i32
      %dma_start3A_162 = tpu.memref_slice %arg6[%dma_start3A_151, %dma_start3A_160, %dma_start3A_161] : memref<6x120x128xf32, #tpu.memory_space<vmem>> -> memref<1x120x128xf32, #tpu.memory_space<vmem>>
      %dma_start3A_163 = tpu.memref_squeeze %dma_start3A_162 : memref<1x120x128xf32, #tpu.memory_space<vmem>> -> memref<120x128xf32, #tpu.memory_space<vmem>>
      tpu.enqueue_dma source(%dma_start3A_163 : memref<120x128xf32, #tpu.memory_space<vmem>>) target(%dma_start3A_159 : memref<120x128xf32, #tpu.memory_space<hbm>>) target_semaphore(%arg13 : memref<!tpu.dma_semaphore, #tpu.memory_space<semaphore_mem>>)
      %add3A_164 = arith.constant 3 : i32
      %add3A_165 = arith.addi %add3A_136, %add3A_164 : i32
      %ge3A = arith.constant 1 : i32
      %ge3A_166 = arith.cmpi sge, %scan3A_132, %ge3A : i32
      %convert_element_type3A = arith.extui %ge3A_166 : i1 to i32
      %cond3A = arith.constant 0 : i32
      %cond3A_167 = arith.cmpi ne, %convert_element_type3A, %cond3A : i32
      scf.if %cond3A_167 {
        %add3A_383 = arith.constant 0 : i32
        %add3A_384 = arith.addi %mul3A_2, %add3A_383 : i32
        %dma_wait3A_385 = arith.constant 3 : i32
        %dma_wait3A_386 = arith.constant 0 : i32
        %dma_wait3A_387 = arith.constant 0 : i32
        %dma_wait3A_388 = tpu.memref_slice %arg6[%dma_wait3A_385, %dma_wait3A_386, %dma_wait3A_387] : memref<6x120x128xf32, #tpu.memory_space<vmem>> -> memref<1x120x128xf32, #tpu.memory_space<vmem>>
        %dma_wait3A_389 = tpu.memref_squeeze %dma_wait3A_388 : memref<1x120x128xf32, #tpu.memory_space<vmem>> -> memref<120x128xf32, #tpu.memory_space<vmem>>
        %dma_wait3A_390 = arith.constant 0 : i32
        %dma_wait3A_391 = tpu.memref_slice %arg4[%add3A_384, %dma_wait3A_390] : memref<160000x128xf32, #tpu.memory_space<hbm>> -> memref<120x128xf32, #tpu.memory_space<hbm>>
        %dma_wait3A_392 = arith.constant 0 : i32
        %dma_wait3A_393 = tpu.memref_slice %arg4[%add3A_384, %dma_wait3A_392] : memref<160000x128xf32, #tpu.memory_space<hbm>> -> memref<120x128xf32, #tpu.memory_space<hbm>>
        %dma_wait3A_394 = arith.constant 0 : i32
        %dma_wait3A_395 = arith.constant 0 : i32
        %dma_wait3A_396 = tpu.memref_slice %arg6[%dma_wait3A_385, %dma_wait3A_394, %dma_wait3A_395] : memref<6x120x128xf32, #tpu.memory_space<vmem>> -> memref<1x120x128xf32, #tpu.memory_space<vmem>>
        %dma_wait3A_397 = tpu.memref_squeeze %dma_wait3A_396 : memref<1x120x128xf32, #tpu.memory_space<vmem>> -> memref<120x128xf32, #tpu.memory_space<vmem>>
        tpu.wait_dma2 semaphore(%arg16 : memref<!tpu.dma_semaphore, #tpu.memory_space<semaphore_mem>>) src(%dma_wait3A_397 : memref<120x128xf32, #tpu.memory_space<vmem>>) dst(%dma_wait3A_393 : memref<120x128xf32, #tpu.memory_space<hbm>>)
      } else {
      }
      %dma_start3A_168 = arith.constant 3 : i32
      %dma_start3A_169 = arith.constant 0 : i32
      %dma_start3A_170 = arith.constant 0 : i32
      %dma_start3A_171 = tpu.memref_slice %arg6[%dma_start3A_168, %dma_start3A_169, %dma_start3A_170] : memref<6x120x128xf32, #tpu.memory_space<vmem>> -> memref<1x120x128xf32, #tpu.memory_space<vmem>>
      %dma_start3A_172 = tpu.memref_squeeze %dma_start3A_171 : memref<1x120x128xf32, #tpu.memory_space<vmem>> -> memref<120x128xf32, #tpu.memory_space<vmem>>
      %dma_start3A_173 = arith.constant 0 : i32
      %dma_start3A_174 = tpu.memref_slice %arg5[%add3A_165, %dma_start3A_173] : memref<42x120xi32, #tpu.memory_space<vmem>> -> memref<1x120xi32, #tpu.memory_space<vmem>>
      %dma_start3A_175 = tpu.memref_squeeze %dma_start3A_174 : memref<1x120xi32, #tpu.memory_space<vmem>> -> memref<120xi32, #tpu.memory_space<vmem>>
      %dma_start3A_176 = arith.constant 0 : i32
      %dma_start3A_177 = arith.constant 0 : i32
      %dma_start3A_178 = tpu.memref_slice %arg2[%dma_start3A_176, %dma_start3A_177] : memref<10000x128xf32, #tpu.memory_space<hbm>> -> memref<10000x128xf32, #tpu.memory_space<hbm>>
      tpu.enqueue_indirect_dma source(%dma_start3A_178 : memref<10000x128xf32, #tpu.memory_space<hbm>>) target(%dma_start3A_172 : memref<120x128xf32, #tpu.memory_space<vmem>>) offsets(%dma_start3A_175 : memref<120xi32, #tpu.memory_space<vmem>>) semaphore(%arg10 : memref<!tpu.dma_semaphore, #tpu.memory_space<semaphore_mem>>)
      %mul3A_179 = arith.constant 6 : i32
      %mul3A_180 = arith.muli %scan3A_132, %mul3A_179 : i32
      %add3A_181 = arith.constant 1 : i32
      %add3A_182 = arith.addi %mul3A_180, %add3A_181 : i32
      %dma_wait3A_183 = arith.constant 1 : i32
      %dma_wait3A_184 = arith.constant 0 : i32
      %dma_wait3A_185 = arith.constant 0 : i32
      %dma_wait3A_186 = tpu.memref_slice %arg6[%dma_wait3A_183, %dma_wait3A_184, %dma_wait3A_185] : memref<6x120x128xf32, #tpu.memory_space<vmem>> -> memref<1x120x128xf32, #tpu.memory_space<vmem>>
      %dma_wait3A_187 = tpu.memref_squeeze %dma_wait3A_186 : memref<1x120x128xf32, #tpu.memory_space<vmem>> -> memref<120x128xf32, #tpu.memory_space<vmem>>
      %dma_wait3A_188 = arith.constant 0 : i32
      %dma_wait3A_189 = tpu.memref_slice %arg5[%add3A_182, %dma_wait3A_188] : memref<42x120xi32, #tpu.memory_space<vmem>> -> memref<1x120xi32, #tpu.memory_space<vmem>>
      %dma_wait3A_190 = tpu.memref_squeeze %dma_wait3A_189 : memref<1x120xi32, #tpu.memory_space<vmem>> -> memref<120xi32, #tpu.memory_space<vmem>>
      %dma_wait3A_191 = arith.constant 0 : i32
      %dma_wait3A_192 = arith.constant 0 : i32
      %dma_wait3A_193 = tpu.memref_slice %arg2[%dma_wait3A_191, %dma_wait3A_192] : memref<10000x128xf32, #tpu.memory_space<hbm>> -> memref<10000x128xf32, #tpu.memory_space<hbm>>
      tpu.wait_indirect_dma semaphore(%arg8 : memref<!tpu.dma_semaphore, #tpu.memory_space<semaphore_mem>>) src(%dma_wait3A_193 : memref<10000x128xf32, #tpu.memory_space<hbm>>) dst(%dma_wait3A_187 : memref<120x128xf32, #tpu.memory_space<vmem>>)
      %mul3A_194 = arith.constant 120 : i32
      %mul3A_195 = arith.muli %add3A_182, %mul3A_194 : i32
      %add3A_196 = arith.addi %mul3A_2, %mul3A_195 : i32
      %dma_start3A_197 = arith.constant 1 : i32
      %dma_start3A_198 = arith.constant 0 : i32
      %dma_start3A_199 = arith.constant 0 : i32
      %dma_start3A_200 = tpu.memref_slice %arg6[%dma_start3A_197, %dma_start3A_198, %dma_start3A_199] : memref<6x120x128xf32, #tpu.memory_space<vmem>> -> memref<1x120x128xf32, #tpu.memory_space<vmem>>
      %dma_start3A_201 = tpu.memref_squeeze %dma_start3A_200 : memref<1x120x128xf32, #tpu.memory_space<vmem>> -> memref<120x128xf32, #tpu.memory_space<vmem>>
      %dma_start3A_202 = arith.constant 0 : i32
      %dma_start3A_203 = tpu.memref_slice %arg4[%add3A_196, %dma_start3A_202] : memref<160000x128xf32, #tpu.memory_space<hbm>> -> memref<120x128xf32, #tpu.memory_space<hbm>>
      %dma_start3A_204 = arith.constant 0 : i32
      %dma_start3A_205 = tpu.memref_slice %arg4[%add3A_196, %dma_start3A_204] : memref<160000x128xf32, #tpu.memory_space<hbm>> -> memref<120x128xf32, #tpu.memory_space<hbm>>
      %dma_start3A_206 = arith.constant 0 : i32
      %dma_start3A_207 = arith.constant 0 : i32
      %dma_start3A_208 = tpu.memref_slice %arg6[%dma_start3A_197, %dma_start3A_206, %dma_start3A_207] : memref<6x120x128xf32, #tpu.memory_space<vmem>> -> memref<1x120x128xf32, #tpu.memory_space<vmem>>
      %dma_start3A_209 = tpu.memref_squeeze %dma_start3A_208 : memref<1x120x128xf32, #tpu.memory_space<vmem>> -> memref<120x128xf32, #tpu.memory_space<vmem>>
      tpu.enqueue_dma source(%dma_start3A_209 : memref<120x128xf32, #tpu.memory_space<vmem>>) target(%dma_start3A_205 : memref<120x128xf32, #tpu.memory_space<hbm>>) target_semaphore(%arg14 : memref<!tpu.dma_semaphore, #tpu.memory_space<semaphore_mem>>)
      %add3A_210 = arith.constant 3 : i32
      %add3A_211 = arith.addi %add3A_182, %add3A_210 : i32
      %ge3A_212 = arith.constant 1 : i32
      %ge3A_213 = arith.cmpi sge, %scan3A_132, %ge3A_212 : i32
      %convert_element_type3A_214 = arith.extui %ge3A_213 : i1 to i32
      %cond3A_215 = arith.constant 0 : i32
      %cond3A_216 = arith.cmpi ne, %convert_element_type3A_214, %cond3A_215 : i32
      scf.if %cond3A_216 {
        %add3A_383 = arith.constant 0 : i32
        %add3A_384 = arith.addi %mul3A_2, %add3A_383 : i32
        %dma_wait3A_385 = arith.constant 4 : i32
        %dma_wait3A_386 = arith.constant 0 : i32
        %dma_wait3A_387 = arith.constant 0 : i32
        %dma_wait3A_388 = tpu.memref_slice %arg6[%dma_wait3A_385, %dma_wait3A_386, %dma_wait3A_387] : memref<6x120x128xf32, #tpu.memory_space<vmem>> -> memref<1x120x128xf32, #tpu.memory_space<vmem>>
        %dma_wait3A_389 = tpu.memref_squeeze %dma_wait3A_388 : memref<1x120x128xf32, #tpu.memory_space<vmem>> -> memref<120x128xf32, #tpu.memory_space<vmem>>
        %dma_wait3A_390 = arith.constant 0 : i32
        %dma_wait3A_391 = tpu.memref_slice %arg4[%add3A_384, %dma_wait3A_390] : memref<160000x128xf32, #tpu.memory_space<hbm>> -> memref<120x128xf32, #tpu.memory_space<hbm>>
        %dma_wait3A_392 = arith.constant 0 : i32
        %dma_wait3A_393 = tpu.memref_slice %arg4[%add3A_384, %dma_wait3A_392] : memref<160000x128xf32, #tpu.memory_space<hbm>> -> memref<120x128xf32, #tpu.memory_space<hbm>>
        %dma_wait3A_394 = arith.constant 0 : i32
        %dma_wait3A_395 = arith.constant 0 : i32
        %dma_wait3A_396 = tpu.memref_slice %arg6[%dma_wait3A_385, %dma_wait3A_394, %dma_wait3A_395] : memref<6x120x128xf32, #tpu.memory_space<vmem>> -> memref<1x120x128xf32, #tpu.memory_space<vmem>>
        %dma_wait3A_397 = tpu.memref_squeeze %dma_wait3A_396 : memref<1x120x128xf32, #tpu.memory_space<vmem>> -> memref<120x128xf32, #tpu.memory_space<vmem>>
        tpu.wait_dma2 semaphore(%arg17 : memref<!tpu.dma_semaphore, #tpu.memory_space<semaphore_mem>>) src(%dma_wait3A_397 : memref<120x128xf32, #tpu.memory_space<vmem>>) dst(%dma_wait3A_393 : memref<120x128xf32, #tpu.memory_space<hbm>>)
      } else {
      }
      %dma_start3A_217 = arith.constant 4 : i32
      %dma_start3A_218 = arith.constant 0 : i32
      %dma_start3A_219 = arith.constant 0 : i32
      %dma_start3A_220 = tpu.memref_slice %arg6[%dma_start3A_217, %dma_start3A_218, %dma_start3A_219] : memref<6x120x128xf32, #tpu.memory_space<vmem>> -> memref<1x120x128xf32, #tpu.memory_space<vmem>>
      %dma_start3A_221 = tpu.memref_squeeze %dma_start3A_220 : memref<1x120x128xf32, #tpu.memory_space<vmem>> -> memref<120x128xf32, #tpu.memory_space<vmem>>
      %dma_start3A_222 = arith.constant 0 : i32
      %dma_start3A_223 = tpu.memref_slice %arg5[%add3A_211, %dma_start3A_222] : memref<42x120xi32, #tpu.memory_space<vmem>> -> memref<1x120xi32, #tpu.memory_space<vmem>>
      %dma_start3A_224 = tpu.memref_squeeze %dma_start3A_223 : memref<1x120xi32, #tpu.memory_space<vmem>> -> memref<120xi32, #tpu.memory_space<vmem>>
      %dma_start3A_225 = arith.constant 0 : i32
      %dma_start3A_226 = arith.constant 0 : i32
      %dma_start3A_227 = tpu.memref_slice %arg2[%dma_start3A_225, %dma_start3A_226] : memref<10000x128xf32, #tpu.memory_space<hbm>> -> memref<10000x128xf32, #tpu.memory_space<hbm>>
      tpu.enqueue_indirect_dma source(%dma_start3A_227 : memref<10000x128xf32, #tpu.memory_space<hbm>>) target(%dma_start3A_221 : memref<120x128xf32, #tpu.memory_space<vmem>>) offsets(%dma_start3A_224 : memref<120xi32, #tpu.memory_space<vmem>>) semaphore(%arg11 : memref<!tpu.dma_semaphore, #tpu.memory_space<semaphore_mem>>)
      %mul3A_228 = arith.constant 6 : i32
      %mul3A_229 = arith.muli %scan3A_132, %mul3A_228 : i32
      %add3A_230 = arith.constant 2 : i32
      %add3A_231 = arith.addi %mul3A_229, %add3A_230 : i32
      %dma_wait3A_232 = arith.constant 2 : i32
      %dma_wait3A_233 = arith.constant 0 : i32
      %dma_wait3A_234 = arith.constant 0 : i32
      %dma_wait3A_235 = tpu.memref_slice %arg6[%dma_wait3A_232, %dma_wait3A_233, %dma_wait3A_234] : memref<6x120x128xf32, #tpu.memory_space<vmem>> -> memref<1x120x128xf32, #tpu.memory_space<vmem>>
      %dma_wait3A_236 = tpu.memref_squeeze %dma_wait3A_235 : memref<1x120x128xf32, #tpu.memory_space<vmem>> -> memref<120x128xf32, #tpu.memory_space<vmem>>
      %dma_wait3A_237 = arith.constant 0 : i32
      %dma_wait3A_238 = tpu.memref_slice %arg5[%add3A_231, %dma_wait3A_237] : memref<42x120xi32, #tpu.memory_space<vmem>> -> memref<1x120xi32, #tpu.memory_space<vmem>>
      %dma_wait3A_239 = tpu.memref_squeeze %dma_wait3A_238 : memref<1x120xi32, #tpu.memory_space<vmem>> -> memref<120xi32, #tpu.memory_space<vmem>>
      %dma_wait3A_240 = arith.constant 0 : i32
      %dma_wait3A_241 = arith.constant 0 : i32
      %dma_wait3A_242 = tpu.memref_slice %arg2[%dma_wait3A_240, %dma_wait3A_241] : memref<10000x128xf32, #tpu.memory_space<hbm>> -> memref<10000x128xf32, #tpu.memory_space<hbm>>
      tpu.wait_indirect_dma semaphore(%arg9 : memref<!tpu.dma_semaphore, #tpu.memory_space<semaphore_mem>>) src(%dma_wait3A_242 : memref<10000x128xf32, #tpu.memory_space<hbm>>) dst(%dma_wait3A_236 : memref<120x128xf32, #tpu.memory_space<vmem>>)
      %mul3A_243 = arith.constant 120 : i32
      %mul3A_244 = arith.muli %add3A_231, %mul3A_243 : i32
      %add3A_245 = arith.addi %mul3A_2, %mul3A_244 : i32
      %dma_start3A_246 = arith.constant 2 : i32
      %dma_start3A_247 = arith.constant 0 : i32
      %dma_start3A_248 = arith.constant 0 : i32
      %dma_start3A_249 = tpu.memref_slice %arg6[%dma_start3A_246, %dma_start3A_247, %dma_start3A_248] : memref<6x120x128xf32, #tpu.memory_space<vmem>> -> memref<1x120x128xf32, #tpu.memory_space<vmem>>
      %dma_start3A_250 = tpu.memref_squeeze %dma_start3A_249 : memref<1x120x128xf32, #tpu.memory_space<vmem>> -> memref<120x128xf32, #tpu.memory_space<vmem>>
      %dma_start3A_251 = arith.constant 0 : i32
      %dma_start3A_252 = tpu.memref_slice %arg4[%add3A_245, %dma_start3A_251] : memref<160000x128xf32, #tpu.memory_space<hbm>> -> memref<120x128xf32, #tpu.memory_space<hbm>>
      %dma_start3A_253 = arith.constant 0 : i32
      %dma_start3A_254 = tpu.memref_slice %arg4[%add3A_245, %dma_start3A_253] : memref<160000x128xf32, #tpu.memory_space<hbm>> -> memref<120x128xf32, #tpu.memory_space<hbm>>
      %dma_start3A_255 = arith.constant 0 : i32
      %dma_start3A_256 = arith.constant 0 : i32
      %dma_start3A_257 = tpu.memref_slice %arg6[%dma_start3A_246, %dma_start3A_255, %dma_start3A_256] : memref<6x120x128xf32, #tpu.memory_space<vmem>> -> memref<1x120x128xf32, #tpu.memory_space<vmem>>
      %dma_start3A_258 = tpu.memref_squeeze %dma_start3A_257 : memref<1x120x128xf32, #tpu.memory_space<vmem>> -> memref<120x128xf32, #tpu.memory_space<vmem>>
      tpu.enqueue_dma source(%dma_start3A_258 : memref<120x128xf32, #tpu.memory_space<vmem>>) target(%dma_start3A_254 : memref<120x128xf32, #tpu.memory_space<hbm>>) target_semaphore(%arg15 : memref<!tpu.dma_semaphore, #tpu.memory_space<semaphore_mem>>)
      %add3A_259 = arith.constant 3 : i32
      %add3A_260 = arith.addi %add3A_231, %add3A_259 : i32
      %ge3A_261 = arith.constant 1 : i32
      %ge3A_262 = arith.cmpi sge, %scan3A_132, %ge3A_261 : i32
      %convert_element_type3A_263 = arith.extui %ge3A_262 : i1 to i32
      %cond3A_264 = arith.constant 0 : i32
      %cond3A_265 = arith.cmpi ne, %convert_element_type3A_263, %cond3A_264 : i32
      scf.if %cond3A_265 {
        %add3A_383 = arith.constant 0 : i32
        %add3A_384 = arith.addi %mul3A_2, %add3A_383 : i32
        %dma_wait3A_385 = arith.constant 5 : i32
        %dma_wait3A_386 = arith.constant 0 : i32
        %dma_wait3A_387 = arith.constant 0 : i32
        %dma_wait3A_388 = tpu.memref_slice %arg6[%dma_wait3A_385, %dma_wait3A_386, %dma_wait3A_387] : memref<6x120x128xf32, #tpu.memory_space<vmem>> -> memref<1x120x128xf32, #tpu.memory_space<vmem>>
        %dma_wait3A_389 = tpu.memref_squeeze %dma_wait3A_388 : memref<1x120x128xf32, #tpu.memory_space<vmem>> -> memref<120x128xf32, #tpu.memory_space<vmem>>
        %dma_wait3A_390 = arith.constant 0 : i32
        %dma_wait3A_391 = tpu.memref_slice %arg4[%add3A_384, %dma_wait3A_390] : memref<160000x128xf32, #tpu.memory_space<hbm>> -> memref<120x128xf32, #tpu.memory_space<hbm>>
        %dma_wait3A_392 = arith.constant 0 : i32
        %dma_wait3A_393 = tpu.memref_slice %arg4[%add3A_384, %dma_wait3A_392] : memref<160000x128xf32, #tpu.memory_space<hbm>> -> memref<120x128xf32, #tpu.memory_space<hbm>>
        %dma_wait3A_394 = arith.constant 0 : i32
        %dma_wait3A_395 = arith.constant 0 : i32
        %dma_wait3A_396 = tpu.memref_slice %arg6[%dma_wait3A_385, %dma_wait3A_394, %dma_wait3A_395] : memref<6x120x128xf32, #tpu.memory_space<vmem>> -> memref<1x120x128xf32, #tpu.memory_space<vmem>>
        %dma_wait3A_397 = tpu.memref_squeeze %dma_wait3A_396 : memref<1x120x128xf32, #tpu.memory_space<vmem>> -> memref<120x128xf32, #tpu.memory_space<vmem>>
        tpu.wait_dma2 semaphore(%arg18 : memref<!tpu.dma_semaphore, #tpu.memory_space<semaphore_mem>>) src(%dma_wait3A_397 : memref<120x128xf32, #tpu.memory_space<vmem>>) dst(%dma_wait3A_393 : memref<120x128xf32, #tpu.memory_space<hbm>>)
      } else {
      }
      %dma_start3A_266 = arith.constant 5 : i32
      %dma_start3A_267 = arith.constant 0 : i32
      %dma_start3A_268 = arith.constant 0 : i32
      %dma_start3A_269 = tpu.memref_slice %arg6[%dma_start3A_266, %dma_start3A_267, %dma_start3A_268] : memref<6x120x128xf32, #tpu.memory_space<vmem>> -> memref<1x120x128xf32, #tpu.memory_space<vmem>>
      %dma_start3A_270 = tpu.memref_squeeze %dma_start3A_269 : memref<1x120x128xf32, #tpu.memory_space<vmem>> -> memref<120x128xf32, #tpu.memory_space<vmem>>
      %dma_start3A_271 = arith.constant 0 : i32
      %dma_start3A_272 = tpu.memref_slice %arg5[%add3A_260, %dma_start3A_271] : memref<42x120xi32, #tpu.memory_space<vmem>> -> memref<1x120xi32, #tpu.memory_space<vmem>>
      %dma_start3A_273 = tpu.memref_squeeze %dma_start3A_272 : memref<1x120xi32, #tpu.memory_space<vmem>> -> memref<120xi32, #tpu.memory_space<vmem>>
      %dma_start3A_274 = arith.constant 0 : i32
      %dma_start3A_275 = arith.constant 0 : i32
      %dma_start3A_276 = tpu.memref_slice %arg2[%dma_start3A_274, %dma_start3A_275] : memref<10000x128xf32, #tpu.memory_space<hbm>> -> memref<10000x128xf32, #tpu.memory_space<hbm>>
      tpu.enqueue_indirect_dma source(%dma_start3A_276 : memref<10000x128xf32, #tpu.memory_space<hbm>>) target(%dma_start3A_270 : memref<120x128xf32, #tpu.memory_space<vmem>>) offsets(%dma_start3A_273 : memref<120xi32, #tpu.memory_space<vmem>>) semaphore(%arg12 : memref<!tpu.dma_semaphore, #tpu.memory_space<semaphore_mem>>)
      %mul3A_277 = arith.constant 6 : i32
      %mul3A_278 = arith.muli %scan3A_132, %mul3A_277 : i32
      %add3A_279 = arith.constant 3 : i32
      %add3A_280 = arith.addi %mul3A_278, %add3A_279 : i32
      %dma_wait3A_281 = arith.constant 3 : i32
      %dma_wait3A_282 = arith.constant 0 : i32
      %dma_wait3A_283 = arith.constant 0 : i32
      %dma_wait3A_284 = tpu.memref_slice %arg6[%dma_wait3A_281, %dma_wait3A_282, %dma_wait3A_283] : memref<6x120x128xf32, #tpu.memory_space<vmem>> -> memref<1x120x128xf32, #tpu.memory_space<vmem>>
      %dma_wait3A_285 = tpu.memref_squeeze %dma_wait3A_284 : memref<1x120x128xf32, #tpu.memory_space<vmem>> -> memref<120x128xf32, #tpu.memory_space<vmem>>
      %dma_wait3A_286 = arith.constant 0 : i32
      %dma_wait3A_287 = tpu.memref_slice %arg5[%add3A_280, %dma_wait3A_286] : memref<42x120xi32, #tpu.memory_space<vmem>> -> memref<1x120xi32, #tpu.memory_space<vmem>>
      %dma_wait3A_288 = tpu.memref_squeeze %dma_wait3A_287 : memref<1x120xi32, #tpu.memory_space<vmem>> -> memref<120xi32, #tpu.memory_space<vmem>>
      %dma_wait3A_289 = arith.constant 0 : i32
      %dma_wait3A_290 = arith.constant 0 : i32
      %dma_wait3A_291 = tpu.memref_slice %arg2[%dma_wait3A_289, %dma_wait3A_290] : memref<10000x128xf32, #tpu.memory_space<hbm>> -> memref<10000x128xf32, #tpu.memory_space<hbm>>
      tpu.wait_indirect_dma semaphore(%arg10 : memref<!tpu.dma_semaphore, #tpu.memory_space<semaphore_mem>>) src(%dma_wait3A_291 : memref<10000x128xf32, #tpu.memory_space<hbm>>) dst(%dma_wait3A_285 : memref<120x128xf32, #tpu.memory_space<vmem>>)
      %mul3A_292 = arith.constant 120 : i32
      %mul3A_293 = arith.muli %add3A_280, %mul3A_292 : i32
      %add3A_294 = arith.addi %mul3A_2, %mul3A_293 : i32
      %dma_start3A_295 = arith.constant 3 : i32
      %dma_start3A_296 = arith.constant 0 : i32
      %dma_start3A_297 = arith.constant 0 : i32
      %dma_start3A_298 = tpu.memref_slice %arg6[%dma_start3A_295, %dma_start3A_296, %dma_start3A_297] : memref<6x120x128xf32, #tpu.memory_space<vmem>> -> memref<1x120x128xf32, #tpu.memory_space<vmem>>
      %dma_start3A_299 = tpu.memref_squeeze %dma_start3A_298 : memref<1x120x128xf32, #tpu.memory_space<vmem>> -> memref<120x128xf32, #tpu.memory_space<vmem>>
      %dma_start3A_300 = arith.constant 0 : i32
      %dma_start3A_301 = tpu.memref_slice %arg4[%add3A_294, %dma_start3A_300] : memref<160000x128xf32, #tpu.memory_space<hbm>> -> memref<120x128xf32, #tpu.memory_space<hbm>>
      %dma_start3A_302 = arith.constant 0 : i32
      %dma_start3A_303 = tpu.memref_slice %arg4[%add3A_294, %dma_start3A_302] : memref<160000x128xf32, #tpu.memory_space<hbm>> -> memref<120x128xf32, #tpu.memory_space<hbm>>
      %dma_start3A_304 = arith.constant 0 : i32
      %dma_start3A_305 = arith.constant 0 : i32
      %dma_start3A_306 = tpu.memref_slice %arg6[%dma_start3A_295, %dma_start3A_304, %dma_start3A_305] : memref<6x120x128xf32, #tpu.memory_space<vmem>> -> memref<1x120x128xf32, #tpu.memory_space<vmem>>
      %dma_start3A_307 = tpu.memref_squeeze %dma_start3A_306 : memref<1x120x128xf32, #tpu.memory_space<vmem>> -> memref<120x128xf32, #tpu.memory_space<vmem>>
      tpu.enqueue_dma source(%dma_start3A_307 : memref<120x128xf32, #tpu.memory_space<vmem>>) target(%dma_start3A_303 : memref<120x128xf32, #tpu.memory_space<hbm>>) target_semaphore(%arg16 : memref<!tpu.dma_semaphore, #tpu.memory_space<semaphore_mem>>)
      %add3A_308 = arith.constant 3 : i32
      %add3A_309 = arith.addi %add3A_280, %add3A_308 : i32
      %lt3A = arith.constant 6 : i32
      %lt3A_310 = arith.cmpi slt, %scan3A_132, %lt3A : i32
      %convert_element_type3A_311 = arith.extui %lt3A_310 : i1 to i32
      %cond3A_312 = arith.constant 0 : i32
      %cond3A_313 = arith.cmpi ne, %convert_element_type3A_311, %cond3A_312 : i32
      scf.if %cond3A_313 {
        %add3A_383 = arith.constant 0 : i32
        %add3A_384 = arith.addi %mul3A_2, %add3A_383 : i32
        %dma_wait3A_385 = arith.constant 0 : i32
        %dma_wait3A_386 = arith.constant 0 : i32
        %dma_wait3A_387 = arith.constant 0 : i32
        %dma_wait3A_388 = tpu.memref_slice %arg6[%dma_wait3A_385, %dma_wait3A_386, %dma_wait3A_387] : memref<6x120x128xf32, #tpu.memory_space<vmem>> -> memref<1x120x128xf32, #tpu.memory_space<vmem>>
        %dma_wait3A_389 = tpu.memref_squeeze %dma_wait3A_388 : memref<1x120x128xf32, #tpu.memory_space<vmem>> -> memref<120x128xf32, #tpu.memory_space<vmem>>
        %dma_wait3A_390 = arith.constant 0 : i32
        %dma_wait3A_391 = tpu.memref_slice %arg4[%add3A_384, %dma_wait3A_390] : memref<160000x128xf32, #tpu.memory_space<hbm>> -> memref<120x128xf32, #tpu.memory_space<hbm>>
        %dma_wait3A_392 = arith.constant 0 : i32
        %dma_wait3A_393 = tpu.memref_slice %arg4[%add3A_384, %dma_wait3A_392] : memref<160000x128xf32, #tpu.memory_space<hbm>> -> memref<120x128xf32, #tpu.memory_space<hbm>>
        %dma_wait3A_394 = arith.constant 0 : i32
        %dma_wait3A_395 = arith.constant 0 : i32
        %dma_wait3A_396 = tpu.memref_slice %arg6[%dma_wait3A_385, %dma_wait3A_394, %dma_wait3A_395] : memref<6x120x128xf32, #tpu.memory_space<vmem>> -> memref<1x120x128xf32, #tpu.memory_space<vmem>>
        %dma_wait3A_397 = tpu.memref_squeeze %dma_wait3A_396 : memref<1x120x128xf32, #tpu.memory_space<vmem>> -> memref<120x128xf32, #tpu.memory_space<vmem>>
        tpu.wait_dma2 semaphore(%arg13 : memref<!tpu.dma_semaphore, #tpu.memory_space<semaphore_mem>>) src(%dma_wait3A_397 : memref<120x128xf32, #tpu.memory_space<vmem>>) dst(%dma_wait3A_393 : memref<120x128xf32, #tpu.memory_space<hbm>>)
        %dma_start3A_398 = arith.constant 0 : i32
        %dma_start3A_399 = arith.constant 0 : i32
        %dma_start3A_400 = arith.constant 0 : i32
        %dma_start3A_401 = tpu.memref_slice %arg6[%dma_start3A_398, %dma_start3A_399, %dma_start3A_400] : memref<6x120x128xf32, #tpu.memory_space<vmem>> -> memref<1x120x128xf32, #tpu.memory_space<vmem>>
        %dma_start3A_402 = tpu.memref_squeeze %dma_start3A_401 : memref<1x120x128xf32, #tpu.memory_space<vmem>> -> memref<120x128xf32, #tpu.memory_space<vmem>>
        %dma_start3A_403 = arith.constant 0 : i32
        %dma_start3A_404 = tpu.memref_slice %arg5[%add3A_309, %dma_start3A_403] : memref<42x120xi32, #tpu.memory_space<vmem>> -> memref<1x120xi32, #tpu.memory_space<vmem>>
        %dma_start3A_405 = tpu.memref_squeeze %dma_start3A_404 : memref<1x120xi32, #tpu.memory_space<vmem>> -> memref<120xi32, #tpu.memory_space<vmem>>
        %dma_start3A_406 = arith.constant 0 : i32
        %dma_start3A_407 = arith.constant 0 : i32
        %dma_start3A_408 = tpu.memref_slice %arg2[%dma_start3A_406, %dma_start3A_407] : memref<10000x128xf32, #tpu.memory_space<hbm>> -> memref<10000x128xf32, #tpu.memory_space<hbm>>
        tpu.enqueue_indirect_dma source(%dma_start3A_408 : memref<10000x128xf32, #tpu.memory_space<hbm>>) target(%dma_start3A_402 : memref<120x128xf32, #tpu.memory_space<vmem>>) offsets(%dma_start3A_405 : memref<120xi32, #tpu.memory_space<vmem>>) semaphore(%arg7 : memref<!tpu.dma_semaphore, #tpu.memory_space<semaphore_mem>>)
      } else {
      }
      %mul3A_314 = arith.constant 6 : i32
      %mul3A_315 = arith.muli %scan3A_132, %mul3A_314 : i32
      %add3A_316 = arith.constant 4 : i32
      %add3A_317 = arith.addi %mul3A_315, %add3A_316 : i32
      %dma_wait3A_318 = arith.constant 4 : i32
      %dma_wait3A_319 = arith.constant 0 : i32
      %dma_wait3A_320 = arith.constant 0 : i32
      %dma_wait3A_321 = tpu.memref_slice %arg6[%dma_wait3A_318, %dma_wait3A_319, %dma_wait3A_320] : memref<6x120x128xf32, #tpu.memory_space<vmem>> -> memref<1x120x128xf32, #tpu.memory_space<vmem>>
      %dma_wait3A_322 = tpu.memref_squeeze %dma_wait3A_321 : memref<1x120x128xf32, #tpu.memory_space<vmem>> -> memref<120x128xf32, #tpu.memory_space<vmem>>
      %dma_wait3A_323 = arith.constant 0 : i32
      %dma_wait3A_324 = tpu.memref_slice %arg5[%add3A_317, %dma_wait3A_323] : memref<42x120xi32, #tpu.memory_space<vmem>> -> memref<1x120xi32, #tpu.memory_space<vmem>>
      %dma_wait3A_325 = tpu.memref_squeeze %dma_wait3A_324 : memref<1x120xi32, #tpu.memory_space<vmem>> -> memref<120xi32, #tpu.memory_space<vmem>>
      %dma_wait3A_326 = arith.constant 0 : i32
      %dma_wait3A_327 = arith.constant 0 : i32
      %dma_wait3A_328 = tpu.memref_slice %arg2[%dma_wait3A_326, %dma_wait3A_327] : memref<10000x128xf32, #tpu.memory_space<hbm>> -> memref<10000x128xf32, #tpu.memory_space<hbm>>
      tpu.wait_indirect_dma semaphore(%arg11 : memref<!tpu.dma_semaphore, #tpu.memory_space<semaphore_mem>>) src(%dma_wait3A_328 : memref<10000x128xf32, #tpu.memory_space<hbm>>) dst(%dma_wait3A_322 : memref<120x128xf32, #tpu.memory_space<vmem>>)
      %mul3A_329 = arith.constant 120 : i32
      %mul3A_330 = arith.muli %add3A_317, %mul3A_329 : i32
      %add3A_331 = arith.addi %mul3A_2, %mul3A_330 : i32
      %dma_start3A_332 = arith.constant 4 : i32
      %dma_start3A_333 = arith.constant 0 : i32
      %dma_start3A_334 = arith.constant 0 : i32
      %dma_start3A_335 = tpu.memref_slice %arg6[%dma_start3A_332, %dma_start3A_333, %dma_start3A_334] : memref<6x120x128xf32, #tpu.memory_space<vmem>> -> memref<1x120x128xf32, #tpu.memory_space<vmem>>
      %dma_start3A_336 = tpu.memref_squeeze %dma_start3A_335 : memref<1x120x128xf32, #tpu.memory_space<vmem>> -> memref<120x128xf32, #tpu.memory_space<vmem>>
      %dma_start3A_337 = arith.constant 0 : i32
      %dma_start3A_338 = tpu.memref_slice %arg4[%add3A_331, %dma_start3A_337] : memref<160000x128xf32, #tpu.memory_space<hbm>> -> memref<120x128xf32, #tpu.memory_space<hbm>>
      %dma_start3A_339 = arith.constant 0 : i32
      %dma_start3A_340 = tpu.memref_slice %arg4[%add3A_331, %dma_start3A_339] : memref<160000x128xf32, #tpu.memory_space<hbm>> -> memref<120x128xf32, #tpu.memory_space<hbm>>
      %dma_start3A_341 = arith.constant 0 : i32
      %dma_start3A_342 = arith.constant 0 : i32
      %dma_start3A_343 = tpu.memref_slice %arg6[%dma_start3A_332, %dma_start3A_341, %dma_start3A_342] : memref<6x120x128xf32, #tpu.memory_space<vmem>> -> memref<1x120x128xf32, #tpu.memory_space<vmem>>
      %dma_start3A_344 = tpu.memref_squeeze %dma_start3A_343 : memref<1x120x128xf32, #tpu.memory_space<vmem>> -> memref<120x128xf32, #tpu.memory_space<vmem>>
      tpu.enqueue_dma source(%dma_start3A_344 : memref<120x128xf32, #tpu.memory_space<vmem>>) target(%dma_start3A_340 : memref<120x128xf32, #tpu.memory_space<hbm>>) target_semaphore(%arg17 : memref<!tpu.dma_semaphore, #tpu.memory_space<semaphore_mem>>)
      %add3A_345 = arith.constant 3 : i32
      %add3A_346 = arith.addi %add3A_317, %add3A_345 : i32
      %lt3A_347 = arith.constant 6 : i32
      %lt3A_348 = arith.cmpi slt, %scan3A_132, %lt3A_347 : i32
      %convert_element_type3A_349 = arith.extui %lt3A_348 : i1 to i32
      %cond3A_350 = arith.constant 0 : i32
      %cond3A_351 = arith.cmpi ne, %convert_element_type3A_349, %cond3A_350 : i32
      scf.if %cond3A_351 {
        %add3A_383 = arith.constant 0 : i32
        %add3A_384 = arith.addi %mul3A_2, %add3A_383 : i32
        %dma_wait3A_385 = arith.constant 1 : i32
        %dma_wait3A_386 = arith.constant 0 : i32
        %dma_wait3A_387 = arith.constant 0 : i32
        %dma_wait3A_388 = tpu.memref_slice %arg6[%dma_wait3A_385, %dma_wait3A_386, %dma_wait3A_387] : memref<6x120x128xf32, #tpu.memory_space<vmem>> -> memref<1x120x128xf32, #tpu.memory_space<vmem>>
        %dma_wait3A_389 = tpu.memref_squeeze %dma_wait3A_388 : memref<1x120x128xf32, #tpu.memory_space<vmem>> -> memref<120x128xf32, #tpu.memory_space<vmem>>
        %dma_wait3A_390 = arith.constant 0 : i32
        %dma_wait3A_391 = tpu.memref_slice %arg4[%add3A_384, %dma_wait3A_390] : memref<160000x128xf32, #tpu.memory_space<hbm>> -> memref<120x128xf32, #tpu.memory_space<hbm>>
        %dma_wait3A_392 = arith.constant 0 : i32
        %dma_wait3A_393 = tpu.memref_slice %arg4[%add3A_384, %dma_wait3A_392] : memref<160000x128xf32, #tpu.memory_space<hbm>> -> memref<120x128xf32, #tpu.memory_space<hbm>>
        %dma_wait3A_394 = arith.constant 0 : i32
        %dma_wait3A_395 = arith.constant 0 : i32
        %dma_wait3A_396 = tpu.memref_slice %arg6[%dma_wait3A_385, %dma_wait3A_394, %dma_wait3A_395] : memref<6x120x128xf32, #tpu.memory_space<vmem>> -> memref<1x120x128xf32, #tpu.memory_space<vmem>>
        %dma_wait3A_397 = tpu.memref_squeeze %dma_wait3A_396 : memref<1x120x128xf32, #tpu.memory_space<vmem>> -> memref<120x128xf32, #tpu.memory_space<vmem>>
        tpu.wait_dma2 semaphore(%arg14 : memref<!tpu.dma_semaphore, #tpu.memory_space<semaphore_mem>>) src(%dma_wait3A_397 : memref<120x128xf32, #tpu.memory_space<vmem>>) dst(%dma_wait3A_393 : memref<120x128xf32, #tpu.memory_space<hbm>>)
        %dma_start3A_398 = arith.constant 1 : i32
        %dma_start3A_399 = arith.constant 0 : i32
        %dma_start3A_400 = arith.constant 0 : i32
        %dma_start3A_401 = tpu.memref_slice %arg6[%dma_start3A_398, %dma_start3A_399, %dma_start3A_400] : memref<6x120x128xf32, #tpu.memory_space<vmem>> -> memref<1x120x128xf32, #tpu.memory_space<vmem>>
        %dma_start3A_402 = tpu.memref_squeeze %dma_start3A_401 : memref<1x120x128xf32, #tpu.memory_space<vmem>> -> memref<120x128xf32, #tpu.memory_space<vmem>>
        %dma_start3A_403 = arith.constant 0 : i32
        %dma_start3A_404 = tpu.memref_slice %arg5[%add3A_346, %dma_start3A_403] : memref<42x120xi32, #tpu.memory_space<vmem>> -> memref<1x120xi32, #tpu.memory_space<vmem>>
        %dma_start3A_405 = tpu.memref_squeeze %dma_start3A_404 : memref<1x120xi32, #tpu.memory_space<vmem>> -> memref<120xi32, #tpu.memory_space<vmem>>
        %dma_start3A_406 = arith.constant 0 : i32
        %dma_start3A_407 = arith.constant 0 : i32
        %dma_start3A_408 = tpu.memref_slice %arg2[%dma_start3A_406, %dma_start3A_407] : memref<10000x128xf32, #tpu.memory_space<hbm>> -> memref<10000x128xf32, #tpu.memory_space<hbm>>
        tpu.enqueue_indirect_dma source(%dma_start3A_408 : memref<10000x128xf32, #tpu.memory_space<hbm>>) target(%dma_start3A_402 : memref<120x128xf32, #tpu.memory_space<vmem>>) offsets(%dma_start3A_405 : memref<120xi32, #tpu.memory_space<vmem>>) semaphore(%arg8 : memref<!tpu.dma_semaphore, #tpu.memory_space<semaphore_mem>>)
      } else {
      }
      %mul3A_352 = arith.constant 6 : i32
      %mul3A_353 = arith.muli %scan3A_132, %mul3A_352 : i32
      %add3A_354 = arith.constant 5 : i32
      %add3A_355 = arith.addi %mul3A_353, %add3A_354 : i32
      %dma_wait3A_356 = arith.constant 5 : i32
      %dma_wait3A_357 = arith.constant 0 : i32
      %dma_wait3A_358 = arith.constant 0 : i32
      %dma_wait3A_359 = tpu.memref_slice %arg6[%dma_wait3A_356, %dma_wait3A_357, %dma_wait3A_358] : memref<6x120x128xf32, #tpu.memory_space<vmem>> -> memref<1x120x128xf32, #tpu.memory_space<vmem>>
      %dma_wait3A_360 = tpu.memref_squeeze %dma_wait3A_359 : memref<1x120x128xf32, #tpu.memory_space<vmem>> -> memref<120x128xf32, #tpu.memory_space<vmem>>
      %dma_wait3A_361 = arith.constant 0 : i32
      %dma_wait3A_362 = tpu.memref_slice %arg5[%add3A_355, %dma_wait3A_361] : memref<42x120xi32, #tpu.memory_space<vmem>> -> memref<1x120xi32, #tpu.memory_space<vmem>>
      %dma_wait3A_363 = tpu.memref_squeeze %dma_wait3A_362 : memref<1x120xi32, #tpu.memory_space<vmem>> -> memref<120xi32, #tpu.memory_space<vmem>>
      %dma_wait3A_364 = arith.constant 0 : i32
      %dma_wait3A_365 = arith.constant 0 : i32
      %dma_wait3A_366 = tpu.memref_slice %arg2[%dma_wait3A_364, %dma_wait3A_365] : memref<10000x128xf32, #tpu.memory_space<hbm>> -> memref<10000x128xf32, #tpu.memory_space<hbm>>
      tpu.wait_indirect_dma semaphore(%arg12 : memref<!tpu.dma_semaphore, #tpu.memory_space<semaphore_mem>>) src(%dma_wait3A_366 : memref<10000x128xf32, #tpu.memory_space<hbm>>) dst(%dma_wait3A_360 : memref<120x128xf32, #tpu.memory_space<vmem>>)
      %lt3A_367 = arith.constant 6 : i32
      %lt3A_368 = arith.cmpi slt, %scan3A_132, %lt3A_367 : i32
      %convert_element_type3A_369 = arith.extui %lt3A_368 : i1 to i32
      %cond3A_370 = arith.constant 0 : i32
      %cond3A_371 = arith.cmpi ne, %convert_element_type3A_369, %cond3A_370 : i32
      scf.if %cond3A_371 {
        %mul3A_383 = arith.constant 120 : i32
        %mul3A_384 = arith.muli %add3A_355, %mul3A_383 : i32
        %add3A_385 = arith.addi %mul3A_2, %mul3A_384 : i32
        %dma_start3A_386 = arith.constant 5 : i32
        %dma_start3A_387 = arith.constant 0 : i32
        %dma_start3A_388 = arith.constant 0 : i32
        %dma_start3A_389 = tpu.memref_slice %arg6[%dma_start3A_386, %dma_start3A_387, %dma_start3A_388] : memref<6x120x128xf32, #tpu.memory_space<vmem>> -> memref<1x120x128xf32, #tpu.memory_space<vmem>>
        %dma_start3A_390 = tpu.memref_squeeze %dma_start3A_389 : memref<1x120x128xf32, #tpu.memory_space<vmem>> -> memref<120x128xf32, #tpu.memory_space<vmem>>
        %dma_start3A_391 = arith.constant 0 : i32
        %dma_start3A_392 = tpu.memref_slice %arg4[%add3A_385, %dma_start3A_391] : memref<160000x128xf32, #tpu.memory_space<hbm>> -> memref<120x128xf32, #tpu.memory_space<hbm>>
        %dma_start3A_393 = arith.constant 0 : i32
        %dma_start3A_394 = tpu.memref_slice %arg4[%add3A_385, %dma_start3A_393] : memref<160000x128xf32, #tpu.memory_space<hbm>> -> memref<120x128xf32, #tpu.memory_space<hbm>>
        %dma_start3A_395 = arith.constant 0 : i32
        %dma_start3A_396 = arith.constant 0 : i32
        %dma_start3A_397 = tpu.memref_slice %arg6[%dma_start3A_386, %dma_start3A_395, %dma_start3A_396] : memref<6x120x128xf32, #tpu.memory_space<vmem>> -> memref<1x120x128xf32, #tpu.memory_space<vmem>>
        %dma_start3A_398 = tpu.memref_squeeze %dma_start3A_397 : memref<1x120x128xf32, #tpu.memory_space<vmem>> -> memref<120x128xf32, #tpu.memory_space<vmem>>
        tpu.enqueue_dma source(%dma_start3A_398 : memref<120x128xf32, #tpu.memory_space<vmem>>) target(%dma_start3A_394 : memref<120x128xf32, #tpu.memory_space<hbm>>) target_semaphore(%arg18 : memref<!tpu.dma_semaphore, #tpu.memory_space<semaphore_mem>>)
      } else {
      }
      %eq3A = arith.constant 6 : i32
      %eq3A_372 = arith.cmpi eq, %scan3A_132, %eq3A : i32
      %convert_element_type3A_373 = arith.extui %eq3A_372 : i1 to i32
      %cond3A_374 = arith.constant 0 : i32
      %cond3A_375 = arith.cmpi ne, %convert_element_type3A_373, %cond3A_374 : i32
      scf.if %cond3A_375 {
        %mul3A_383 = arith.constant 120 : i32
        %mul3A_384 = arith.muli %add3A_355, %mul3A_383 : i32
        %add3A_385 = arith.addi %mul3A_2, %mul3A_384 : i32
        %dma_start3A_386 = arith.constant 5 : i32
        %dma_start3A_387 = arith.constant 0 : i32
        %dma_start3A_388 = arith.constant 0 : i32
        %dma_start3A_389 = tpu.memref_slice %arg6[%dma_start3A_386, %dma_start3A_387, %dma_start3A_388] : memref<6x120x128xf32, #tpu.memory_space<vmem>> -> memref<1x80x128xf32, #tpu.memory_space<vmem>>
        %dma_start3A_390 = tpu.memref_squeeze %dma_start3A_389 : memref<1x80x128xf32, #tpu.memory_space<vmem>> -> memref<80x128xf32, #tpu.memory_space<vmem>>
        %dma_start3A_391 = arith.constant 0 : i32
        %dma_start3A_392 = tpu.memref_slice %arg4[%add3A_385, %dma_start3A_391] : memref<160000x128xf32, #tpu.memory_space<hbm>> -> memref<80x128xf32, #tpu.memory_space<hbm>>
        %dma_start3A_393 = arith.constant 0 : i32
        %dma_start3A_394 = tpu.memref_slice %arg4[%add3A_385, %dma_start3A_393] : memref<160000x128xf32, #tpu.memory_space<hbm>> -> memref<80x128xf32, #tpu.memory_space<hbm>>
        %dma_start3A_395 = arith.constant 0 : i32
        %dma_start3A_396 = arith.constant 0 : i32
        %dma_start3A_397 = tpu.memref_slice %arg6[%dma_start3A_386, %dma_start3A_395, %dma_start3A_396] : memref<6x120x128xf32, #tpu.memory_space<vmem>> -> memref<1x80x128xf32, #tpu.memory_space<vmem>>
        %dma_start3A_398 = tpu.memref_squeeze %dma_start3A_397 : memref<1x80x128xf32, #tpu.memory_space<vmem>> -> memref<80x128xf32, #tpu.memory_space<vmem>>
        tpu.enqueue_dma source(%dma_start3A_398 : memref<80x128xf32, #tpu.memory_space<vmem>>) target(%dma_start3A_394 : memref<80x128xf32, #tpu.memory_space<hbm>>) target_semaphore(%arg18 : memref<!tpu.dma_semaphore, #tpu.memory_space<semaphore_mem>>)
      } else {
      }
      %add3A_376 = arith.constant 3 : i32
      %add3A_377 = arith.addi %add3A_355, %add3A_376 : i32
      %lt3A_378 = arith.constant 6 : i32
      %lt3A_379 = arith.cmpi slt, %scan3A_132, %lt3A_378 : i32
      %convert_element_type3A_380 = arith.extui %lt3A_379 : i1 to i32
      %cond3A_381 = arith.constant 0 : i32
      %cond3A_382 = arith.cmpi ne, %convert_element_type3A_380, %cond3A_381 : i32
      scf.if %cond3A_382 {
        %add3A_383 = arith.constant 0 : i32
        %add3A_384 = arith.addi %mul3A_2, %add3A_383 : i32
        %dma_wait3A_385 = arith.constant 2 : i32
        %dma_wait3A_386 = arith.constant 0 : i32
        %dma_wait3A_387 = arith.constant 0 : i32
        %dma_wait3A_388 = tpu.memref_slice %arg6[%dma_wait3A_385, %dma_wait3A_386, %dma_wait3A_387] : memref<6x120x128xf32, #tpu.memory_space<vmem>> -> memref<1x120x128xf32, #tpu.memory_space<vmem>>
        %dma_wait3A_389 = tpu.memref_squeeze %dma_wait3A_388 : memref<1x120x128xf32, #tpu.memory_space<vmem>> -> memref<120x128xf32, #tpu.memory_space<vmem>>
        %dma_wait3A_390 = arith.constant 0 : i32
        %dma_wait3A_391 = tpu.memref_slice %arg4[%add3A_384, %dma_wait3A_390] : memref<160000x128xf32, #tpu.memory_space<hbm>> -> memref<120x128xf32, #tpu.memory_space<hbm>>
        %dma_wait3A_392 = arith.constant 0 : i32
        %dma_wait3A_393 = tpu.memref_slice %arg4[%add3A_384, %dma_wait3A_392] : memref<160000x128xf32, #tpu.memory_space<hbm>> -> memref<120x128xf32, #tpu.memory_space<hbm>>
        %dma_wait3A_394 = arith.constant 0 : i32
        %dma_wait3A_395 = arith.constant 0 : i32
        %dma_wait3A_396 = tpu.memref_slice %arg6[%dma_wait3A_385, %dma_wait3A_394, %dma_wait3A_395] : memref<6x120x128xf32, #tpu.memory_space<vmem>> -> memref<1x120x128xf32, #tpu.memory_space<vmem>>
        %dma_wait3A_397 = tpu.memref_squeeze %dma_wait3A_396 : memref<1x120x128xf32, #tpu.memory_space<vmem>> -> memref<120x128xf32, #tpu.memory_space<vmem>>
        tpu.wait_dma2 semaphore(%arg15 : memref<!tpu.dma_semaphore, #tpu.memory_space<semaphore_mem>>) src(%dma_wait3A_397 : memref<120x128xf32, #tpu.memory_space<vmem>>) dst(%dma_wait3A_393 : memref<120x128xf32, #tpu.memory_space<hbm>>)
        %dma_start3A_398 = arith.constant 2 : i32
        %dma_start3A_399 = arith.constant 0 : i32
        %dma_start3A_400 = arith.constant 0 : i32
        %dma_start3A_401 = tpu.memref_slice %arg6[%dma_start3A_398, %dma_start3A_399, %dma_start3A_400] : memref<6x120x128xf32, #tpu.memory_space<vmem>> -> memref<1x120x128xf32, #tpu.memory_space<vmem>>
        %dma_start3A_402 = tpu.memref_squeeze %dma_start3A_401 : memref<1x120x128xf32, #tpu.memory_space<vmem>> -> memref<120x128xf32, #tpu.memory_space<vmem>>
        %dma_start3A_403 = arith.constant 0 : i32
        %dma_start3A_404 = tpu.memref_slice %arg5[%add3A_377, %dma_start3A_403] : memref<42x120xi32, #tpu.memory_space<vmem>> -> memref<1x120xi32, #tpu.memory_space<vmem>>
        %dma_start3A_405 = tpu.memref_squeeze %dma_start3A_404 : memref<1x120xi32, #tpu.memory_space<vmem>> -> memref<120xi32, #tpu.memory_space<vmem>>
        %dma_start3A_406 = arith.constant 0 : i32
        %dma_start3A_407 = arith.constant 0 : i32
        %dma_start3A_408 = tpu.memref_slice %arg2[%dma_start3A_406, %dma_start3A_407] : memref<10000x128xf32, #tpu.memory_space<hbm>> -> memref<10000x128xf32, #tpu.memory_space<hbm>>
        tpu.enqueue_indirect_dma source(%dma_start3A_408 : memref<10000x128xf32, #tpu.memory_space<hbm>>) target(%dma_start3A_402 : memref<120x128xf32, #tpu.memory_space<vmem>>) offsets(%dma_start3A_405 : memref<120xi32, #tpu.memory_space<vmem>>) semaphore(%arg9 : memref<!tpu.dma_semaphore, #tpu.memory_space<semaphore_mem>>)
      } else {
      }
    }
    %scan3A_42 = arith.constant 7 : i32
    %add3A_43 = arith.constant 0 : i32
    %add3A_44 = arith.addi %mul3A_2, %add3A_43 : i32
    %dma_wait3A = arith.constant 0 : i32
    %dma_wait3A_45 = arith.constant 0 : i32
    %dma_wait3A_46 = arith.constant 0 : i32
    %dma_wait3A_47 = tpu.memref_slice %arg6[%dma_wait3A, %dma_wait3A_45, %dma_wait3A_46] : memref<6x120x128xf32, #tpu.memory_space<vmem>> -> memref<1x120x128xf32, #tpu.memory_space<vmem>>
    %dma_wait3A_48 = tpu.memref_squeeze %dma_wait3A_47 : memref<1x120x128xf32, #tpu.memory_space<vmem>> -> memref<120x128xf32, #tpu.memory_space<vmem>>
    %dma_wait3A_49 = arith.constant 0 : i32
    %dma_wait3A_50 = tpu.memref_slice %arg4[%add3A_44, %dma_wait3A_49] : memref<160000x128xf32, #tpu.memory_space<hbm>> -> memref<120x128xf32, #tpu.memory_space<hbm>>
    %dma_wait3A_51 = arith.constant 0 : i32
    %dma_wait3A_52 = tpu.memref_slice %arg4[%add3A_44, %dma_wait3A_51] : memref<160000x128xf32, #tpu.memory_space<hbm>> -> memref<120x128xf32, #tpu.memory_space<hbm>>
    %dma_wait3A_53 = arith.constant 0 : i32
    %dma_wait3A_54 = arith.constant 0 : i32
    %dma_wait3A_55 = tpu.memref_slice %arg6[%dma_wait3A, %dma_wait3A_53, %dma_wait3A_54] : memref<6x120x128xf32, #tpu.memory_space<vmem>> -> memref<1x120x128xf32, #tpu.memory_space<vmem>>
    %dma_wait3A_56 = tpu.memref_squeeze %dma_wait3A_55 : memref<1x120x128xf32, #tpu.memory_space<vmem>> -> memref<120x128xf32, #tpu.memory_space<vmem>>
    tpu.wait_dma2 semaphore(%arg13 : memref<!tpu.dma_semaphore, #tpu.memory_space<semaphore_mem>>) src(%dma_wait3A_56 : memref<120x128xf32, #tpu.memory_space<vmem>>) dst(%dma_wait3A_52 : memref<120x128xf32, #tpu.memory_space<hbm>>)
    %add3A_57 = arith.constant 0 : i32
    %add3A_58 = arith.addi %mul3A_2, %add3A_57 : i32
    %dma_wait3A_59 = arith.constant 1 : i32
    %dma_wait3A_60 = arith.constant 0 : i32
    %dma_wait3A_61 = arith.constant 0 : i32
    %dma_wait3A_62 = tpu.memref_slice %arg6[%dma_wait3A_59, %dma_wait3A_60, %dma_wait3A_61] : memref<6x120x128xf32, #tpu.memory_space<vmem>> -> memref<1x120x128xf32, #tpu.memory_space<vmem>>
    %dma_wait3A_63 = tpu.memref_squeeze %dma_wait3A_62 : memref<1x120x128xf32, #tpu.memory_space<vmem>> -> memref<120x128xf32, #tpu.memory_space<vmem>>
    %dma_wait3A_64 = arith.constant 0 : i32
    %dma_wait3A_65 = tpu.memref_slice %arg4[%add3A_58, %dma_wait3A_64] : memref<160000x128xf32, #tpu.memory_space<hbm>> -> memref<120x128xf32, #tpu.memory_space<hbm>>
    %dma_wait3A_66 = arith.constant 0 : i32
    %dma_wait3A_67 = tpu.memref_slice %arg4[%add3A_58, %dma_wait3A_66] : memref<160000x128xf32, #tpu.memory_space<hbm>> -> memref<120x128xf32, #tpu.memory_space<hbm>>
    %dma_wait3A_68 = arith.constant 0 : i32
    %dma_wait3A_69 = arith.constant 0 : i32
    %dma_wait3A_70 = tpu.memref_slice %arg6[%dma_wait3A_59, %dma_wait3A_68, %dma_wait3A_69] : memref<6x120x128xf32, #tpu.memory_space<vmem>> -> memref<1x120x128xf32, #tpu.memory_space<vmem>>
    %dma_wait3A_71 = tpu.memref_squeeze %dma_wait3A_70 : memref<1x120x128xf32, #tpu.memory_space<vmem>> -> memref<120x128xf32, #tpu.memory_space<vmem>>
    tpu.wait_dma2 semaphore(%arg14 : memref<!tpu.dma_semaphore, #tpu.memory_space<semaphore_mem>>) src(%dma_wait3A_71 : memref<120x128xf32, #tpu.memory_space<vmem>>) dst(%dma_wait3A_67 : memref<120x128xf32, #tpu.memory_space<hbm>>)
    %add3A_72 = arith.constant 0 : i32
    %add3A_73 = arith.addi %mul3A_2, %add3A_72 : i32
    %dma_wait3A_74 = arith.constant 2 : i32
    %dma_wait3A_75 = arith.constant 0 : i32
    %dma_wait3A_76 = arith.constant 0 : i32
    %dma_wait3A_77 = tpu.memref_slice %arg6[%dma_wait3A_74, %dma_wait3A_75, %dma_wait3A_76] : memref<6x120x128xf32, #tpu.memory_space<vmem>> -> memref<1x120x128xf32, #tpu.memory_space<vmem>>
    %dma_wait3A_78 = tpu.memref_squeeze %dma_wait3A_77 : memref<1x120x128xf32, #tpu.memory_space<vmem>> -> memref<120x128xf32, #tpu.memory_space<vmem>>
    %dma_wait3A_79 = arith.constant 0 : i32
    %dma_wait3A_80 = tpu.memref_slice %arg4[%add3A_73, %dma_wait3A_79] : memref<160000x128xf32, #tpu.memory_space<hbm>> -> memref<120x128xf32, #tpu.memory_space<hbm>>
    %dma_wait3A_81 = arith.constant 0 : i32
    %dma_wait3A_82 = tpu.memref_slice %arg4[%add3A_73, %dma_wait3A_81] : memref<160000x128xf32, #tpu.memory_space<hbm>> -> memref<120x128xf32, #tpu.memory_space<hbm>>
    %dma_wait3A_83 = arith.constant 0 : i32
    %dma_wait3A_84 = arith.constant 0 : i32
    %dma_wait3A_85 = tpu.memref_slice %arg6[%dma_wait3A_74, %dma_wait3A_83, %dma_wait3A_84] : memref<6x120x128xf32, #tpu.memory_space<vmem>> -> memref<1x120x128xf32, #tpu.memory_space<vmem>>
    %dma_wait3A_86 = tpu.memref_squeeze %dma_wait3A_85 : memref<1x120x128xf32, #tpu.memory_space<vmem>> -> memref<120x128xf32, #tpu.memory_space<vmem>>
    tpu.wait_dma2 semaphore(%arg15 : memref<!tpu.dma_semaphore, #tpu.memory_space<semaphore_mem>>) src(%dma_wait3A_86 : memref<120x128xf32, #tpu.memory_space<vmem>>) dst(%dma_wait3A_82 : memref<120x128xf32, #tpu.memory_space<hbm>>)
    %add3A_87 = arith.constant 0 : i32
    %add3A_88 = arith.addi %mul3A_2, %add3A_87 : i32
    %dma_wait3A_89 = arith.constant 3 : i32
    %dma_wait3A_90 = arith.constant 0 : i32
    %dma_wait3A_91 = arith.constant 0 : i32
    %dma_wait3A_92 = tpu.memref_slice %arg6[%dma_wait3A_89, %dma_wait3A_90, %dma_wait3A_91] : memref<6x120x128xf32, #tpu.memory_space<vmem>> -> memref<1x120x128xf32, #tpu.memory_space<vmem>>
    %dma_wait3A_93 = tpu.memref_squeeze %dma_wait3A_92 : memref<1x120x128xf32, #tpu.memory_space<vmem>> -> memref<120x128xf32, #tpu.memory_space<vmem>>
    %dma_wait3A_94 = arith.constant 0 : i32
    %dma_wait3A_95 = tpu.memref_slice %arg4[%add3A_88, %dma_wait3A_94] : memref<160000x128xf32, #tpu.memory_space<hbm>> -> memref<120x128xf32, #tpu.memory_space<hbm>>
    %dma_wait3A_96 = arith.constant 0 : i32
    %dma_wait3A_97 = tpu.memref_slice %arg4[%add3A_88, %dma_wait3A_96] : memref<160000x128xf32, #tpu.memory_space<hbm>> -> memref<120x128xf32, #tpu.memory_space<hbm>>
    %dma_wait3A_98 = arith.constant 0 : i32
    %dma_wait3A_99 = arith.constant 0 : i32
    %dma_wait3A_100 = tpu.memref_slice %arg6[%dma_wait3A_89, %dma_wait3A_98, %dma_wait3A_99] : memref<6x120x128xf32, #tpu.memory_space<vmem>> -> memref<1x120x128xf32, #tpu.memory_space<vmem>>
    %dma_wait3A_101 = tpu.memref_squeeze %dma_wait3A_100 : memref<1x120x128xf32, #tpu.memory_space<vmem>> -> memref<120x128xf32, #tpu.memory_space<vmem>>
    tpu.wait_dma2 semaphore(%arg16 : memref<!tpu.dma_semaphore, #tpu.memory_space<semaphore_mem>>) src(%dma_wait3A_101 : memref<120x128xf32, #tpu.memory_space<vmem>>) dst(%dma_wait3A_97 : memref<120x128xf32, #tpu.memory_space<hbm>>)
    %add3A_102 = arith.constant 0 : i32
    %add3A_103 = arith.addi %mul3A_2, %add3A_102 : i32
    %dma_wait3A_104 = arith.constant 4 : i32
    %dma_wait3A_105 = arith.constant 0 : i32
    %dma_wait3A_106 = arith.constant 0 : i32
    %dma_wait3A_107 = tpu.memref_slice %arg6[%dma_wait3A_104, %dma_wait3A_105, %dma_wait3A_106] : memref<6x120x128xf32, #tpu.memory_space<vmem>> -> memref<1x120x128xf32, #tpu.memory_space<vmem>>
    %dma_wait3A_108 = tpu.memref_squeeze %dma_wait3A_107 : memref<1x120x128xf32, #tpu.memory_space<vmem>> -> memref<120x128xf32, #tpu.memory_space<vmem>>
    %dma_wait3A_109 = arith.constant 0 : i32
    %dma_wait3A_110 = tpu.memref_slice %arg4[%add3A_103, %dma_wait3A_109] : memref<160000x128xf32, #tpu.memory_space<hbm>> -> memref<120x128xf32, #tpu.memory_space<hbm>>
    %dma_wait3A_111 = arith.constant 0 : i32
    %dma_wait3A_112 = tpu.memref_slice %arg4[%add3A_103, %dma_wait3A_111] : memref<160000x128xf32, #tpu.memory_space<hbm>> -> memref<120x128xf32, #tpu.memory_space<hbm>>
    %dma_wait3A_113 = arith.constant 0 : i32
    %dma_wait3A_114 = arith.constant 0 : i32
    %dma_wait3A_115 = tpu.memref_slice %arg6[%dma_wait3A_104, %dma_wait3A_113, %dma_wait3A_114] : memref<6x120x128xf32, #tpu.memory_space<vmem>> -> memref<1x120x128xf32, #tpu.memory_space<vmem>>
    %dma_wait3A_116 = tpu.memref_squeeze %dma_wait3A_115 : memref<1x120x128xf32, #tpu.memory_space<vmem>> -> memref<120x128xf32, #tpu.memory_space<vmem>>
    tpu.wait_dma2 semaphore(%arg17 : memref<!tpu.dma_semaphore, #tpu.memory_space<semaphore_mem>>) src(%dma_wait3A_116 : memref<120x128xf32, #tpu.memory_space<vmem>>) dst(%dma_wait3A_112 : memref<120x128xf32, #tpu.memory_space<hbm>>)
    %add3A_117 = arith.constant 0 : i32
    %add3A_118 = arith.addi %mul3A_2, %add3A_117 : i32
    %dma_wait3A_119 = arith.constant 5 : i32
    %dma_wait3A_120 = arith.constant 0 : i32
    %dma_wait3A_121 = arith.constant 0 : i32
    %dma_wait3A_122 = tpu.memref_slice %arg6[%dma_wait3A_119, %dma_wait3A_120, %dma_wait3A_121] : memref<6x120x128xf32, #tpu.memory_space<vmem>> -> memref<1x80x128xf32, #tpu.memory_space<vmem>>
    %dma_wait3A_123 = tpu.memref_squeeze %dma_wait3A_122 : memref<1x80x128xf32, #tpu.memory_space<vmem>> -> memref<80x128xf32, #tpu.memory_space<vmem>>
    %dma_wait3A_124 = arith.constant 0 : i32
    %dma_wait3A_125 = tpu.memref_slice %arg4[%add3A_118, %dma_wait3A_124] : memref<160000x128xf32, #tpu.memory_space<hbm>> -> memref<80x128xf32, #tpu.memory_space<hbm>>
    %dma_wait3A_126 = arith.constant 0 : i32
    %dma_wait3A_127 = tpu.memref_slice %arg4[%add3A_118, %dma_wait3A_126] : memref<160000x128xf32, #tpu.memory_space<hbm>> -> memref<80x128xf32, #tpu.memory_space<hbm>>
    %dma_wait3A_128 = arith.constant 0 : i32
    %dma_wait3A_129 = arith.constant 0 : i32
    %dma_wait3A_130 = tpu.memref_slice %arg6[%dma_wait3A_119, %dma_wait3A_128, %dma_wait3A_129] : memref<6x120x128xf32, #tpu.memory_space<vmem>> -> memref<1x80x128xf32, #tpu.memory_space<vmem>>
    %dma_wait3A_131 = tpu.memref_squeeze %dma_wait3A_130 : memref<1x80x128xf32, #tpu.memory_space<vmem>> -> memref<80x128xf32, #tpu.memory_space<vmem>>
    tpu.wait_dma2 semaphore(%arg18 : memref<!tpu.dma_semaphore, #tpu.memory_space<semaphore_mem>>) src(%dma_wait3A_131 : memref<80x128xf32, #tpu.memory_space<vmem>>) dst(%dma_wait3A_127 : memref<80x128xf32, #tpu.memory_space<hbm>>)
    return
  }
}

#map = affine_map<(d0, d1) -> (0, 0)>
#map1 = affine_map<(d0, d1) -> (0, 0, 0)>
module attributes {stable_mosaic.version = 14 : i64} {
  func.func @k(%arg0: i32, %arg1: i32, %arg2: memref<10000x128xf32, #tpu.memory_space<hbm>>, %arg3: memref<32x42x120xi32, #tpu.memory_space<hbm>>, %arg4: memref<160000x128xf32, #tpu.memory_space<hbm>>, %arg5: memref<42x120xi32, #tpu.memory_space<vmem>>, %arg6: memref<6x120x128xf32, #tpu.memory_space<vmem>>, %arg7: memref<!tpu.dma_semaphore, #tpu.memory_space<semaphore_mem>>, %arg8: memref<!tpu.dma_semaphore, #tpu.memory_space<semaphore_mem>>, %arg9: memref<!tpu.dma_semaphore, #tpu.memory_space<semaphore_mem>>, %arg10: memref<!tpu.dma_semaphore, #tpu.memory_space<semaphore_mem>>, %arg11: memref<!tpu.dma_semaphore, #tpu.memory_space<semaphore_mem>>, %arg12: memref<!tpu.dma_semaphore, #tpu.memory_space<semaphore_mem>>, %arg13: memref<!tpu.dma_semaphore, #tpu.memory_space<semaphore_mem>>, %arg14: memref<!tpu.dma_semaphore, #tpu.memory_space<semaphore_mem>>, %arg15: memref<!tpu.dma_semaphore, #tpu.memory_space<semaphore_mem>>, %arg16: memref<!tpu.dma_semaphore, #tpu.memory_space<semaphore_mem>>, %arg17: memref<!tpu.dma_semaphore, #tpu.memory_space<semaphore_mem>>, %arg18: memref<!tpu.dma_semaphore, #tpu.memory_space<semaphore_mem>>) attributes {dimension_semantics = [#tpu.dimension_semantics<core_parallel>, #tpu.dimension_semantics<subcore_parallel>], iteration_bounds = array<i64: 2, 16>, scalar_prefetch = 0 : i64, scratch_operands = 14 : i64, tpu.core_type = #tpu.core_type<sc_vector_subcore>, window_params = [{transform_indices = #map}, {transform_indices = #map1}, {transform_indices = #map}]} {
    %mul3A = arith.constant 2 : i32
    %mul3A_0 = arith.muli %arg1, %mul3A : i32
    %add3A = arith.addi %mul3A_0, %arg0 : i32
    %mul3A_1 = arith.constant 5000 : i32
    %mul3A_2 = arith.muli %add3A, %mul3A_1 : i32
    "tpu.region"() ({
      %run_scoped3A = tpu.sem_alloc : memref<!tpu.dma_semaphore, #tpu.memory_space<semaphore_mem>>
      %dma_start3A_132 = arith.constant 0 : i32
      %dma_start3A_133 = arith.constant 0 : i32
      %dma_start3A_134 = tpu.memref_slice %arg3[%add3A, %dma_start3A_132, %dma_start3A_133] : memref<32x42x120xi32, #tpu.memory_space<hbm>> -> memref<1x42x120xi32, #tpu.memory_space<hbm>>
      %dma_start3A_135 = tpu.memref_squeeze %dma_start3A_134 : memref<1x42x120xi32, #tpu.memory_space<hbm>> -> memref<42x120xi32, #tpu.memory_space<hbm>>
      %dma_start3A_136 = arith.constant 0 : i32
      %dma_start3A_137 = arith.constant 0 : i32
      %dma_start3A_138 = tpu.memref_slice %arg3[%add3A, %dma_start3A_136, %dma_start3A_137] : memref<32x42x120xi32, #tpu.memory_space<hbm>> -> memref<1x42x120xi32, #tpu.memory_space<hbm>>
      %dma_start3A_139 = tpu.memref_squeeze %dma_start3A_138 : memref<1x42x120xi32, #tpu.memory_space<hbm>> -> memref<42x120xi32, #tpu.memory_space<hbm>>
      tpu.enqueue_dma source(%dma_start3A_139 : memref<42x120xi32, #tpu.memory_space<hbm>>) target(%arg5 : memref<42x120xi32, #tpu.memory_space<vmem>>) target_semaphore(%run_scoped3A : memref<!tpu.dma_semaphore, #tpu.memory_space<semaphore_mem>>)
      %dma_wait3A_140 = arith.constant 0 : i32
      %dma_wait3A_141 = arith.constant 0 : i32
      %dma_wait3A_142 = tpu.memref_slice %arg3[%add3A, %dma_wait3A_140, %dma_wait3A_141] : memref<32x42x120xi32, #tpu.memory_space<hbm>> -> memref<1x42x120xi32, #tpu.memory_space<hbm>>
      %dma_wait3A_143 = tpu.memref_squeeze %dma_wait3A_142 : memref<1x42x120xi32, #tpu.memory_space<hbm>> -> memref<42x120xi32, #tpu.memory_space<hbm>>
      %dma_wait3A_144 = arith.constant 0 : i32
      %dma_wait3A_145 = arith.constant 0 : i32
      %dma_wait3A_146 = tpu.memref_slice %arg3[%add3A, %dma_wait3A_144, %dma_wait3A_145] : memref<32x42x120xi32, #tpu.memory_space<hbm>> -> memref<1x42x120xi32, #tpu.memory_space<hbm>>
      %dma_wait3A_147 = tpu.memref_squeeze %dma_wait3A_146 : memref<1x42x120xi32, #tpu.memory_space<hbm>> -> memref<42x120xi32, #tpu.memory_space<hbm>>
      tpu.wait_dma2 semaphore(%run_scoped3A : memref<!tpu.dma_semaphore, #tpu.memory_space<semaphore_mem>>) src(%dma_wait3A_147 : memref<42x120xi32, #tpu.memory_space<hbm>>) dst(%arg5 : memref<42x120xi32, #tpu.memory_space<vmem>>)
      tpu.yield
    }) : () -> ()
    %dma_start3A = arith.constant 0 : i32
    %dma_start3A_3 = arith.constant 0 : i32
    %dma_start3A_4 = arith.constant 0 : i32
    %dma_start3A_5 = arith.constant 0 : i32
    %dma_start3A_6 = tpu.memref_slice %arg6[%dma_start3A_3, %dma_start3A_4, %dma_start3A_5] : memref<6x120x128xf32, #tpu.memory_space<vmem>> -> memref<1x120x128xf32, #tpu.memory_space<vmem>>
    %dma_start3A_7 = tpu.memref_squeeze %dma_start3A_6 : memref<1x120x128xf32, #tpu.memory_space<vmem>> -> memref<120x128xf32, #tpu.memory_space<vmem>>
    %dma_start3A_8 = arith.constant 0 : i32
    %dma_start3A_9 = tpu.memref_slice %arg5[%dma_start3A, %dma_start3A_8] : memref<42x120xi32, #tpu.memory_space<vmem>> -> memref<1x120xi32, #tpu.memory_space<vmem>>
    %dma_start3A_10 = tpu.memref_squeeze %dma_start3A_9 : memref<1x120xi32, #tpu.memory_space<vmem>> -> memref<120xi32, #tpu.memory_space<vmem>>
    %dma_start3A_11 = arith.constant 0 : i32
    %dma_start3A_12 = arith.constant 0 : i32
    %dma_start3A_13 = tpu.memref_slice %arg2[%dma_start3A_11, %dma_start3A_12] : memref<10000x128xf32, #tpu.memory_space<hbm>> -> memref<10000x128xf32, #tpu.memory_space<hbm>>
    tpu.enqueue_indirect_dma source(%dma_start3A_13 : memref<10000x128xf32, #tpu.memory_space<hbm>>) target(%dma_start3A_7 : memref<120x128xf32, #tpu.memory_space<vmem>>) offsets(%dma_start3A_10 : memref<120xi32, #tpu.memory_space<vmem>>) semaphore(%arg7 : memref<!tpu.dma_semaphore, #tpu.memory_space<semaphore_mem>>)
    %dma_start3A_14 = arith.constant 1 : i32
    %dma_start3A_15 = arith.constant 1 : i32
    %dma_start3A_16 = arith.constant 0 : i32
    %dma_start3A_17 = arith.constant 0 : i32
    %dma_start3A_18 = tpu.memref_slice %arg6[%dma_start3A_15, %dma_start3A_16, %dma_start3A_17] : memref<6x120x128xf32, #tpu.memory_space<vmem>> -> memref<1x120x128xf32, #tpu.memory_space<vmem>>
    %dma_start3A_19 = tpu.memref_squeeze %dma_start3A_18 : memref<1x120x128xf32, #tpu.memory_space<vmem>> -> memref<120x128xf32, #tpu.memory_space<vmem>>
    %dma_start3A_20 = arith.constant 0 : i32
    %dma_start3A_21 = tpu.memref_slice %arg5[%dma_start3A_14, %dma_start3A_20] : memref<42x120xi32, #tpu.memory_space<vmem>> -> memref<1x120xi32, #tpu.memory_space<vmem>>
    %dma_start3A_22 = tpu.memref_squeeze %dma_start3A_21 : memref<1x120xi32, #tpu.memory_space<vmem>> -> memref<120xi32, #tpu.memory_space<vmem>>
    %dma_start3A_23 = arith.constant 0 : i32
    %dma_start3A_24 = arith.constant 0 : i32
    %dma_start3A_25 = tpu.memref_slice %arg2[%dma_start3A_23, %dma_start3A_24] : memref<10000x128xf32, #tpu.memory_space<hbm>> -> memref<10000x128xf32, #tpu.memory_space<hbm>>
    tpu.enqueue_indirect_dma source(%dma_start3A_25 : memref<10000x128xf32, #tpu.memory_space<hbm>>) target(%dma_start3A_19 : memref<120x128xf32, #tpu.memory_space<vmem>>) offsets(%dma_start3A_22 : memref<120xi32, #tpu.memory_space<vmem>>) semaphore(%arg8 : memref<!tpu.dma_semaphore, #tpu.memory_space<semaphore_mem>>)
    %dma_start3A_26 = arith.constant 2 : i32
    %dma_start3A_27 = arith.constant 2 : i32
    %dma_start3A_28 = arith.constant 0 : i32
    %dma_start3A_29 = arith.constant 0 : i32
    %dma_start3A_30 = tpu.memref_slice %arg6[%dma_start3A_27, %dma_start3A_28, %dma_start3A_29] : memref<6x120x128xf32, #tpu.memory_space<vmem>> -> memref<1x120x128xf32, #tpu.memory_space<vmem>>
    %dma_start3A_31 = tpu.memref_squeeze %dma_start3A_30 : memref<1x120x128xf32, #tpu.memory_space<vmem>> -> memref<120x128xf32, #tpu.memory_space<vmem>>
    %dma_start3A_32 = arith.constant 0 : i32
    %dma_start3A_33 = tpu.memref_slice %arg5[%dma_start3A_26, %dma_start3A_32] : memref<42x120xi32, #tpu.memory_space<vmem>> -> memref<1x120xi32, #tpu.memory_space<vmem>>
    %dma_start3A_34 = tpu.memref_squeeze %dma_start3A_33 : memref<1x120xi32, #tpu.memory_space<vmem>> -> memref<120xi32, #tpu.memory_space<vmem>>
    %dma_start3A_35 = arith.constant 0 : i32
    %dma_start3A_36 = arith.constant 0 : i32
    %dma_start3A_37 = tpu.memref_slice %arg2[%dma_start3A_35, %dma_start3A_36] : memref<10000x128xf32, #tpu.memory_space<hbm>> -> memref<10000x128xf32, #tpu.memory_space<hbm>>
    tpu.enqueue_indirect_dma source(%dma_start3A_37 : memref<10000x128xf32, #tpu.memory_space<hbm>>) target(%dma_start3A_31 : memref<120x128xf32, #tpu.memory_space<vmem>>) offsets(%dma_start3A_34 : memref<120xi32, #tpu.memory_space<vmem>>) semaphore(%arg9 : memref<!tpu.dma_semaphore, #tpu.memory_space<semaphore_mem>>)
    %scan3A = arith.constant 0 : i32
    %scan3A_38 = arith.constant 0 : i32
    %scan3A_39 = arith.constant 7 : i32
    %scan3A_40 = arith.addi %scan3A_38, %scan3A_39 : i32
    %scan3A_41 = arith.constant 1 : i32
    scf.for %scan3A_132 = %scan3A_38 to %scan3A_40 step %scan3A_41  : i32 {
      %mul3A_133 = arith.constant 6 : i32
      %mul3A_134 = arith.muli %scan3A_132, %mul3A_133 : i32
      %add3A_135 = arith.constant 0 : i32
      %add3A_136 = arith.addi %mul3A_134, %add3A_135 : i32
      %dma_wait3A_137 = arith.constant 0 : i32
      %dma_wait3A_138 = arith.constant 0 : i32
      %dma_wait3A_139 = arith.constant 0 : i32
      %dma_wait3A_140 = tpu.memref_slice %arg6[%dma_wait3A_137, %dma_wait3A_138, %dma_wait3A_139] : memref<6x120x128xf32, #tpu.memory_space<vmem>> -> memref<1x120x128xf32, #tpu.memory_space<vmem>>
      %dma_wait3A_141 = tpu.memref_squeeze %dma_wait3A_140 : memref<1x120x128xf32, #tpu.memory_space<vmem>> -> memref<120x128xf32, #tpu.memory_space<vmem>>
      %dma_wait3A_142 = arith.constant 0 : i32
      %dma_wait3A_143 = tpu.memref_slice %arg5[%add3A_136, %dma_wait3A_142] : memref<42x120xi32, #tpu.memory_space<vmem>> -> memref<1x120xi32, #tpu.memory_space<vmem>>
      %dma_wait3A_144 = tpu.memref_squeeze %dma_wait3A_143 : memref<1x120xi32, #tpu.memory_space<vmem>> -> memref<120xi32, #tpu.memory_space<vmem>>
      %dma_wait3A_145 = arith.constant 0 : i32
      %dma_wait3A_146 = arith.constant 0 : i32
      %dma_wait3A_147 = tpu.memref_slice %arg2[%dma_wait3A_145, %dma_wait3A_146] : memref<10000x128xf32, #tpu.memory_space<hbm>> -> memref<10000x128xf32, #tpu.memory_space<hbm>>
      tpu.wait_indirect_dma semaphore(%arg7 : memref<!tpu.dma_semaphore, #tpu.memory_space<semaphore_mem>>) src(%dma_wait3A_147 : memref<10000x128xf32, #tpu.memory_space<hbm>>) dst(%dma_wait3A_141 : memref<120x128xf32, #tpu.memory_space<vmem>>)
      %mul3A_148 = arith.constant 120 : i32
      %mul3A_149 = arith.muli %add3A_136, %mul3A_148 : i32
      %add3A_150 = arith.addi %mul3A_2, %mul3A_149 : i32
      %dma_start3A_151 = arith.constant 0 : i32
      %dma_start3A_152 = arith.constant 0 : i32
      %dma_start3A_153 = arith.constant 0 : i32
      %dma_start3A_154 = tpu.memref_slice %arg6[%dma_start3A_151, %dma_start3A_152, %dma_start3A_153] : memref<6x120x128xf32, #tpu.memory_space<vmem>> -> memref<1x120x128xf32, #tpu.memory_space<vmem>>
      %dma_start3A_155 = tpu.memref_squeeze %dma_start3A_154 : memref<1x120x128xf32, #tpu.memory_space<vmem>> -> memref<120x128xf32, #tpu.memory_space<vmem>>
      %dma_start3A_156 = arith.constant 0 : i32
      %dma_start3A_157 = tpu.memref_slice %arg4[%add3A_150, %dma_start3A_156] : memref<160000x128xf32, #tpu.memory_space<hbm>> -> memref<120x128xf32, #tpu.memory_space<hbm>>
      %dma_start3A_158 = arith.constant 0 : i32
      %dma_start3A_159 = tpu.memref_slice %arg4[%add3A_150, %dma_start3A_158] : memref<160000x128xf32, #tpu.memory_space<hbm>> -> memref<120x128xf32, #tpu.memory_space<hbm>>
      %dma_start3A_160 = arith.constant 0 : i32
      %dma_start3A_161 = arith.constant 0 : i32
      %dma_start3A_162 = tpu.memref_slice %arg6[%dma_start3A_151, %dma_start3A_160, %dma_start3A_161] : memref<6x120x128xf32, #tpu.memory_space<vmem>> -> memref<1x120x128xf32, #tpu.memory_space<vmem>>
      %dma_start3A_163 = tpu.memref_squeeze %dma_start3A_162 : memref<1x120x128xf32, #tpu.memory_space<vmem>> -> memref<120x128xf32, #tpu.memory_space<vmem>>
      tpu.enqueue_dma source(%dma_start3A_163 : memref<120x128xf32, #tpu.memory_space<vmem>>) target(%dma_start3A_159 : memref<120x128xf32, #tpu.memory_space<hbm>>) target_semaphore(%arg13 : memref<!tpu.dma_semaphore, #tpu.memory_space<semaphore_mem>>)
      %add3A_164 = arith.constant 3 : i32
      %add3A_165 = arith.addi %add3A_136, %add3A_164 : i32
      %ge3A = arith.constant 1 : i32
      %ge3A_166 = arith.cmpi sge, %scan3A_132, %ge3A : i32
      %convert_element_type3A = arith.extui %ge3A_166 : i1 to i32
      %cond3A = arith.constant 0 : i32
      %cond3A_167 = arith.cmpi ne, %convert_element_type3A, %cond3A : i32
      scf.if %cond3A_167 {
        %add3A_383 = arith.constant 0 : i32
        %add3A_384 = arith.addi %mul3A_2, %add3A_383 : i32
        %dma_wait3A_385 = arith.constant 3 : i32
        %dma_wait3A_386 = arith.constant 0 : i32
        %dma_wait3A_387 = arith.constant 0 : i32
        %dma_wait3A_388 = tpu.memref_slice %arg6[%dma_wait3A_385, %dma_wait3A_386, %dma_wait3A_387] : memref<6x120x128xf32, #tpu.memory_space<vmem>> -> memref<1x120x128xf32, #tpu.memory_space<vmem>>
        %dma_wait3A_389 = tpu.memref_squeeze %dma_wait3A_388 : memref<1x120x128xf32, #tpu.memory_space<vmem>> -> memref<120x128xf32, #tpu.memory_space<vmem>>
        %dma_wait3A_390 = arith.constant 0 : i32
        %dma_wait3A_391 = tpu.memref_slice %arg4[%add3A_384, %dma_wait3A_390] : memref<160000x128xf32, #tpu.memory_space<hbm>> -> memref<120x128xf32, #tpu.memory_space<hbm>>
        %dma_wait3A_392 = arith.constant 0 : i32
        %dma_wait3A_393 = tpu.memref_slice %arg4[%add3A_384, %dma_wait3A_392] : memref<160000x128xf32, #tpu.memory_space<hbm>> -> memref<120x128xf32, #tpu.memory_space<hbm>>
        %dma_wait3A_394 = arith.constant 0 : i32
        %dma_wait3A_395 = arith.constant 0 : i32
        %dma_wait3A_396 = tpu.memref_slice %arg6[%dma_wait3A_385, %dma_wait3A_394, %dma_wait3A_395] : memref<6x120x128xf32, #tpu.memory_space<vmem>> -> memref<1x120x128xf32, #tpu.memory_space<vmem>>
        %dma_wait3A_397 = tpu.memref_squeeze %dma_wait3A_396 : memref<1x120x128xf32, #tpu.memory_space<vmem>> -> memref<120x128xf32, #tpu.memory_space<vmem>>
        tpu.wait_dma2 semaphore(%arg16 : memref<!tpu.dma_semaphore, #tpu.memory_space<semaphore_mem>>) src(%dma_wait3A_397 : memref<120x128xf32, #tpu.memory_space<vmem>>) dst(%dma_wait3A_393 : memref<120x128xf32, #tpu.memory_space<hbm>>)
      } else {
      }
      %dma_start3A_168 = arith.constant 3 : i32
      %dma_start3A_169 = arith.constant 0 : i32
      %dma_start3A_170 = arith.constant 0 : i32
      %dma_start3A_171 = tpu.memref_slice %arg6[%dma_start3A_168, %dma_start3A_169, %dma_start3A_170] : memref<6x120x128xf32, #tpu.memory_space<vmem>> -> memref<1x120x128xf32, #tpu.memory_space<vmem>>
      %dma_start3A_172 = tpu.memref_squeeze %dma_start3A_171 : memref<1x120x128xf32, #tpu.memory_space<vmem>> -> memref<120x128xf32, #tpu.memory_space<vmem>>
      %dma_start3A_173 = arith.constant 0 : i32
      %dma_start3A_174 = tpu.memref_slice %arg5[%add3A_165, %dma_start3A_173] : memref<42x120xi32, #tpu.memory_space<vmem>> -> memref<1x120xi32, #tpu.memory_space<vmem>>
      %dma_start3A_175 = tpu.memref_squeeze %dma_start3A_174 : memref<1x120xi32, #tpu.memory_space<vmem>> -> memref<120xi32, #tpu.memory_space<vmem>>
      %dma_start3A_176 = arith.constant 0 : i32
      %dma_start3A_177 = arith.constant 0 : i32
      %dma_start3A_178 = tpu.memref_slice %arg2[%dma_start3A_176, %dma_start3A_177] : memref<10000x128xf32, #tpu.memory_space<hbm>> -> memref<10000x128xf32, #tpu.memory_space<hbm>>
      tpu.enqueue_indirect_dma source(%dma_start3A_178 : memref<10000x128xf32, #tpu.memory_space<hbm>>) target(%dma_start3A_172 : memref<120x128xf32, #tpu.memory_space<vmem>>) offsets(%dma_start3A_175 : memref<120xi32, #tpu.memory_space<vmem>>) semaphore(%arg10 : memref<!tpu.dma_semaphore, #tpu.memory_space<semaphore_mem>>)
      %mul3A_179 = arith.constant 6 : i32
      %mul3A_180 = arith.muli %scan3A_132, %mul3A_179 : i32
      %add3A_181 = arith.constant 1 : i32
      %add3A_182 = arith.addi %mul3A_180, %add3A_181 : i32
      %dma_wait3A_183 = arith.constant 1 : i32
      %dma_wait3A_184 = arith.constant 0 : i32
      %dma_wait3A_185 = arith.constant 0 : i32
      %dma_wait3A_186 = tpu.memref_slice %arg6[%dma_wait3A_183, %dma_wait3A_184, %dma_wait3A_185] : memref<6x120x128xf32, #tpu.memory_space<vmem>> -> memref<1x120x128xf32, #tpu.memory_space<vmem>>
      %dma_wait3A_187 = tpu.memref_squeeze %dma_wait3A_186 : memref<1x120x128xf32, #tpu.memory_space<vmem>> -> memref<120x128xf32, #tpu.memory_space<vmem>>
      %dma_wait3A_188 = arith.constant 0 : i32
      %dma_wait3A_189 = tpu.memref_slice %arg5[%add3A_182, %dma_wait3A_188] : memref<42x120xi32, #tpu.memory_space<vmem>> -> memref<1x120xi32, #tpu.memory_space<vmem>>
      %dma_wait3A_190 = tpu.memref_squeeze %dma_wait3A_189 : memref<1x120xi32, #tpu.memory_space<vmem>> -> memref<120xi32, #tpu.memory_space<vmem>>
      %dma_wait3A_191 = arith.constant 0 : i32
      %dma_wait3A_192 = arith.constant 0 : i32
      %dma_wait3A_193 = tpu.memref_slice %arg2[%dma_wait3A_191, %dma_wait3A_192] : memref<10000x128xf32, #tpu.memory_space<hbm>> -> memref<10000x128xf32, #tpu.memory_space<hbm>>
      tpu.wait_indirect_dma semaphore(%arg8 : memref<!tpu.dma_semaphore, #tpu.memory_space<semaphore_mem>>) src(%dma_wait3A_193 : memref<10000x128xf32, #tpu.memory_space<hbm>>) dst(%dma_wait3A_187 : memref<120x128xf32, #tpu.memory_space<vmem>>)
      %mul3A_194 = arith.constant 120 : i32
      %mul3A_195 = arith.muli %add3A_182, %mul3A_194 : i32
      %add3A_196 = arith.addi %mul3A_2, %mul3A_195 : i32
      %dma_start3A_197 = arith.constant 1 : i32
      %dma_start3A_198 = arith.constant 0 : i32
      %dma_start3A_199 = arith.constant 0 : i32
      %dma_start3A_200 = tpu.memref_slice %arg6[%dma_start3A_197, %dma_start3A_198, %dma_start3A_199] : memref<6x120x128xf32, #tpu.memory_space<vmem>> -> memref<1x120x128xf32, #tpu.memory_space<vmem>>
      %dma_start3A_201 = tpu.memref_squeeze %dma_start3A_200 : memref<1x120x128xf32, #tpu.memory_space<vmem>> -> memref<120x128xf32, #tpu.memory_space<vmem>>
      %dma_start3A_202 = arith.constant 0 : i32
      %dma_start3A_203 = tpu.memref_slice %arg4[%add3A_196, %dma_start3A_202] : memref<160000x128xf32, #tpu.memory_space<hbm>> -> memref<120x128xf32, #tpu.memory_space<hbm>>
      %dma_start3A_204 = arith.constant 0 : i32
      %dma_start3A_205 = tpu.memref_slice %arg4[%add3A_196, %dma_start3A_204] : memref<160000x128xf32, #tpu.memory_space<hbm>> -> memref<120x128xf32, #tpu.memory_space<hbm>>
      %dma_start3A_206 = arith.constant 0 : i32
      %dma_start3A_207 = arith.constant 0 : i32
      %dma_start3A_208 = tpu.memref_slice %arg6[%dma_start3A_197, %dma_start3A_206, %dma_start3A_207] : memref<6x120x128xf32, #tpu.memory_space<vmem>> -> memref<1x120x128xf32, #tpu.memory_space<vmem>>
      %dma_start3A_209 = tpu.memref_squeeze %dma_start3A_208 : memref<1x120x128xf32, #tpu.memory_space<vmem>> -> memref<120x128xf32, #tpu.memory_space<vmem>>
      tpu.enqueue_dma source(%dma_start3A_209 : memref<120x128xf32, #tpu.memory_space<vmem>>) target(%dma_start3A_205 : memref<120x128xf32, #tpu.memory_space<hbm>>) target_semaphore(%arg14 : memref<!tpu.dma_semaphore, #tpu.memory_space<semaphore_mem>>)
      %add3A_210 = arith.constant 3 : i32
      %add3A_211 = arith.addi %add3A_182, %add3A_210 : i32
      %ge3A_212 = arith.constant 1 : i32
      %ge3A_213 = arith.cmpi sge, %scan3A_132, %ge3A_212 : i32
      %convert_element_type3A_214 = arith.extui %ge3A_213 : i1 to i32
      %cond3A_215 = arith.constant 0 : i32
      %cond3A_216 = arith.cmpi ne, %convert_element_type3A_214, %cond3A_215 : i32
      scf.if %cond3A_216 {
        %add3A_383 = arith.constant 0 : i32
        %add3A_384 = arith.addi %mul3A_2, %add3A_383 : i32
        %dma_wait3A_385 = arith.constant 4 : i32
        %dma_wait3A_386 = arith.constant 0 : i32
        %dma_wait3A_387 = arith.constant 0 : i32
        %dma_wait3A_388 = tpu.memref_slice %arg6[%dma_wait3A_385, %dma_wait3A_386, %dma_wait3A_387] : memref<6x120x128xf32, #tpu.memory_space<vmem>> -> memref<1x120x128xf32, #tpu.memory_space<vmem>>
        %dma_wait3A_389 = tpu.memref_squeeze %dma_wait3A_388 : memref<1x120x128xf32, #tpu.memory_space<vmem>> -> memref<120x128xf32, #tpu.memory_space<vmem>>
        %dma_wait3A_390 = arith.constant 0 : i32
        %dma_wait3A_391 = tpu.memref_slice %arg4[%add3A_384, %dma_wait3A_390] : memref<160000x128xf32, #tpu.memory_space<hbm>> -> memref<120x128xf32, #tpu.memory_space<hbm>>
        %dma_wait3A_392 = arith.constant 0 : i32
        %dma_wait3A_393 = tpu.memref_slice %arg4[%add3A_384, %dma_wait3A_392] : memref<160000x128xf32, #tpu.memory_space<hbm>> -> memref<120x128xf32, #tpu.memory_space<hbm>>
        %dma_wait3A_394 = arith.constant 0 : i32
        %dma_wait3A_395 = arith.constant 0 : i32
        %dma_wait3A_396 = tpu.memref_slice %arg6[%dma_wait3A_385, %dma_wait3A_394, %dma_wait3A_395] : memref<6x120x128xf32, #tpu.memory_space<vmem>> -> memref<1x120x128xf32, #tpu.memory_space<vmem>>
        %dma_wait3A_397 = tpu.memref_squeeze %dma_wait3A_396 : memref<1x120x128xf32, #tpu.memory_space<vmem>> -> memref<120x128xf32, #tpu.memory_space<vmem>>
        tpu.wait_dma2 semaphore(%arg17 : memref<!tpu.dma_semaphore, #tpu.memory_space<semaphore_mem>>) src(%dma_wait3A_397 : memref<120x128xf32, #tpu.memory_space<vmem>>) dst(%dma_wait3A_393 : memref<120x128xf32, #tpu.memory_space<hbm>>)
      } else {
      }
      %dma_start3A_217 = arith.constant 4 : i32
      %dma_start3A_218 = arith.constant 0 : i32
      %dma_start3A_219 = arith.constant 0 : i32
      %dma_start3A_220 = tpu.memref_slice %arg6[%dma_start3A_217, %dma_start3A_218, %dma_start3A_219] : memref<6x120x128xf32, #tpu.memory_space<vmem>> -> memref<1x120x128xf32, #tpu.memory_space<vmem>>
      %dma_start3A_221 = tpu.memref_squeeze %dma_start3A_220 : memref<1x120x128xf32, #tpu.memory_space<vmem>> -> memref<120x128xf32, #tpu.memory_space<vmem>>
      %dma_start3A_222 = arith.constant 0 : i32
      %dma_start3A_223 = tpu.memref_slice %arg5[%add3A_211, %dma_start3A_222] : memref<42x120xi32, #tpu.memory_space<vmem>> -> memref<1x120xi32, #tpu.memory_space<vmem>>
      %dma_start3A_224 = tpu.memref_squeeze %dma_start3A_223 : memref<1x120xi32, #tpu.memory_space<vmem>> -> memref<120xi32, #tpu.memory_space<vmem>>
      %dma_start3A_225 = arith.constant 0 : i32
      %dma_start3A_226 = arith.constant 0 : i32
      %dma_start3A_227 = tpu.memref_slice %arg2[%dma_start3A_225, %dma_start3A_226] : memref<10000x128xf32, #tpu.memory_space<hbm>> -> memref<10000x128xf32, #tpu.memory_space<hbm>>
      tpu.enqueue_indirect_dma source(%dma_start3A_227 : memref<10000x128xf32, #tpu.memory_space<hbm>>) target(%dma_start3A_221 : memref<120x128xf32, #tpu.memory_space<vmem>>) offsets(%dma_start3A_224 : memref<120xi32, #tpu.memory_space<vmem>>) semaphore(%arg11 : memref<!tpu.dma_semaphore, #tpu.memory_space<semaphore_mem>>)
      %mul3A_228 = arith.constant 6 : i32
      %mul3A_229 = arith.muli %scan3A_132, %mul3A_228 : i32
      %add3A_230 = arith.constant 2 : i32
      %add3A_231 = arith.addi %mul3A_229, %add3A_230 : i32
      %dma_wait3A_232 = arith.constant 2 : i32
      %dma_wait3A_233 = arith.constant 0 : i32
      %dma_wait3A_234 = arith.constant 0 : i32
      %dma_wait3A_235 = tpu.memref_slice %arg6[%dma_wait3A_232, %dma_wait3A_233, %dma_wait3A_234] : memref<6x120x128xf32, #tpu.memory_space<vmem>> -> memref<1x120x128xf32, #tpu.memory_space<vmem>>
      %dma_wait3A_236 = tpu.memref_squeeze %dma_wait3A_235 : memref<1x120x128xf32, #tpu.memory_space<vmem>> -> memref<120x128xf32, #tpu.memory_space<vmem>>
      %dma_wait3A_237 = arith.constant 0 : i32
      %dma_wait3A_238 = tpu.memref_slice %arg5[%add3A_231, %dma_wait3A_237] : memref<42x120xi32, #tpu.memory_space<vmem>> -> memref<1x120xi32, #tpu.memory_space<vmem>>
      %dma_wait3A_239 = tpu.memref_squeeze %dma_wait3A_238 : memref<1x120xi32, #tpu.memory_space<vmem>> -> memref<120xi32, #tpu.memory_space<vmem>>
      %dma_wait3A_240 = arith.constant 0 : i32
      %dma_wait3A_241 = arith.constant 0 : i32
      %dma_wait3A_242 = tpu.memref_slice %arg2[%dma_wait3A_240, %dma_wait3A_241] : memref<10000x128xf32, #tpu.memory_space<hbm>> -> memref<10000x128xf32, #tpu.memory_space<hbm>>
      tpu.wait_indirect_dma semaphore(%arg9 : memref<!tpu.dma_semaphore, #tpu.memory_space<semaphore_mem>>) src(%dma_wait3A_242 : memref<10000x128xf32, #tpu.memory_space<hbm>>) dst(%dma_wait3A_236 : memref<120x128xf32, #tpu.memory_space<vmem>>)
      %mul3A_243 = arith.constant 120 : i32
      %mul3A_244 = arith.muli %add3A_231, %mul3A_243 : i32
      %add3A_245 = arith.addi %mul3A_2, %mul3A_244 : i32
      %dma_start3A_246 = arith.constant 2 : i32
      %dma_start3A_247 = arith.constant 0 : i32
      %dma_start3A_248 = arith.constant 0 : i32
      %dma_start3A_249 = tpu.memref_slice %arg6[%dma_start3A_246, %dma_start3A_247, %dma_start3A_248] : memref<6x120x128xf32, #tpu.memory_space<vmem>> -> memref<1x120x128xf32, #tpu.memory_space<vmem>>
      %dma_start3A_250 = tpu.memref_squeeze %dma_start3A_249 : memref<1x120x128xf32, #tpu.memory_space<vmem>> -> memref<120x128xf32, #tpu.memory_space<vmem>>
      %dma_start3A_251 = arith.constant 0 : i32
      %dma_start3A_252 = tpu.memref_slice %arg4[%add3A_245, %dma_start3A_251] : memref<160000x128xf32, #tpu.memory_space<hbm>> -> memref<120x128xf32, #tpu.memory_space<hbm>>
      %dma_start3A_253 = arith.constant 0 : i32
      %dma_start3A_254 = tpu.memref_slice %arg4[%add3A_245, %dma_start3A_253] : memref<160000x128xf32, #tpu.memory_space<hbm>> -> memref<120x128xf32, #tpu.memory_space<hbm>>
      %dma_start3A_255 = arith.constant 0 : i32
      %dma_start3A_256 = arith.constant 0 : i32
      %dma_start3A_257 = tpu.memref_slice %arg6[%dma_start3A_246, %dma_start3A_255, %dma_start3A_256] : memref<6x120x128xf32, #tpu.memory_space<vmem>> -> memref<1x120x128xf32, #tpu.memory_space<vmem>>
      %dma_start3A_258 = tpu.memref_squeeze %dma_start3A_257 : memref<1x120x128xf32, #tpu.memory_space<vmem>> -> memref<120x128xf32, #tpu.memory_space<vmem>>
      tpu.enqueue_dma source(%dma_start3A_258 : memref<120x128xf32, #tpu.memory_space<vmem>>) target(%dma_start3A_254 : memref<120x128xf32, #tpu.memory_space<hbm>>) target_semaphore(%arg15 : memref<!tpu.dma_semaphore, #tpu.memory_space<semaphore_mem>>)
      %add3A_259 = arith.constant 3 : i32
      %add3A_260 = arith.addi %add3A_231, %add3A_259 : i32
      %ge3A_261 = arith.constant 1 : i32
      %ge3A_262 = arith.cmpi sge, %scan3A_132, %ge3A_261 : i32
      %convert_element_type3A_263 = arith.extui %ge3A_262 : i1 to i32
      %cond3A_264 = arith.constant 0 : i32
      %cond3A_265 = arith.cmpi ne, %convert_element_type3A_263, %cond3A_264 : i32
      scf.if %cond3A_265 {
        %add3A_383 = arith.constant 0 : i32
        %add3A_384 = arith.addi %mul3A_2, %add3A_383 : i32
        %dma_wait3A_385 = arith.constant 5 : i32
        %dma_wait3A_386 = arith.constant 0 : i32
        %dma_wait3A_387 = arith.constant 0 : i32
        %dma_wait3A_388 = tpu.memref_slice %arg6[%dma_wait3A_385, %dma_wait3A_386, %dma_wait3A_387] : memref<6x120x128xf32, #tpu.memory_space<vmem>> -> memref<1x120x128xf32, #tpu.memory_space<vmem>>
        %dma_wait3A_389 = tpu.memref_squeeze %dma_wait3A_388 : memref<1x120x128xf32, #tpu.memory_space<vmem>> -> memref<120x128xf32, #tpu.memory_space<vmem>>
        %dma_wait3A_390 = arith.constant 0 : i32
        %dma_wait3A_391 = tpu.memref_slice %arg4[%add3A_384, %dma_wait3A_390] : memref<160000x128xf32, #tpu.memory_space<hbm>> -> memref<120x128xf32, #tpu.memory_space<hbm>>
        %dma_wait3A_392 = arith.constant 0 : i32
        %dma_wait3A_393 = tpu.memref_slice %arg4[%add3A_384, %dma_wait3A_392] : memref<160000x128xf32, #tpu.memory_space<hbm>> -> memref<120x128xf32, #tpu.memory_space<hbm>>
        %dma_wait3A_394 = arith.constant 0 : i32
        %dma_wait3A_395 = arith.constant 0 : i32
        %dma_wait3A_396 = tpu.memref_slice %arg6[%dma_wait3A_385, %dma_wait3A_394, %dma_wait3A_395] : memref<6x120x128xf32, #tpu.memory_space<vmem>> -> memref<1x120x128xf32, #tpu.memory_space<vmem>>
        %dma_wait3A_397 = tpu.memref_squeeze %dma_wait3A_396 : memref<1x120x128xf32, #tpu.memory_space<vmem>> -> memref<120x128xf32, #tpu.memory_space<vmem>>
        tpu.wait_dma2 semaphore(%arg18 : memref<!tpu.dma_semaphore, #tpu.memory_space<semaphore_mem>>) src(%dma_wait3A_397 : memref<120x128xf32, #tpu.memory_space<vmem>>) dst(%dma_wait3A_393 : memref<120x128xf32, #tpu.memory_space<hbm>>)
      } else {
      }
      %dma_start3A_266 = arith.constant 5 : i32
      %dma_start3A_267 = arith.constant 0 : i32
      %dma_start3A_268 = arith.constant 0 : i32
      %dma_start3A_269 = tpu.memref_slice %arg6[%dma_start3A_266, %dma_start3A_267, %dma_start3A_268] : memref<6x120x128xf32, #tpu.memory_space<vmem>> -> memref<1x120x128xf32, #tpu.memory_space<vmem>>
      %dma_start3A_270 = tpu.memref_squeeze %dma_start3A_269 : memref<1x120x128xf32, #tpu.memory_space<vmem>> -> memref<120x128xf32, #tpu.memory_space<vmem>>
      %dma_start3A_271 = arith.constant 0 : i32
      %dma_start3A_272 = tpu.memref_slice %arg5[%add3A_260, %dma_start3A_271] : memref<42x120xi32, #tpu.memory_space<vmem>> -> memref<1x120xi32, #tpu.memory_space<vmem>>
      %dma_start3A_273 = tpu.memref_squeeze %dma_start3A_272 : memref<1x120xi32, #tpu.memory_space<vmem>> -> memref<120xi32, #tpu.memory_space<vmem>>
      %dma_start3A_274 = arith.constant 0 : i32
      %dma_start3A_275 = arith.constant 0 : i32
      %dma_start3A_276 = tpu.memref_slice %arg2[%dma_start3A_274, %dma_start3A_275] : memref<10000x128xf32, #tpu.memory_space<hbm>> -> memref<10000x128xf32, #tpu.memory_space<hbm>>
      tpu.enqueue_indirect_dma source(%dma_start3A_276 : memref<10000x128xf32, #tpu.memory_space<hbm>>) target(%dma_start3A_270 : memref<120x128xf32, #tpu.memory_space<vmem>>) offsets(%dma_start3A_273 : memref<120xi32, #tpu.memory_space<vmem>>) semaphore(%arg12 : memref<!tpu.dma_semaphore, #tpu.memory_space<semaphore_mem>>)
      %mul3A_277 = arith.constant 6 : i32
      %mul3A_278 = arith.muli %scan3A_132, %mul3A_277 : i32
      %add3A_279 = arith.constant 3 : i32
      %add3A_280 = arith.addi %mul3A_278, %add3A_279 : i32
      %dma_wait3A_281 = arith.constant 3 : i32
      %dma_wait3A_282 = arith.constant 0 : i32
      %dma_wait3A_283 = arith.constant 0 : i32
      %dma_wait3A_284 = tpu.memref_slice %arg6[%dma_wait3A_281, %dma_wait3A_282, %dma_wait3A_283] : memref<6x120x128xf32, #tpu.memory_space<vmem>> -> memref<1x120x128xf32, #tpu.memory_space<vmem>>
      %dma_wait3A_285 = tpu.memref_squeeze %dma_wait3A_284 : memref<1x120x128xf32, #tpu.memory_space<vmem>> -> memref<120x128xf32, #tpu.memory_space<vmem>>
      %dma_wait3A_286 = arith.constant 0 : i32
      %dma_wait3A_287 = tpu.memref_slice %arg5[%add3A_280, %dma_wait3A_286] : memref<42x120xi32, #tpu.memory_space<vmem>> -> memref<1x120xi32, #tpu.memory_space<vmem>>
      %dma_wait3A_288 = tpu.memref_squeeze %dma_wait3A_287 : memref<1x120xi32, #tpu.memory_space<vmem>> -> memref<120xi32, #tpu.memory_space<vmem>>
      %dma_wait3A_289 = arith.constant 0 : i32
      %dma_wait3A_290 = arith.constant 0 : i32
      %dma_wait3A_291 = tpu.memref_slice %arg2[%dma_wait3A_289, %dma_wait3A_290] : memref<10000x128xf32, #tpu.memory_space<hbm>> -> memref<10000x128xf32, #tpu.memory_space<hbm>>
      tpu.wait_indirect_dma semaphore(%arg10 : memref<!tpu.dma_semaphore, #tpu.memory_space<semaphore_mem>>) src(%dma_wait3A_291 : memref<10000x128xf32, #tpu.memory_space<hbm>>) dst(%dma_wait3A_285 : memref<120x128xf32, #tpu.memory_space<vmem>>)
      %mul3A_292 = arith.constant 120 : i32
      %mul3A_293 = arith.muli %add3A_280, %mul3A_292 : i32
      %add3A_294 = arith.addi %mul3A_2, %mul3A_293 : i32
      %dma_start3A_295 = arith.constant 3 : i32
      %dma_start3A_296 = arith.constant 0 : i32
      %dma_start3A_297 = arith.constant 0 : i32
      %dma_start3A_298 = tpu.memref_slice %arg6[%dma_start3A_295, %dma_start3A_296, %dma_start3A_297] : memref<6x120x128xf32, #tpu.memory_space<vmem>> -> memref<1x120x128xf32, #tpu.memory_space<vmem>>
      %dma_start3A_299 = tpu.memref_squeeze %dma_start3A_298 : memref<1x120x128xf32, #tpu.memory_space<vmem>> -> memref<120x128xf32, #tpu.memory_space<vmem>>
      %dma_start3A_300 = arith.constant 0 : i32
      %dma_start3A_301 = tpu.memref_slice %arg4[%add3A_294, %dma_start3A_300] : memref<160000x128xf32, #tpu.memory_space<hbm>> -> memref<120x128xf32, #tpu.memory_space<hbm>>
      %dma_start3A_302 = arith.constant 0 : i32
      %dma_start3A_303 = tpu.memref_slice %arg4[%add3A_294, %dma_start3A_302] : memref<160000x128xf32, #tpu.memory_space<hbm>> -> memref<120x128xf32, #tpu.memory_space<hbm>>
      %dma_start3A_304 = arith.constant 0 : i32
      %dma_start3A_305 = arith.constant 0 : i32
      %dma_start3A_306 = tpu.memref_slice %arg6[%dma_start3A_295, %dma_start3A_304, %dma_start3A_305] : memref<6x120x128xf32, #tpu.memory_space<vmem>> -> memref<1x120x128xf32, #tpu.memory_space<vmem>>
      %dma_start3A_307 = tpu.memref_squeeze %dma_start3A_306 : memref<1x120x128xf32, #tpu.memory_space<vmem>> -> memref<120x128xf32, #tpu.memory_space<vmem>>
      tpu.enqueue_dma source(%dma_start3A_307 : memref<120x128xf32, #tpu.memory_space<vmem>>) target(%dma_start3A_303 : memref<120x128xf32, #tpu.memory_space<hbm>>) target_semaphore(%arg16 : memref<!tpu.dma_semaphore, #tpu.memory_space<semaphore_mem>>)
      %add3A_308 = arith.constant 3 : i32
      %add3A_309 = arith.addi %add3A_280, %add3A_308 : i32
      %lt3A = arith.constant 6 : i32
      %lt3A_310 = arith.cmpi slt, %scan3A_132, %lt3A : i32
      %convert_element_type3A_311 = arith.extui %lt3A_310 : i1 to i32
      %cond3A_312 = arith.constant 0 : i32
      %cond3A_313 = arith.cmpi ne, %convert_element_type3A_311, %cond3A_312 : i32
      scf.if %cond3A_313 {
        %add3A_383 = arith.constant 0 : i32
        %add3A_384 = arith.addi %mul3A_2, %add3A_383 : i32
        %dma_wait3A_385 = arith.constant 0 : i32
        %dma_wait3A_386 = arith.constant 0 : i32
        %dma_wait3A_387 = arith.constant 0 : i32
        %dma_wait3A_388 = tpu.memref_slice %arg6[%dma_wait3A_385, %dma_wait3A_386, %dma_wait3A_387] : memref<6x120x128xf32, #tpu.memory_space<vmem>> -> memref<1x120x128xf32, #tpu.memory_space<vmem>>
        %dma_wait3A_389 = tpu.memref_squeeze %dma_wait3A_388 : memref<1x120x128xf32, #tpu.memory_space<vmem>> -> memref<120x128xf32, #tpu.memory_space<vmem>>
        %dma_wait3A_390 = arith.constant 0 : i32
        %dma_wait3A_391 = tpu.memref_slice %arg4[%add3A_384, %dma_wait3A_390] : memref<160000x128xf32, #tpu.memory_space<hbm>> -> memref<120x128xf32, #tpu.memory_space<hbm>>
        %dma_wait3A_392 = arith.constant 0 : i32
        %dma_wait3A_393 = tpu.memref_slice %arg4[%add3A_384, %dma_wait3A_392] : memref<160000x128xf32, #tpu.memory_space<hbm>> -> memref<120x128xf32, #tpu.memory_space<hbm>>
        %dma_wait3A_394 = arith.constant 0 : i32
        %dma_wait3A_395 = arith.constant 0 : i32
        %dma_wait3A_396 = tpu.memref_slice %arg6[%dma_wait3A_385, %dma_wait3A_394, %dma_wait3A_395] : memref<6x120x128xf32, #tpu.memory_space<vmem>> -> memref<1x120x128xf32, #tpu.memory_space<vmem>>
        %dma_wait3A_397 = tpu.memref_squeeze %dma_wait3A_396 : memref<1x120x128xf32, #tpu.memory_space<vmem>> -> memref<120x128xf32, #tpu.memory_space<vmem>>
        tpu.wait_dma2 semaphore(%arg13 : memref<!tpu.dma_semaphore, #tpu.memory_space<semaphore_mem>>) src(%dma_wait3A_397 : memref<120x128xf32, #tpu.memory_space<vmem>>) dst(%dma_wait3A_393 : memref<120x128xf32, #tpu.memory_space<hbm>>)
        %dma_start3A_398 = arith.constant 0 : i32
        %dma_start3A_399 = arith.constant 0 : i32
        %dma_start3A_400 = arith.constant 0 : i32
        %dma_start3A_401 = tpu.memref_slice %arg6[%dma_start3A_398, %dma_start3A_399, %dma_start3A_400] : memref<6x120x128xf32, #tpu.memory_space<vmem>> -> memref<1x120x128xf32, #tpu.memory_space<vmem>>
        %dma_start3A_402 = tpu.memref_squeeze %dma_start3A_401 : memref<1x120x128xf32, #tpu.memory_space<vmem>> -> memref<120x128xf32, #tpu.memory_space<vmem>>
        %dma_start3A_403 = arith.constant 0 : i32
        %dma_start3A_404 = tpu.memref_slice %arg5[%add3A_309, %dma_start3A_403] : memref<42x120xi32, #tpu.memory_space<vmem>> -> memref<1x120xi32, #tpu.memory_space<vmem>>
        %dma_start3A_405 = tpu.memref_squeeze %dma_start3A_404 : memref<1x120xi32, #tpu.memory_space<vmem>> -> memref<120xi32, #tpu.memory_space<vmem>>
        %dma_start3A_406 = arith.constant 0 : i32
        %dma_start3A_407 = arith.constant 0 : i32
        %dma_start3A_408 = tpu.memref_slice %arg2[%dma_start3A_406, %dma_start3A_407] : memref<10000x128xf32, #tpu.memory_space<hbm>> -> memref<10000x128xf32, #tpu.memory_space<hbm>>
        tpu.enqueue_indirect_dma source(%dma_start3A_408 : memref<10000x128xf32, #tpu.memory_space<hbm>>) target(%dma_start3A_402 : memref<120x128xf32, #tpu.memory_space<vmem>>) offsets(%dma_start3A_405 : memref<120xi32, #tpu.memory_space<vmem>>) semaphore(%arg7 : memref<!tpu.dma_semaphore, #tpu.memory_space<semaphore_mem>>)
      } else {
      }
      %mul3A_314 = arith.constant 6 : i32
      %mul3A_315 = arith.muli %scan3A_132, %mul3A_314 : i32
      %add3A_316 = arith.constant 4 : i32
      %add3A_317 = arith.addi %mul3A_315, %add3A_316 : i32
      %dma_wait3A_318 = arith.constant 4 : i32
      %dma_wait3A_319 = arith.constant 0 : i32
      %dma_wait3A_320 = arith.constant 0 : i32
      %dma_wait3A_321 = tpu.memref_slice %arg6[%dma_wait3A_318, %dma_wait3A_319, %dma_wait3A_320] : memref<6x120x128xf32, #tpu.memory_space<vmem>> -> memref<1x120x128xf32, #tpu.memory_space<vmem>>
      %dma_wait3A_322 = tpu.memref_squeeze %dma_wait3A_321 : memref<1x120x128xf32, #tpu.memory_space<vmem>> -> memref<120x128xf32, #tpu.memory_space<vmem>>
      %dma_wait3A_323 = arith.constant 0 : i32
      %dma_wait3A_324 = tpu.memref_slice %arg5[%add3A_317, %dma_wait3A_323] : memref<42x120xi32, #tpu.memory_space<vmem>> -> memref<1x120xi32, #tpu.memory_space<vmem>>
      %dma_wait3A_325 = tpu.memref_squeeze %dma_wait3A_324 : memref<1x120xi32, #tpu.memory_space<vmem>> -> memref<120xi32, #tpu.memory_space<vmem>>
      %dma_wait3A_326 = arith.constant 0 : i32
      %dma_wait3A_327 = arith.constant 0 : i32
      %dma_wait3A_328 = tpu.memref_slice %arg2[%dma_wait3A_326, %dma_wait3A_327] : memref<10000x128xf32, #tpu.memory_space<hbm>> -> memref<10000x128xf32, #tpu.memory_space<hbm>>
      tpu.wait_indirect_dma semaphore(%arg11 : memref<!tpu.dma_semaphore, #tpu.memory_space<semaphore_mem>>) src(%dma_wait3A_328 : memref<10000x128xf32, #tpu.memory_space<hbm>>) dst(%dma_wait3A_322 : memref<120x128xf32, #tpu.memory_space<vmem>>)
      %mul3A_329 = arith.constant 120 : i32
      %mul3A_330 = arith.muli %add3A_317, %mul3A_329 : i32
      %add3A_331 = arith.addi %mul3A_2, %mul3A_330 : i32
      %dma_start3A_332 = arith.constant 4 : i32
      %dma_start3A_333 = arith.constant 0 : i32
      %dma_start3A_334 = arith.constant 0 : i32
      %dma_start3A_335 = tpu.memref_slice %arg6[%dma_start3A_332, %dma_start3A_333, %dma_start3A_334] : memref<6x120x128xf32, #tpu.memory_space<vmem>> -> memref<1x120x128xf32, #tpu.memory_space<vmem>>
      %dma_start3A_336 = tpu.memref_squeeze %dma_start3A_335 : memref<1x120x128xf32, #tpu.memory_space<vmem>> -> memref<120x128xf32, #tpu.memory_space<vmem>>
      %dma_start3A_337 = arith.constant 0 : i32
      %dma_start3A_338 = tpu.memref_slice %arg4[%add3A_331, %dma_start3A_337] : memref<160000x128xf32, #tpu.memory_space<hbm>> -> memref<120x128xf32, #tpu.memory_space<hbm>>
      %dma_start3A_339 = arith.constant 0 : i32
      %dma_start3A_340 = tpu.memref_slice %arg4[%add3A_331, %dma_start3A_339] : memref<160000x128xf32, #tpu.memory_space<hbm>> -> memref<120x128xf32, #tpu.memory_space<hbm>>
      %dma_start3A_341 = arith.constant 0 : i32
      %dma_start3A_342 = arith.constant 0 : i32
      %dma_start3A_343 = tpu.memref_slice %arg6[%dma_start3A_332, %dma_start3A_341, %dma_start3A_342] : memref<6x120x128xf32, #tpu.memory_space<vmem>> -> memref<1x120x128xf32, #tpu.memory_space<vmem>>
      %dma_start3A_344 = tpu.memref_squeeze %dma_start3A_343 : memref<1x120x128xf32, #tpu.memory_space<vmem>> -> memref<120x128xf32, #tpu.memory_space<vmem>>
      tpu.enqueue_dma source(%dma_start3A_344 : memref<120x128xf32, #tpu.memory_space<vmem>>) target(%dma_start3A_340 : memref<120x128xf32, #tpu.memory_space<hbm>>) target_semaphore(%arg17 : memref<!tpu.dma_semaphore, #tpu.memory_space<semaphore_mem>>)
      %add3A_345 = arith.constant 3 : i32
      %add3A_346 = arith.addi %add3A_317, %add3A_345 : i32
      %lt3A_347 = arith.constant 6 : i32
      %lt3A_348 = arith.cmpi slt, %scan3A_132, %lt3A_347 : i32
      %convert_element_type3A_349 = arith.extui %lt3A_348 : i1 to i32
      %cond3A_350 = arith.constant 0 : i32
      %cond3A_351 = arith.cmpi ne, %convert_element_type3A_349, %cond3A_350 : i32
      scf.if %cond3A_351 {
        %add3A_383 = arith.constant 0 : i32
        %add3A_384 = arith.addi %mul3A_2, %add3A_383 : i32
        %dma_wait3A_385 = arith.constant 1 : i32
        %dma_wait3A_386 = arith.constant 0 : i32
        %dma_wait3A_387 = arith.constant 0 : i32
        %dma_wait3A_388 = tpu.memref_slice %arg6[%dma_wait3A_385, %dma_wait3A_386, %dma_wait3A_387] : memref<6x120x128xf32, #tpu.memory_space<vmem>> -> memref<1x120x128xf32, #tpu.memory_space<vmem>>
        %dma_wait3A_389 = tpu.memref_squeeze %dma_wait3A_388 : memref<1x120x128xf32, #tpu.memory_space<vmem>> -> memref<120x128xf32, #tpu.memory_space<vmem>>
        %dma_wait3A_390 = arith.constant 0 : i32
        %dma_wait3A_391 = tpu.memref_slice %arg4[%add3A_384, %dma_wait3A_390] : memref<160000x128xf32, #tpu.memory_space<hbm>> -> memref<120x128xf32, #tpu.memory_space<hbm>>
        %dma_wait3A_392 = arith.constant 0 : i32
        %dma_wait3A_393 = tpu.memref_slice %arg4[%add3A_384, %dma_wait3A_392] : memref<160000x128xf32, #tpu.memory_space<hbm>> -> memref<120x128xf32, #tpu.memory_space<hbm>>
        %dma_wait3A_394 = arith.constant 0 : i32
        %dma_wait3A_395 = arith.constant 0 : i32
        %dma_wait3A_396 = tpu.memref_slice %arg6[%dma_wait3A_385, %dma_wait3A_394, %dma_wait3A_395] : memref<6x120x128xf32, #tpu.memory_space<vmem>> -> memref<1x120x128xf32, #tpu.memory_space<vmem>>
        %dma_wait3A_397 = tpu.memref_squeeze %dma_wait3A_396 : memref<1x120x128xf32, #tpu.memory_space<vmem>> -> memref<120x128xf32, #tpu.memory_space<vmem>>
        tpu.wait_dma2 semaphore(%arg14 : memref<!tpu.dma_semaphore, #tpu.memory_space<semaphore_mem>>) src(%dma_wait3A_397 : memref<120x128xf32, #tpu.memory_space<vmem>>) dst(%dma_wait3A_393 : memref<120x128xf32, #tpu.memory_space<hbm>>)
        %dma_start3A_398 = arith.constant 1 : i32
        %dma_start3A_399 = arith.constant 0 : i32
        %dma_start3A_400 = arith.constant 0 : i32
        %dma_start3A_401 = tpu.memref_slice %arg6[%dma_start3A_398, %dma_start3A_399, %dma_start3A_400] : memref<6x120x128xf32, #tpu.memory_space<vmem>> -> memref<1x120x128xf32, #tpu.memory_space<vmem>>
        %dma_start3A_402 = tpu.memref_squeeze %dma_start3A_401 : memref<1x120x128xf32, #tpu.memory_space<vmem>> -> memref<120x128xf32, #tpu.memory_space<vmem>>
        %dma_start3A_403 = arith.constant 0 : i32
        %dma_start3A_404 = tpu.memref_slice %arg5[%add3A_346, %dma_start3A_403] : memref<42x120xi32, #tpu.memory_space<vmem>> -> memref<1x120xi32, #tpu.memory_space<vmem>>
        %dma_start3A_405 = tpu.memref_squeeze %dma_start3A_404 : memref<1x120xi32, #tpu.memory_space<vmem>> -> memref<120xi32, #tpu.memory_space<vmem>>
        %dma_start3A_406 = arith.constant 0 : i32
        %dma_start3A_407 = arith.constant 0 : i32
        %dma_start3A_408 = tpu.memref_slice %arg2[%dma_start3A_406, %dma_start3A_407] : memref<10000x128xf32, #tpu.memory_space<hbm>> -> memref<10000x128xf32, #tpu.memory_space<hbm>>
        tpu.enqueue_indirect_dma source(%dma_start3A_408 : memref<10000x128xf32, #tpu.memory_space<hbm>>) target(%dma_start3A_402 : memref<120x128xf32, #tpu.memory_space<vmem>>) offsets(%dma_start3A_405 : memref<120xi32, #tpu.memory_space<vmem>>) semaphore(%arg8 : memref<!tpu.dma_semaphore, #tpu.memory_space<semaphore_mem>>)
      } else {
      }
      %mul3A_352 = arith.constant 6 : i32
      %mul3A_353 = arith.muli %scan3A_132, %mul3A_352 : i32
      %add3A_354 = arith.constant 5 : i32
      %add3A_355 = arith.addi %mul3A_353, %add3A_354 : i32
      %dma_wait3A_356 = arith.constant 5 : i32
      %dma_wait3A_357 = arith.constant 0 : i32
      %dma_wait3A_358 = arith.constant 0 : i32
      %dma_wait3A_359 = tpu.memref_slice %arg6[%dma_wait3A_356, %dma_wait3A_357, %dma_wait3A_358] : memref<6x120x128xf32, #tpu.memory_space<vmem>> -> memref<1x120x128xf32, #tpu.memory_space<vmem>>
      %dma_wait3A_360 = tpu.memref_squeeze %dma_wait3A_359 : memref<1x120x128xf32, #tpu.memory_space<vmem>> -> memref<120x128xf32, #tpu.memory_space<vmem>>
      %dma_wait3A_361 = arith.constant 0 : i32
      %dma_wait3A_362 = tpu.memref_slice %arg5[%add3A_355, %dma_wait3A_361] : memref<42x120xi32, #tpu.memory_space<vmem>> -> memref<1x120xi32, #tpu.memory_space<vmem>>
      %dma_wait3A_363 = tpu.memref_squeeze %dma_wait3A_362 : memref<1x120xi32, #tpu.memory_space<vmem>> -> memref<120xi32, #tpu.memory_space<vmem>>
      %dma_wait3A_364 = arith.constant 0 : i32
      %dma_wait3A_365 = arith.constant 0 : i32
      %dma_wait3A_366 = tpu.memref_slice %arg2[%dma_wait3A_364, %dma_wait3A_365] : memref<10000x128xf32, #tpu.memory_space<hbm>> -> memref<10000x128xf32, #tpu.memory_space<hbm>>
      tpu.wait_indirect_dma semaphore(%arg12 : memref<!tpu.dma_semaphore, #tpu.memory_space<semaphore_mem>>) src(%dma_wait3A_366 : memref<10000x128xf32, #tpu.memory_space<hbm>>) dst(%dma_wait3A_360 : memref<120x128xf32, #tpu.memory_space<vmem>>)
      %lt3A_367 = arith.constant 6 : i32
      %lt3A_368 = arith.cmpi slt, %scan3A_132, %lt3A_367 : i32
      %convert_element_type3A_369 = arith.extui %lt3A_368 : i1 to i32
      %cond3A_370 = arith.constant 0 : i32
      %cond3A_371 = arith.cmpi ne, %convert_element_type3A_369, %cond3A_370 : i32
      scf.if %cond3A_371 {
        %mul3A_383 = arith.constant 120 : i32
        %mul3A_384 = arith.muli %add3A_355, %mul3A_383 : i32
        %add3A_385 = arith.addi %mul3A_2, %mul3A_384 : i32
        %dma_start3A_386 = arith.constant 5 : i32
        %dma_start3A_387 = arith.constant 0 : i32
        %dma_start3A_388 = arith.constant 0 : i32
        %dma_start3A_389 = tpu.memref_slice %arg6[%dma_start3A_386, %dma_start3A_387, %dma_start3A_388] : memref<6x120x128xf32, #tpu.memory_space<vmem>> -> memref<1x120x128xf32, #tpu.memory_space<vmem>>
        %dma_start3A_390 = tpu.memref_squeeze %dma_start3A_389 : memref<1x120x128xf32, #tpu.memory_space<vmem>> -> memref<120x128xf32, #tpu.memory_space<vmem>>
        %dma_start3A_391 = arith.constant 0 : i32
        %dma_start3A_392 = tpu.memref_slice %arg4[%add3A_385, %dma_start3A_391] : memref<160000x128xf32, #tpu.memory_space<hbm>> -> memref<120x128xf32, #tpu.memory_space<hbm>>
        %dma_start3A_393 = arith.constant 0 : i32
        %dma_start3A_394 = tpu.memref_slice %arg4[%add3A_385, %dma_start3A_393] : memref<160000x128xf32, #tpu.memory_space<hbm>> -> memref<120x128xf32, #tpu.memory_space<hbm>>
        %dma_start3A_395 = arith.constant 0 : i32
        %dma_start3A_396 = arith.constant 0 : i32
        %dma_start3A_397 = tpu.memref_slice %arg6[%dma_start3A_386, %dma_start3A_395, %dma_start3A_396] : memref<6x120x128xf32, #tpu.memory_space<vmem>> -> memref<1x120x128xf32, #tpu.memory_space<vmem>>
        %dma_start3A_398 = tpu.memref_squeeze %dma_start3A_397 : memref<1x120x128xf32, #tpu.memory_space<vmem>> -> memref<120x128xf32, #tpu.memory_space<vmem>>
        tpu.enqueue_dma source(%dma_start3A_398 : memref<120x128xf32, #tpu.memory_space<vmem>>) target(%dma_start3A_394 : memref<120x128xf32, #tpu.memory_space<hbm>>) target_semaphore(%arg18 : memref<!tpu.dma_semaphore, #tpu.memory_space<semaphore_mem>>)
      } else {
      }
      %eq3A = arith.constant 6 : i32
      %eq3A_372 = arith.cmpi eq, %scan3A_132, %eq3A : i32
      %convert_element_type3A_373 = arith.extui %eq3A_372 : i1 to i32
      %cond3A_374 = arith.constant 0 : i32
      %cond3A_375 = arith.cmpi ne, %convert_element_type3A_373, %cond3A_374 : i32
      scf.if %cond3A_375 {
        %mul3A_383 = arith.constant 120 : i32
        %mul3A_384 = arith.muli %add3A_355, %mul3A_383 : i32
        %add3A_385 = arith.addi %mul3A_2, %mul3A_384 : i32
        %dma_start3A_386 = arith.constant 5 : i32
        %dma_start3A_387 = arith.constant 0 : i32
        %dma_start3A_388 = arith.constant 0 : i32
        %dma_start3A_389 = tpu.memref_slice %arg6[%dma_start3A_386, %dma_start3A_387, %dma_start3A_388] : memref<6x120x128xf32, #tpu.memory_space<vmem>> -> memref<1x80x128xf32, #tpu.memory_space<vmem>>
        %dma_start3A_390 = tpu.memref_squeeze %dma_start3A_389 : memref<1x80x128xf32, #tpu.memory_space<vmem>> -> memref<80x128xf32, #tpu.memory_space<vmem>>
        %dma_start3A_391 = arith.constant 0 : i32
        %dma_start3A_392 = tpu.memref_slice %arg4[%add3A_385, %dma_start3A_391] : memref<160000x128xf32, #tpu.memory_space<hbm>> -> memref<80x128xf32, #tpu.memory_space<hbm>>
        %dma_start3A_393 = arith.constant 0 : i32
        %dma_start3A_394 = tpu.memref_slice %arg4[%add3A_385, %dma_start3A_393] : memref<160000x128xf32, #tpu.memory_space<hbm>> -> memref<80x128xf32, #tpu.memory_space<hbm>>
        %dma_start3A_395 = arith.constant 0 : i32
        %dma_start3A_396 = arith.constant 0 : i32
        %dma_start3A_397 = tpu.memref_slice %arg6[%dma_start3A_386, %dma_start3A_395, %dma_start3A_396] : memref<6x120x128xf32, #tpu.memory_space<vmem>> -> memref<1x80x128xf32, #tpu.memory_space<vmem>>
        %dma_start3A_398 = tpu.memref_squeeze %dma_start3A_397 : memref<1x80x128xf32, #tpu.memory_space<vmem>> -> memref<80x128xf32, #tpu.memory_space<vmem>>
        tpu.enqueue_dma source(%dma_start3A_398 : memref<80x128xf32, #tpu.memory_space<vmem>>) target(%dma_start3A_394 : memref<80x128xf32, #tpu.memory_space<hbm>>) target_semaphore(%arg18 : memref<!tpu.dma_semaphore, #tpu.memory_space<semaphore_mem>>)
      } else {
      }
      %add3A_376 = arith.constant 3 : i32
      %add3A_377 = arith.addi %add3A_355, %add3A_376 : i32
      %lt3A_378 = arith.constant 6 : i32
      %lt3A_379 = arith.cmpi slt, %scan3A_132, %lt3A_378 : i32
      %convert_element_type3A_380 = arith.extui %lt3A_379 : i1 to i32
      %cond3A_381 = arith.constant 0 : i32
      %cond3A_382 = arith.cmpi ne, %convert_element_type3A_380, %cond3A_381 : i32
      scf.if %cond3A_382 {
        %add3A_383 = arith.constant 0 : i32
        %add3A_384 = arith.addi %mul3A_2, %add3A_383 : i32
        %dma_wait3A_385 = arith.constant 2 : i32
        %dma_wait3A_386 = arith.constant 0 : i32
        %dma_wait3A_387 = arith.constant 0 : i32
        %dma_wait3A_388 = tpu.memref_slice %arg6[%dma_wait3A_385, %dma_wait3A_386, %dma_wait3A_387] : memref<6x120x128xf32, #tpu.memory_space<vmem>> -> memref<1x120x128xf32, #tpu.memory_space<vmem>>
        %dma_wait3A_389 = tpu.memref_squeeze %dma_wait3A_388 : memref<1x120x128xf32, #tpu.memory_space<vmem>> -> memref<120x128xf32, #tpu.memory_space<vmem>>
        %dma_wait3A_390 = arith.constant 0 : i32
        %dma_wait3A_391 = tpu.memref_slice %arg4[%add3A_384, %dma_wait3A_390] : memref<160000x128xf32, #tpu.memory_space<hbm>> -> memref<120x128xf32, #tpu.memory_space<hbm>>
        %dma_wait3A_392 = arith.constant 0 : i32
        %dma_wait3A_393 = tpu.memref_slice %arg4[%add3A_384, %dma_wait3A_392] : memref<160000x128xf32, #tpu.memory_space<hbm>> -> memref<120x128xf32, #tpu.memory_space<hbm>>
        %dma_wait3A_394 = arith.constant 0 : i32
        %dma_wait3A_395 = arith.constant 0 : i32
        %dma_wait3A_396 = tpu.memref_slice %arg6[%dma_wait3A_385, %dma_wait3A_394, %dma_wait3A_395] : memref<6x120x128xf32, #tpu.memory_space<vmem>> -> memref<1x120x128xf32, #tpu.memory_space<vmem>>
        %dma_wait3A_397 = tpu.memref_squeeze %dma_wait3A_396 : memref<1x120x128xf32, #tpu.memory_space<vmem>> -> memref<120x128xf32, #tpu.memory_space<vmem>>
        tpu.wait_dma2 semaphore(%arg15 : memref<!tpu.dma_semaphore, #tpu.memory_space<semaphore_mem>>) src(%dma_wait3A_397 : memref<120x128xf32, #tpu.memory_space<vmem>>) dst(%dma_wait3A_393 : memref<120x128xf32, #tpu.memory_space<hbm>>)
        %dma_start3A_398 = arith.constant 2 : i32
        %dma_start3A_399 = arith.constant 0 : i32
        %dma_start3A_400 = arith.constant 0 : i32
        %dma_start3A_401 = tpu.memref_slice %arg6[%dma_start3A_398, %dma_start3A_399, %dma_start3A_400] : memref<6x120x128xf32, #tpu.memory_space<vmem>> -> memref<1x120x128xf32, #tpu.memory_space<vmem>>
        %dma_start3A_402 = tpu.memref_squeeze %dma_start3A_401 : memref<1x120x128xf32, #tpu.memory_space<vmem>> -> memref<120x128xf32, #tpu.memory_space<vmem>>
        %dma_start3A_403 = arith.constant 0 : i32
        %dma_start3A_404 = tpu.memref_slice %arg5[%add3A_377, %dma_start3A_403] : memref<42x120xi32, #tpu.memory_space<vmem>> -> memref<1x120xi32, #tpu.memory_space<vmem>>
        %dma_start3A_405 = tpu.memref_squeeze %dma_start3A_404 : memref<1x120xi32, #tpu.memory_space<vmem>> -> memref<120xi32, #tpu.memory_space<vmem>>
        %dma_start3A_406 = arith.constant 0 : i32
        %dma_start3A_407 = arith.constant 0 : i32
        %dma_start3A_408 = tpu.memref_slice %arg2[%dma_start3A_406, %dma_start3A_407] : memref<10000x128xf32, #tpu.memory_space<hbm>> -> memref<10000x128xf32, #tpu.memory_space<hbm>>
        tpu.enqueue_indirect_dma source(%dma_start3A_408 : memref<10000x128xf32, #tpu.memory_space<hbm>>) target(%dma_start3A_402 : memref<120x128xf32, #tpu.memory_space<vmem>>) offsets(%dma_start3A_405 : memref<120xi32, #tpu.memory_space<vmem>>) semaphore(%arg9 : memref<!tpu.dma_semaphore, #tpu.memory_space<semaphore_mem>>)
      } else {
      }
    }
    %scan3A_42 = arith.constant 7 : i32
    %add3A_43 = arith.constant 0 : i32
    %add3A_44 = arith.addi %mul3A_2, %add3A_43 : i32
    %dma_wait3A = arith.constant 0 : i32
    %dma_wait3A_45 = arith.constant 0 : i32
    %dma_wait3A_46 = arith.constant 0 : i32
    %dma_wait3A_47 = tpu.memref_slice %arg6[%dma_wait3A, %dma_wait3A_45, %dma_wait3A_46] : memref<6x120x128xf32, #tpu.memory_space<vmem>> -> memref<1x120x128xf32, #tpu.memory_space<vmem>>
    %dma_wait3A_48 = tpu.memref_squeeze %dma_wait3A_47 : memref<1x120x128xf32, #tpu.memory_space<vmem>> -> memref<120x128xf32, #tpu.memory_space<vmem>>
    %dma_wait3A_49 = arith.constant 0 : i32
    %dma_wait3A_50 = tpu.memref_slice %arg4[%add3A_44, %dma_wait3A_49] : memref<160000x128xf32, #tpu.memory_space<hbm>> -> memref<120x128xf32, #tpu.memory_space<hbm>>
    %dma_wait3A_51 = arith.constant 0 : i32
    %dma_wait3A_52 = tpu.memref_slice %arg4[%add3A_44, %dma_wait3A_51] : memref<160000x128xf32, #tpu.memory_space<hbm>> -> memref<120x128xf32, #tpu.memory_space<hbm>>
    %dma_wait3A_53 = arith.constant 0 : i32
    %dma_wait3A_54 = arith.constant 0 : i32
    %dma_wait3A_55 = tpu.memref_slice %arg6[%dma_wait3A, %dma_wait3A_53, %dma_wait3A_54] : memref<6x120x128xf32, #tpu.memory_space<vmem>> -> memref<1x120x128xf32, #tpu.memory_space<vmem>>
    %dma_wait3A_56 = tpu.memref_squeeze %dma_wait3A_55 : memref<1x120x128xf32, #tpu.memory_space<vmem>> -> memref<120x128xf32, #tpu.memory_space<vmem>>
    tpu.wait_dma2 semaphore(%arg13 : memref<!tpu.dma_semaphore, #tpu.memory_space<semaphore_mem>>) src(%dma_wait3A_56 : memref<120x128xf32, #tpu.memory_space<vmem>>) dst(%dma_wait3A_52 : memref<120x128xf32, #tpu.memory_space<hbm>>)
    %add3A_57 = arith.constant 0 : i32
    %add3A_58 = arith.addi %mul3A_2, %add3A_57 : i32
    %dma_wait3A_59 = arith.constant 1 : i32
    %dma_wait3A_60 = arith.constant 0 : i32
    %dma_wait3A_61 = arith.constant 0 : i32
    %dma_wait3A_62 = tpu.memref_slice %arg6[%dma_wait3A_59, %dma_wait3A_60, %dma_wait3A_61] : memref<6x120x128xf32, #tpu.memory_space<vmem>> -> memref<1x120x128xf32, #tpu.memory_space<vmem>>
    %dma_wait3A_63 = tpu.memref_squeeze %dma_wait3A_62 : memref<1x120x128xf32, #tpu.memory_space<vmem>> -> memref<120x128xf32, #tpu.memory_space<vmem>>
    %dma_wait3A_64 = arith.constant 0 : i32
    %dma_wait3A_65 = tpu.memref_slice %arg4[%add3A_58, %dma_wait3A_64] : memref<160000x128xf32, #tpu.memory_space<hbm>> -> memref<120x128xf32, #tpu.memory_space<hbm>>
    %dma_wait3A_66 = arith.constant 0 : i32
    %dma_wait3A_67 = tpu.memref_slice %arg4[%add3A_58, %dma_wait3A_66] : memref<160000x128xf32, #tpu.memory_space<hbm>> -> memref<120x128xf32, #tpu.memory_space<hbm>>
    %dma_wait3A_68 = arith.constant 0 : i32
    %dma_wait3A_69 = arith.constant 0 : i32
    %dma_wait3A_70 = tpu.memref_slice %arg6[%dma_wait3A_59, %dma_wait3A_68, %dma_wait3A_69] : memref<6x120x128xf32, #tpu.memory_space<vmem>> -> memref<1x120x128xf32, #tpu.memory_space<vmem>>
    %dma_wait3A_71 = tpu.memref_squeeze %dma_wait3A_70 : memref<1x120x128xf32, #tpu.memory_space<vmem>> -> memref<120x128xf32, #tpu.memory_space<vmem>>
    tpu.wait_dma2 semaphore(%arg14 : memref<!tpu.dma_semaphore, #tpu.memory_space<semaphore_mem>>) src(%dma_wait3A_71 : memref<120x128xf32, #tpu.memory_space<vmem>>) dst(%dma_wait3A_67 : memref<120x128xf32, #tpu.memory_space<hbm>>)
    %add3A_72 = arith.constant 0 : i32
    %add3A_73 = arith.addi %mul3A_2, %add3A_72 : i32
    %dma_wait3A_74 = arith.constant 2 : i32
    %dma_wait3A_75 = arith.constant 0 : i32
    %dma_wait3A_76 = arith.constant 0 : i32
    %dma_wait3A_77 = tpu.memref_slice %arg6[%dma_wait3A_74, %dma_wait3A_75, %dma_wait3A_76] : memref<6x120x128xf32, #tpu.memory_space<vmem>> -> memref<1x120x128xf32, #tpu.memory_space<vmem>>
    %dma_wait3A_78 = tpu.memref_squeeze %dma_wait3A_77 : memref<1x120x128xf32, #tpu.memory_space<vmem>> -> memref<120x128xf32, #tpu.memory_space<vmem>>
    %dma_wait3A_79 = arith.constant 0 : i32
    %dma_wait3A_80 = tpu.memref_slice %arg4[%add3A_73, %dma_wait3A_79] : memref<160000x128xf32, #tpu.memory_space<hbm>> -> memref<120x128xf32, #tpu.memory_space<hbm>>
    %dma_wait3A_81 = arith.constant 0 : i32
    %dma_wait3A_82 = tpu.memref_slice %arg4[%add3A_73, %dma_wait3A_81] : memref<160000x128xf32, #tpu.memory_space<hbm>> -> memref<120x128xf32, #tpu.memory_space<hbm>>
    %dma_wait3A_83 = arith.constant 0 : i32
    %dma_wait3A_84 = arith.constant 0 : i32
    %dma_wait3A_85 = tpu.memref_slice %arg6[%dma_wait3A_74, %dma_wait3A_83, %dma_wait3A_84] : memref<6x120x128xf32, #tpu.memory_space<vmem>> -> memref<1x120x128xf32, #tpu.memory_space<vmem>>
    %dma_wait3A_86 = tpu.memref_squeeze %dma_wait3A_85 : memref<1x120x128xf32, #tpu.memory_space<vmem>> -> memref<120x128xf32, #tpu.memory_space<vmem>>
    tpu.wait_dma2 semaphore(%arg15 : memref<!tpu.dma_semaphore, #tpu.memory_space<semaphore_mem>>) src(%dma_wait3A_86 : memref<120x128xf32, #tpu.memory_space<vmem>>) dst(%dma_wait3A_82 : memref<120x128xf32, #tpu.memory_space<hbm>>)
    %add3A_87 = arith.constant 0 : i32
    %add3A_88 = arith.addi %mul3A_2, %add3A_87 : i32
    %dma_wait3A_89 = arith.constant 3 : i32
    %dma_wait3A_90 = arith.constant 0 : i32
    %dma_wait3A_91 = arith.constant 0 : i32
    %dma_wait3A_92 = tpu.memref_slice %arg6[%dma_wait3A_89, %dma_wait3A_90, %dma_wait3A_91] : memref<6x120x128xf32, #tpu.memory_space<vmem>> -> memref<1x120x128xf32, #tpu.memory_space<vmem>>
    %dma_wait3A_93 = tpu.memref_squeeze %dma_wait3A_92 : memref<1x120x128xf32, #tpu.memory_space<vmem>> -> memref<120x128xf32, #tpu.memory_space<vmem>>
    %dma_wait3A_94 = arith.constant 0 : i32
    %dma_wait3A_95 = tpu.memref_slice %arg4[%add3A_88, %dma_wait3A_94] : memref<160000x128xf32, #tpu.memory_space<hbm>> -> memref<120x128xf32, #tpu.memory_space<hbm>>
    %dma_wait3A_96 = arith.constant 0 : i32
    %dma_wait3A_97 = tpu.memref_slice %arg4[%add3A_88, %dma_wait3A_96] : memref<160000x128xf32, #tpu.memory_space<hbm>> -> memref<120x128xf32, #tpu.memory_space<hbm>>
    %dma_wait3A_98 = arith.constant 0 : i32
    %dma_wait3A_99 = arith.constant 0 : i32
    %dma_wait3A_100 = tpu.memref_slice %arg6[%dma_wait3A_89, %dma_wait3A_98, %dma_wait3A_99] : memref<6x120x128xf32, #tpu.memory_space<vmem>> -> memref<1x120x128xf32, #tpu.memory_space<vmem>>
    %dma_wait3A_101 = tpu.memref_squeeze %dma_wait3A_100 : memref<1x120x128xf32, #tpu.memory_space<vmem>> -> memref<120x128xf32, #tpu.memory_space<vmem>>
    tpu.wait_dma2 semaphore(%arg16 : memref<!tpu.dma_semaphore, #tpu.memory_space<semaphore_mem>>) src(%dma_wait3A_101 : memref<120x128xf32, #tpu.memory_space<vmem>>) dst(%dma_wait3A_97 : memref<120x128xf32, #tpu.memory_space<hbm>>)
    %add3A_102 = arith.constant 0 : i32
    %add3A_103 = arith.addi %mul3A_2, %add3A_102 : i32
    %dma_wait3A_104 = arith.constant 4 : i32
    %dma_wait3A_105 = arith.constant 0 : i32
    %dma_wait3A_106 = arith.constant 0 : i32
    %dma_wait3A_107 = tpu.memref_slice %arg6[%dma_wait3A_104, %dma_wait3A_105, %dma_wait3A_106] : memref<6x120x128xf32, #tpu.memory_space<vmem>> -> memref<1x120x128xf32, #tpu.memory_space<vmem>>
    %dma_wait3A_108 = tpu.memref_squeeze %dma_wait3A_107 : memref<1x120x128xf32, #tpu.memory_space<vmem>> -> memref<120x128xf32, #tpu.memory_space<vmem>>
    %dma_wait3A_109 = arith.constant 0 : i32
    %dma_wait3A_110 = tpu.memref_slice %arg4[%add3A_103, %dma_wait3A_109] : memref<160000x128xf32, #tpu.memory_space<hbm>> -> memref<120x128xf32, #tpu.memory_space<hbm>>
    %dma_wait3A_111 = arith.constant 0 : i32
    %dma_wait3A_112 = tpu.memref_slice %arg4[%add3A_103, %dma_wait3A_111] : memref<160000x128xf32, #tpu.memory_space<hbm>> -> memref<120x128xf32, #tpu.memory_space<hbm>>
    %dma_wait3A_113 = arith.constant 0 : i32
    %dma_wait3A_114 = arith.constant 0 : i32
    %dma_wait3A_115 = tpu.memref_slice %arg6[%dma_wait3A_104, %dma_wait3A_113, %dma_wait3A_114] : memref<6x120x128xf32, #tpu.memory_space<vmem>> -> memref<1x120x128xf32, #tpu.memory_space<vmem>>
    %dma_wait3A_116 = tpu.memref_squeeze %dma_wait3A_115 : memref<1x120x128xf32, #tpu.memory_space<vmem>> -> memref<120x128xf32, #tpu.memory_space<vmem>>
    tpu.wait_dma2 semaphore(%arg17 : memref<!tpu.dma_semaphore, #tpu.memory_space<semaphore_mem>>) src(%dma_wait3A_116 : memref<120x128xf32, #tpu.memory_space<vmem>>) dst(%dma_wait3A_112 : memref<120x128xf32, #tpu.memory_space<hbm>>)
    %add3A_117 = arith.constant 0 : i32
    %add3A_118 = arith.addi %mul3A_2, %add3A_117 : i32
    %dma_wait3A_119 = arith.constant 5 : i32
    %dma_wait3A_120 = arith.constant 0 : i32
    %dma_wait3A_121 = arith.constant 0 : i32
    %dma_wait3A_122 = tpu.memref_slice %arg6[%dma_wait3A_119, %dma_wait3A_120, %dma_wait3A_121] : memref<6x120x128xf32, #tpu.memory_space<vmem>> -> memref<1x80x128xf32, #tpu.memory_space<vmem>>
    %dma_wait3A_123 = tpu.memref_squeeze %dma_wait3A_122 : memref<1x80x128xf32, #tpu.memory_space<vmem>> -> memref<80x128xf32, #tpu.memory_space<vmem>>
    %dma_wait3A_124 = arith.constant 0 : i32
    %dma_wait3A_125 = tpu.memref_slice %arg4[%add3A_118, %dma_wait3A_124] : memref<160000x128xf32, #tpu.memory_space<hbm>> -> memref<80x128xf32, #tpu.memory_space<hbm>>
    %dma_wait3A_126 = arith.constant 0 : i32
    %dma_wait3A_127 = tpu.memref_slice %arg4[%add3A_118, %dma_wait3A_126] : memref<160000x128xf32, #tpu.memory_space<hbm>> -> memref<80x128xf32, #tpu.memory_space<hbm>>
    %dma_wait3A_128 = arith.constant 0 : i32
    %dma_wait3A_129 = arith.constant 0 : i32
    %dma_wait3A_130 = tpu.memref_slice %arg6[%dma_wait3A_119, %dma_wait3A_128, %dma_wait3A_129] : memref<6x120x128xf32, #tpu.memory_space<vmem>> -> memref<1x80x128xf32, #tpu.memory_space<vmem>>
    %dma_wait3A_131 = tpu.memref_squeeze %dma_wait3A_130 : memref<1x80x128xf32, #tpu.memory_space<vmem>> -> memref<80x128xf32, #tpu.memory_space<vmem>>
    tpu.wait_dma2 semaphore(%arg18 : memref<!tpu.dma_semaphore, #tpu.memory_space<semaphore_mem>>) src(%dma_wait3A_131 : memref<80x128xf32, #tpu.memory_space<vmem>>) dst(%dma_wait3A_127 : memref<80x128xf32, #tpu.memory_space<hbm>>)
    return
  }
}

module attributes {stable_mosaic.version = 14 : i64} {
  func.func @body(%arg0: i32, %arg1: memref<16x1000x128xf32, #tpu.memory_space<vmem>>, %arg2: memref<1000x128xf32, #tpu.memory_space<vmem>>, %arg3: memref<128x512xf32, #tpu.memory_space<vmem>>, %arg4: memref<128x512xf32, #tpu.memory_space<vmem>>, %arg5: memref<1x512xf32, #tpu.memory_space<vmem>>, %arg6: memref<128x128xf32, #tpu.memory_space<vmem>>, %arg7: memref<128x128xf32, #tpu.memory_space<vmem>>, %arg8: memref<1x128xf32, #tpu.memory_space<vmem>>, %arg9: memref<1000x128xf32, #tpu.memory_space<vmem>>) attributes {dimension_semantics = [#tpu.dimension_semantics<arbitrary>], iteration_bounds = array<i64: 10>, scalar_prefetch = 0 : i64, scratch_operands = 0 : i64, tpu.core_type = #tpu.core_type<tc>, window_params = [{transform_indices = @transform_0, window_bounds = array<i64: 16, 1000, 128>}, {transform_indices = @transform_1, window_bounds = array<i64: 1000, 128>}, {pipeline_mode = #tpu.pipeline_mode<synchronous>, transform_indices = @transform_2, window_bounds = array<i64: 128, 512>}, {pipeline_mode = #tpu.pipeline_mode<synchronous>, transform_indices = @transform_3, window_bounds = array<i64: 128, 512>}, {pipeline_mode = #tpu.pipeline_mode<synchronous>, transform_indices = @transform_4, window_bounds = array<i64: 1, 512>}, {pipeline_mode = #tpu.pipeline_mode<synchronous>, transform_indices = @transform_5, window_bounds = array<i64: 128, 128>}, {pipeline_mode = #tpu.pipeline_mode<synchronous>, transform_indices = @transform_6, window_bounds = array<i64: 128, 128>}, {pipeline_mode = #tpu.pipeline_mode<synchronous>, transform_indices = @transform_7, window_bounds = array<i64: 1, 128>}, {transform_indices = @transform_8, window_bounds = array<i64: 1000, 128>}]} {
    %get3A = arith.constant 0 : index
    %get3A_0 = arith.constant 0 : index
    %get3A_1 = vector.load %arg3[%get3A, %get3A_0] : memref<128x512xf32, #tpu.memory_space<vmem>>, vector<128x512xf32>
    %get3A_2 = arith.constant 0 : index
    %get3A_3 = arith.constant 0 : index
    %get3A_4 = vector.load %arg4[%get3A_2, %get3A_3] : memref<128x512xf32, #tpu.memory_space<vmem>>, vector<128x512xf32>
    %get3A_5 = arith.constant 0 : index
    %get3A_6 = arith.constant 0 : index
    %get3A_7 = vector.load %arg5[%get3A_5, %get3A_6] : memref<1x512xf32, #tpu.memory_space<vmem>>, vector<1x512xf32>
    %broadcast_in_dim3A = arith.constant 0.000000e+00 : f32
    %broadcast_in_dim3A_8 = vector.broadcast %broadcast_in_dim3A : f32 to vector<1000x128xf32>
    %broadcast_in_dim3A_9 = arith.constant 0.000000e+00 : f32
    %broadcast_in_dim3A_10 = vector.broadcast %broadcast_in_dim3A_9 : f32 to vector<1000x128xf32>
    %get3A_11 = arith.constant 0 : index
    %get3A_12 = arith.constant 0 : index
    %get3A_13 = arith.constant 0 : index
    %get3A_14 = vector.load %arg1[%get3A_11, %get3A_12, %get3A_13] : memref<16x1000x128xf32, #tpu.memory_space<vmem>>, vector<1x1000x128xf32>
    %get3A_15 = vector.shape_cast %get3A_14 : vector<1x1000x128xf32> to vector<1000x128xf32>
    %dot_general3A = arith.constant dense<0.000000e+00> : vector<1000x512xf32>
    %dot_general3A_16 = tpu.matmul %get3A_15, %get3A_1, %dot_general3A {dimension_numbers = #tpu.dot_dimension_numbers<[1], [0], [0], [1], [0, 0, 1, 1], [], []>, transpose_lhs_hint = false} : vector<1000x128xf32>, vector<128x512xf32>, vector<1000x512xf32> -> vector<1000x512xf32>
    %dot_general3A_17 = arith.constant dense<0.000000e+00> : vector<1000x512xf32>
    %dot_general3A_18 = tpu.matmul %broadcast_in_dim3A_8, %get3A_4, %dot_general3A_17 {dimension_numbers = #tpu.dot_dimension_numbers<[1], [0], [0], [1], [0, 0, 1, 1], [], []>, transpose_lhs_hint = false} : vector<1000x128xf32>, vector<128x512xf32>, vector<1000x512xf32> -> vector<1000x512xf32>
    %add3A = arith.addf %dot_general3A_16, %dot_general3A_18 : vector<1000x512xf32>
    %add3A_19 = vector.broadcast %get3A_7 : vector<1x512xf32> to vector<1000x512xf32>
    %add3A_20 = arith.addf %add3A, %add3A_19 : vector<1000x512xf32>
    %slice3A = vector.extract_strided_slice %add3A_20 {offsets = [0, 0], sizes = [1000, 128], strides = [1, 1]} : vector<1000x512xf32> to vector<1000x128xf32>
    %tanh3A = math.tanh %slice3A : vector<1000x128xf32>
    %mul3A = arith.constant 5.000000e-01 : f32
    %mul3A_21 = vector.broadcast %mul3A : f32 to vector<1000x128xf32>
    %mul3A_22 = arith.mulf %mul3A_21, %tanh3A : vector<1000x128xf32>
    %add3A_23 = arith.constant 5.000000e-01 : f32
    %add3A_24 = vector.broadcast %add3A_23 : f32 to vector<1000x128xf32>
    %add3A_25 = arith.addf %mul3A_22, %add3A_24 : vector<1000x128xf32>
    %slice3A_26 = vector.extract_strided_slice %add3A_20 {offsets = [0, 128], sizes = [1000, 128], strides = [1, 1]} : vector<1000x512xf32> to vector<1000x128xf32>
    %tanh3A_27 = math.tanh %slice3A_26 : vector<1000x128xf32>
    %mul3A_28 = arith.constant 5.000000e-01 : f32
    %mul3A_29 = vector.broadcast %mul3A_28 : f32 to vector<1000x128xf32>
    %mul3A_30 = arith.mulf %mul3A_29, %tanh3A_27 : vector<1000x128xf32>
    %add3A_31 = arith.constant 5.000000e-01 : f32
    %add3A_32 = vector.broadcast %add3A_31 : f32 to vector<1000x128xf32>
    %add3A_33 = arith.addf %mul3A_30, %add3A_32 : vector<1000x128xf32>
    %slice3A_34 = vector.extract_strided_slice %add3A_20 {offsets = [0, 256], sizes = [1000, 128], strides = [1, 1]} : vector<1000x512xf32> to vector<1000x128xf32>
    %tanh3A_35 = math.tanh %slice3A_34 : vector<1000x128xf32>
    %slice3A_36 = vector.extract_strided_slice %add3A_20 {offsets = [0, 384], sizes = [1000, 128], strides = [1, 1]} : vector<1000x512xf32> to vector<1000x128xf32>
    %tanh3A_37 = math.tanh %slice3A_36 : vector<1000x128xf32>
    %mul3A_38 = arith.constant 5.000000e-01 : f32
    %mul3A_39 = vector.broadcast %mul3A_38 : f32 to vector<1000x128xf32>
    %mul3A_40 = arith.mulf %mul3A_39, %tanh3A_37 : vector<1000x128xf32>
    %add3A_41 = arith.constant 5.000000e-01 : f32
    %add3A_42 = vector.broadcast %add3A_41 : f32 to vector<1000x128xf32>
    %add3A_43 = arith.addf %mul3A_40, %add3A_42 : vector<1000x128xf32>
    %mul3A_44 = arith.mulf %add3A_33, %broadcast_in_dim3A_10 : vector<1000x128xf32>
    %mul3A_45 = arith.mulf %add3A_25, %tanh3A_35 : vector<1000x128xf32>
    %add3A_46 = arith.addf %mul3A_44, %mul3A_45 : vector<1000x128xf32>
    %tanh3A_47 = math.tanh %add3A_46 : vector<1000x128xf32>
    %mul3A_48 = arith.mulf %add3A_43, %tanh3A_47 : vector<1000x128xf32>
    %get3A_49 = arith.constant 1 : index
    %get3A_50 = arith.constant 0 : index
    %get3A_51 = arith.constant 0 : index
    %get3A_52 = vector.load %arg1[%get3A_49, %get3A_50, %get3A_51] : memref<16x1000x128xf32, #tpu.memory_space<vmem>>, vector<1x1000x128xf32>
    %get3A_53 = vector.shape_cast %get3A_52 : vector<1x1000x128xf32> to vector<1000x128xf32>
    %dot_general3A_54 = arith.constant dense<0.000000e+00> : vector<1000x512xf32>
    %dot_general3A_55 = tpu.matmul %get3A_53, %get3A_1, %dot_general3A_54 {dimension_numbers = #tpu.dot_dimension_numbers<[1], [0], [0], [1], [0, 0, 1, 1], [], []>, transpose_lhs_hint = false} : vector<1000x128xf32>, vector<128x512xf32>, vector<1000x512xf32> -> vector<1000x512xf32>
    %dot_general3A_56 = arith.constant dense<0.000000e+00> : vector<1000x512xf32>
    %dot_general3A_57 = tpu.matmul %mul3A_48, %get3A_4, %dot_general3A_56 {dimension_numbers = #tpu.dot_dimension_numbers<[1], [0], [0], [1], [0, 0, 1, 1], [], []>, transpose_lhs_hint = false} : vector<1000x128xf32>, vector<128x512xf32>, vector<1000x512xf32> -> vector<1000x512xf32>
    %add3A_58 = arith.addf %dot_general3A_55, %dot_general3A_57 : vector<1000x512xf32>
    %add3A_59 = vector.broadcast %get3A_7 : vector<1x512xf32> to vector<1000x512xf32>
    %add3A_60 = arith.addf %add3A_58, %add3A_59 : vector<1000x512xf32>
    %slice3A_61 = vector.extract_strided_slice %add3A_60 {offsets = [0, 0], sizes = [1000, 128], strides = [1, 1]} : vector<1000x512xf32> to vector<1000x128xf32>
    %tanh3A_62 = math.tanh %slice3A_61 : vector<1000x128xf32>
    %mul3A_63 = arith.constant 5.000000e-01 : f32
    %mul3A_64 = vector.broadcast %mul3A_63 : f32 to vector<1000x128xf32>
    %mul3A_65 = arith.mulf %mul3A_64, %tanh3A_62 : vector<1000x128xf32>
    %add3A_66 = arith.constant 5.000000e-01 : f32
    %add3A_67 = vector.broadcast %add3A_66 : f32 to vector<1000x128xf32>
    %add3A_68 = arith.addf %mul3A_65, %add3A_67 : vector<1000x128xf32>
    %slice3A_69 = vector.extract_strided_slice %add3A_60 {offsets = [0, 128], sizes = [1000, 128], strides = [1, 1]} : vector<1000x512xf32> to vector<1000x128xf32>
    %tanh3A_70 = math.tanh %slice3A_69 : vector<1000x128xf32>
    %mul3A_71 = arith.constant 5.000000e-01 : f32
    %mul3A_72 = vector.broadcast %mul3A_71 : f32 to vector<1000x128xf32>
    %mul3A_73 = arith.mulf %mul3A_72, %tanh3A_70 : vector<1000x128xf32>
    %add3A_74 = arith.constant 5.000000e-01 : f32
    %add3A_75 = vector.broadcast %add3A_74 : f32 to vector<1000x128xf32>
    %add3A_76 = arith.addf %mul3A_73, %add3A_75 : vector<1000x128xf32>
    %slice3A_77 = vector.extract_strided_slice %add3A_60 {offsets = [0, 256], sizes = [1000, 128], strides = [1, 1]} : vector<1000x512xf32> to vector<1000x128xf32>
    %tanh3A_78 = math.tanh %slice3A_77 : vector<1000x128xf32>
    %slice3A_79 = vector.extract_strided_slice %add3A_60 {offsets = [0, 384], sizes = [1000, 128], strides = [1, 1]} : vector<1000x512xf32> to vector<1000x128xf32>
    %tanh3A_80 = math.tanh %slice3A_79 : vector<1000x128xf32>
    %mul3A_81 = arith.constant 5.000000e-01 : f32
    %mul3A_82 = vector.broadcast %mul3A_81 : f32 to vector<1000x128xf32>
    %mul3A_83 = arith.mulf %mul3A_82, %tanh3A_80 : vector<1000x128xf32>
    %add3A_84 = arith.constant 5.000000e-01 : f32
    %add3A_85 = vector.broadcast %add3A_84 : f32 to vector<1000x128xf32>
    %add3A_86 = arith.addf %mul3A_83, %add3A_85 : vector<1000x128xf32>
    %mul3A_87 = arith.mulf %add3A_76, %add3A_46 : vector<1000x128xf32>
    %mul3A_88 = arith.mulf %add3A_68, %tanh3A_78 : vector<1000x128xf32>
    %add3A_89 = arith.addf %mul3A_87, %mul3A_88 : vector<1000x128xf32>
    %tanh3A_90 = math.tanh %add3A_89 : vector<1000x128xf32>
    %mul3A_91 = arith.mulf %add3A_86, %tanh3A_90 : vector<1000x128xf32>
    %get3A_92 = arith.constant 2 : index
    %get3A_93 = arith.constant 0 : index
    %get3A_94 = arith.constant 0 : index
    %get3A_95 = vector.load %arg1[%get3A_92, %get3A_93, %get3A_94] : memref<16x1000x128xf32, #tpu.memory_space<vmem>>, vector<1x1000x128xf32>
    %get3A_96 = vector.shape_cast %get3A_95 : vector<1x1000x128xf32> to vector<1000x128xf32>
    %dot_general3A_97 = arith.constant dense<0.000000e+00> : vector<1000x512xf32>
    %dot_general3A_98 = tpu.matmul %get3A_96, %get3A_1, %dot_general3A_97 {dimension_numbers = #tpu.dot_dimension_numbers<[1], [0], [0], [1], [0, 0, 1, 1], [], []>, transpose_lhs_hint = false} : vector<1000x128xf32>, vector<128x512xf32>, vector<1000x512xf32> -> vector<1000x512xf32>
    %dot_general3A_99 = arith.constant dense<0.000000e+00> : vector<1000x512xf32>
    %dot_general3A_100 = tpu.matmul %mul3A_91, %get3A_4, %dot_general3A_99 {dimension_numbers = #tpu.dot_dimension_numbers<[1], [0], [0], [1], [0, 0, 1, 1], [], []>, transpose_lhs_hint = false} : vector<1000x128xf32>, vector<128x512xf32>, vector<1000x512xf32> -> vector<1000x512xf32>
    %add3A_101 = arith.addf %dot_general3A_98, %dot_general3A_100 : vector<1000x512xf32>
    %add3A_102 = vector.broadcast %get3A_7 : vector<1x512xf32> to vector<1000x512xf32>
    %add3A_103 = arith.addf %add3A_101, %add3A_102 : vector<1000x512xf32>
    %slice3A_104 = vector.extract_strided_slice %add3A_103 {offsets = [0, 0], sizes = [1000, 128], strides = [1, 1]} : vector<1000x512xf32> to vector<1000x128xf32>
    %tanh3A_105 = math.tanh %slice3A_104 : vector<1000x128xf32>
    %mul3A_106 = arith.constant 5.000000e-01 : f32
    %mul3A_107 = vector.broadcast %mul3A_106 : f32 to vector<1000x128xf32>
    %mul3A_108 = arith.mulf %mul3A_107, %tanh3A_105 : vector<1000x128xf32>
    %add3A_109 = arith.constant 5.000000e-01 : f32
    %add3A_110 = vector.broadcast %add3A_109 : f32 to vector<1000x128xf32>
    %add3A_111 = arith.addf %mul3A_108, %add3A_110 : vector<1000x128xf32>
    %slice3A_112 = vector.extract_strided_slice %add3A_103 {offsets = [0, 128], sizes = [1000, 128], strides = [1, 1]} : vector<1000x512xf32> to vector<1000x128xf32>
    %tanh3A_113 = math.tanh %slice3A_112 : vector<1000x128xf32>
    %mul3A_114 = arith.constant 5.000000e-01 : f32
    %mul3A_115 = vector.broadcast %mul3A_114 : f32 to vector<1000x128xf32>
    %mul3A_116 = arith.mulf %mul3A_115, %tanh3A_113 : vector<1000x128xf32>
    %add3A_117 = arith.constant 5.000000e-01 : f32
    %add3A_118 = vector.broadcast %add3A_117 : f32 to vector<1000x128xf32>
    %add3A_119 = arith.addf %mul3A_116, %add3A_118 : vector<1000x128xf32>
    %slice3A_120 = vector.extract_strided_slice %add3A_103 {offsets = [0, 256], sizes = [1000, 128], strides = [1, 1]} : vector<1000x512xf32> to vector<1000x128xf32>
    %tanh3A_121 = math.tanh %slice3A_120 : vector<1000x128xf32>
    %slice3A_122 = vector.extract_strided_slice %add3A_103 {offsets = [0, 384], sizes = [1000, 128], strides = [1, 1]} : vector<1000x512xf32> to vector<1000x128xf32>
    %tanh3A_123 = math.tanh %slice3A_122 : vector<1000x128xf32>
    %mul3A_124 = arith.constant 5.000000e-01 : f32
    %mul3A_125 = vector.broadcast %mul3A_124 : f32 to vector<1000x128xf32>
    %mul3A_126 = arith.mulf %mul3A_125, %tanh3A_123 : vector<1000x128xf32>
    %add3A_127 = arith.constant 5.000000e-01 : f32
    %add3A_128 = vector.broadcast %add3A_127 : f32 to vector<1000x128xf32>
    %add3A_129 = arith.addf %mul3A_126, %add3A_128 : vector<1000x128xf32>
    %mul3A_130 = arith.mulf %add3A_119, %add3A_89 : vector<1000x128xf32>
    %mul3A_131 = arith.mulf %add3A_111, %tanh3A_121 : vector<1000x128xf32>
    %add3A_132 = arith.addf %mul3A_130, %mul3A_131 : vector<1000x128xf32>
    %tanh3A_133 = math.tanh %add3A_132 : vector<1000x128xf32>
    %mul3A_134 = arith.mulf %add3A_129, %tanh3A_133 : vector<1000x128xf32>
    %get3A_135 = arith.constant 3 : index
    %get3A_136 = arith.constant 0 : index
    %get3A_137 = arith.constant 0 : index
    %get3A_138 = vector.load %arg1[%get3A_135, %get3A_136, %get3A_137] : memref<16x1000x128xf32, #tpu.memory_space<vmem>>, vector<1x1000x128xf32>
    %get3A_139 = vector.shape_cast %get3A_138 : vector<1x1000x128xf32> to vector<1000x128xf32>
    %dot_general3A_140 = arith.constant dense<0.000000e+00> : vector<1000x512xf32>
    %dot_general3A_141 = tpu.matmul %get3A_139, %get3A_1, %dot_general3A_140 {dimension_numbers = #tpu.dot_dimension_numbers<[1], [0], [0], [1], [0, 0, 1, 1], [], []>, transpose_lhs_hint = false} : vector<1000x128xf32>, vector<128x512xf32>, vector<1000x512xf32> -> vector<1000x512xf32>
    %dot_general3A_142 = arith.constant dense<0.000000e+00> : vector<1000x512xf32>
    %dot_general3A_143 = tpu.matmul %mul3A_134, %get3A_4, %dot_general3A_142 {dimension_numbers = #tpu.dot_dimension_numbers<[1], [0], [0], [1], [0, 0, 1, 1], [], []>, transpose_lhs_hint = false} : vector<1000x128xf32>, vector<128x512xf32>, vector<1000x512xf32> -> vector<1000x512xf32>
    %add3A_144 = arith.addf %dot_general3A_141, %dot_general3A_143 : vector<1000x512xf32>
    %add3A_145 = vector.broadcast %get3A_7 : vector<1x512xf32> to vector<1000x512xf32>
    %add3A_146 = arith.addf %add3A_144, %add3A_145 : vector<1000x512xf32>
    %slice3A_147 = vector.extract_strided_slice %add3A_146 {offsets = [0, 0], sizes = [1000, 128], strides = [1, 1]} : vector<1000x512xf32> to vector<1000x128xf32>
    %tanh3A_148 = math.tanh %slice3A_147 : vector<1000x128xf32>
    %mul3A_149 = arith.constant 5.000000e-01 : f32
    %mul3A_150 = vector.broadcast %mul3A_149 : f32 to vector<1000x128xf32>
    %mul3A_151 = arith.mulf %mul3A_150, %tanh3A_148 : vector<1000x128xf32>
    %add3A_152 = arith.constant 5.000000e-01 : f32
    %add3A_153 = vector.broadcast %add3A_152 : f32 to vector<1000x128xf32>
    %add3A_154 = arith.addf %mul3A_151, %add3A_153 : vector<1000x128xf32>
    %slice3A_155 = vector.extract_strided_slice %add3A_146 {offsets = [0, 128], sizes = [1000, 128], strides = [1, 1]} : vector<1000x512xf32> to vector<1000x128xf32>
    %tanh3A_156 = math.tanh %slice3A_155 : vector<1000x128xf32>
    %mul3A_157 = arith.constant 5.000000e-01 : f32
    %mul3A_158 = vector.broadcast %mul3A_157 : f32 to vector<1000x128xf32>
    %mul3A_159 = arith.mulf %mul3A_158, %tanh3A_156 : vector<1000x128xf32>
    %add3A_160 = arith.constant 5.000000e-01 : f32
    %add3A_161 = vector.broadcast %add3A_160 : f32 to vector<1000x128xf32>
    %add3A_162 = arith.addf %mul3A_159, %add3A_161 : vector<1000x128xf32>
    %slice3A_163 = vector.extract_strided_slice %add3A_146 {offsets = [0, 256], sizes = [1000, 128], strides = [1, 1]} : vector<1000x512xf32> to vector<1000x128xf32>
    %tanh3A_164 = math.tanh %slice3A_163 : vector<1000x128xf32>
    %slice3A_165 = vector.extract_strided_slice %add3A_146 {offsets = [0, 384], sizes = [1000, 128], strides = [1, 1]} : vector<1000x512xf32> to vector<1000x128xf32>
    %tanh3A_166 = math.tanh %slice3A_165 : vector<1000x128xf32>
    %mul3A_167 = arith.constant 5.000000e-01 : f32
    %mul3A_168 = vector.broadcast %mul3A_167 : f32 to vector<1000x128xf32>
    %mul3A_169 = arith.mulf %mul3A_168, %tanh3A_166 : vector<1000x128xf32>
    %add3A_170 = arith.constant 5.000000e-01 : f32
    %add3A_171 = vector.broadcast %add3A_170 : f32 to vector<1000x128xf32>
    %add3A_172 = arith.addf %mul3A_169, %add3A_171 : vector<1000x128xf32>
    %mul3A_173 = arith.mulf %add3A_162, %add3A_132 : vector<1000x128xf32>
    %mul3A_174 = arith.mulf %add3A_154, %tanh3A_164 : vector<1000x128xf32>
    %add3A_175 = arith.addf %mul3A_173, %mul3A_174 : vector<1000x128xf32>
    %tanh3A_176 = math.tanh %add3A_175 : vector<1000x128xf32>
    %mul3A_177 = arith.mulf %add3A_172, %tanh3A_176 : vector<1000x128xf32>
    %get3A_178 = arith.constant 4 : index
    %get3A_179 = arith.constant 0 : index
    %get3A_180 = arith.constant 0 : index
    %get3A_181 = vector.load %arg1[%get3A_178, %get3A_179, %get3A_180] : memref<16x1000x128xf32, #tpu.memory_space<vmem>>, vector<1x1000x128xf32>
    %get3A_182 = vector.shape_cast %get3A_181 : vector<1x1000x128xf32> to vector<1000x128xf32>
    %dot_general3A_183 = arith.constant dense<0.000000e+00> : vector<1000x512xf32>
    %dot_general3A_184 = tpu.matmul %get3A_182, %get3A_1, %dot_general3A_183 {dimension_numbers = #tpu.dot_dimension_numbers<[1], [0], [0], [1], [0, 0, 1, 1], [], []>, transpose_lhs_hint = false} : vector<1000x128xf32>, vector<128x512xf32>, vector<1000x512xf32> -> vector<1000x512xf32>
    %dot_general3A_185 = arith.constant dense<0.000000e+00> : vector<1000x512xf32>
    %dot_general3A_186 = tpu.matmul %mul3A_177, %get3A_4, %dot_general3A_185 {dimension_numbers = #tpu.dot_dimension_numbers<[1], [0], [0], [1], [0, 0, 1, 1], [], []>, transpose_lhs_hint = false} : vector<1000x128xf32>, vector<128x512xf32>, vector<1000x512xf32> -> vector<1000x512xf32>
    %add3A_187 = arith.addf %dot_general3A_184, %dot_general3A_186 : vector<1000x512xf32>
    %add3A_188 = vector.broadcast %get3A_7 : vector<1x512xf32> to vector<1000x512xf32>
    %add3A_189 = arith.addf %add3A_187, %add3A_188 : vector<1000x512xf32>
    %slice3A_190 = vector.extract_strided_slice %add3A_189 {offsets = [0, 0], sizes = [1000, 128], strides = [1, 1]} : vector<1000x512xf32> to vector<1000x128xf32>
    %tanh3A_191 = math.tanh %slice3A_190 : vector<1000x128xf32>
    %mul3A_192 = arith.constant 5.000000e-01 : f32
    %mul3A_193 = vector.broadcast %mul3A_192 : f32 to vector<1000x128xf32>
    %mul3A_194 = arith.mulf %mul3A_193, %tanh3A_191 : vector<1000x128xf32>
    %add3A_195 = arith.constant 5.000000e-01 : f32
    %add3A_196 = vector.broadcast %add3A_195 : f32 to vector<1000x128xf32>
    %add3A_197 = arith.addf %mul3A_194, %add3A_196 : vector<1000x128xf32>
    %slice3A_198 = vector.extract_strided_slice %add3A_189 {offsets = [0, 128], sizes = [1000, 128], strides = [1, 1]} : vector<1000x512xf32> to vector<1000x128xf32>
    %tanh3A_199 = math.tanh %slice3A_198 : vector<1000x128xf32>
    %mul3A_200 = arith.constant 5.000000e-01 : f32
    %mul3A_201 = vector.broadcast %mul3A_200 : f32 to vector<1000x128xf32>
    %mul3A_202 = arith.mulf %mul3A_201, %tanh3A_199 : vector<1000x128xf32>
    %add3A_203 = arith.constant 5.000000e-01 : f32
    %add3A_204 = vector.broadcast %add3A_203 : f32 to vector<1000x128xf32>
    %add3A_205 = arith.addf %mul3A_202, %add3A_204 : vector<1000x128xf32>
    %slice3A_206 = vector.extract_strided_slice %add3A_189 {offsets = [0, 256], sizes = [1000, 128], strides = [1, 1]} : vector<1000x512xf32> to vector<1000x128xf32>
    %tanh3A_207 = math.tanh %slice3A_206 : vector<1000x128xf32>
    %slice3A_208 = vector.extract_strided_slice %add3A_189 {offsets = [0, 384], sizes = [1000, 128], strides = [1, 1]} : vector<1000x512xf32> to vector<1000x128xf32>
    %tanh3A_209 = math.tanh %slice3A_208 : vector<1000x128xf32>
    %mul3A_210 = arith.constant 5.000000e-01 : f32
    %mul3A_211 = vector.broadcast %mul3A_210 : f32 to vector<1000x128xf32>
    %mul3A_212 = arith.mulf %mul3A_211, %tanh3A_209 : vector<1000x128xf32>
    %add3A_213 = arith.constant 5.000000e-01 : f32
    %add3A_214 = vector.broadcast %add3A_213 : f32 to vector<1000x128xf32>
    %add3A_215 = arith.addf %mul3A_212, %add3A_214 : vector<1000x128xf32>
    %mul3A_216 = arith.mulf %add3A_205, %add3A_175 : vector<1000x128xf32>
    %mul3A_217 = arith.mulf %add3A_197, %tanh3A_207 : vector<1000x128xf32>
    %add3A_218 = arith.addf %mul3A_216, %mul3A_217 : vector<1000x128xf32>
    %tanh3A_219 = math.tanh %add3A_218 : vector<1000x128xf32>
    %mul3A_220 = arith.mulf %add3A_215, %tanh3A_219 : vector<1000x128xf32>
    %get3A_221 = arith.constant 5 : index
    %get3A_222 = arith.constant 0 : index
    %get3A_223 = arith.constant 0 : index
    %get3A_224 = vector.load %arg1[%get3A_221, %get3A_222, %get3A_223] : memref<16x1000x128xf32, #tpu.memory_space<vmem>>, vector<1x1000x128xf32>
    %get3A_225 = vector.shape_cast %get3A_224 : vector<1x1000x128xf32> to vector<1000x128xf32>
    %dot_general3A_226 = arith.constant dense<0.000000e+00> : vector<1000x512xf32>
    %dot_general3A_227 = tpu.matmul %get3A_225, %get3A_1, %dot_general3A_226 {dimension_numbers = #tpu.dot_dimension_numbers<[1], [0], [0], [1], [0, 0, 1, 1], [], []>, transpose_lhs_hint = false} : vector<1000x128xf32>, vector<128x512xf32>, vector<1000x512xf32> -> vector<1000x512xf32>
    %dot_general3A_228 = arith.constant dense<0.000000e+00> : vector<1000x512xf32>
    %dot_general3A_229 = tpu.matmul %mul3A_220, %get3A_4, %dot_general3A_228 {dimension_numbers = #tpu.dot_dimension_numbers<[1], [0], [0], [1], [0, 0, 1, 1], [], []>, transpose_lhs_hint = false} : vector<1000x128xf32>, vector<128x512xf32>, vector<1000x512xf32> -> vector<1000x512xf32>
    %add3A_230 = arith.addf %dot_general3A_227, %dot_general3A_229 : vector<1000x512xf32>
    %add3A_231 = vector.broadcast %get3A_7 : vector<1x512xf32> to vector<1000x512xf32>
    %add3A_232 = arith.addf %add3A_230, %add3A_231 : vector<1000x512xf32>
    %slice3A_233 = vector.extract_strided_slice %add3A_232 {offsets = [0, 0], sizes = [1000, 128], strides = [1, 1]} : vector<1000x512xf32> to vector<1000x128xf32>
    %tanh3A_234 = math.tanh %slice3A_233 : vector<1000x128xf32>
    %mul3A_235 = arith.constant 5.000000e-01 : f32
    %mul3A_236 = vector.broadcast %mul3A_235 : f32 to vector<1000x128xf32>
    %mul3A_237 = arith.mulf %mul3A_236, %tanh3A_234 : vector<1000x128xf32>
    %add3A_238 = arith.constant 5.000000e-01 : f32
    %add3A_239 = vector.broadcast %add3A_238 : f32 to vector<1000x128xf32>
    %add3A_240 = arith.addf %mul3A_237, %add3A_239 : vector<1000x128xf32>
    %slice3A_241 = vector.extract_strided_slice %add3A_232 {offsets = [0, 128], sizes = [1000, 128], strides = [1, 1]} : vector<1000x512xf32> to vector<1000x128xf32>
    %tanh3A_242 = math.tanh %slice3A_241 : vector<1000x128xf32>
    %mul3A_243 = arith.constant 5.000000e-01 : f32
    %mul3A_244 = vector.broadcast %mul3A_243 : f32 to vector<1000x128xf32>
    %mul3A_245 = arith.mulf %mul3A_244, %tanh3A_242 : vector<1000x128xf32>
    %add3A_246 = arith.constant 5.000000e-01 : f32
    %add3A_247 = vector.broadcast %add3A_246 : f32 to vector<1000x128xf32>
    %add3A_248 = arith.addf %mul3A_245, %add3A_247 : vector<1000x128xf32>
    %slice3A_249 = vector.extract_strided_slice %add3A_232 {offsets = [0, 256], sizes = [1000, 128], strides = [1, 1]} : vector<1000x512xf32> to vector<1000x128xf32>
    %tanh3A_250 = math.tanh %slice3A_249 : vector<1000x128xf32>
    %slice3A_251 = vector.extract_strided_slice %add3A_232 {offsets = [0, 384], sizes = [1000, 128], strides = [1, 1]} : vector<1000x512xf32> to vector<1000x128xf32>
    %tanh3A_252 = math.tanh %slice3A_251 : vector<1000x128xf32>
    %mul3A_253 = arith.constant 5.000000e-01 : f32
    %mul3A_254 = vector.broadcast %mul3A_253 : f32 to vector<1000x128xf32>
    %mul3A_255 = arith.mulf %mul3A_254, %tanh3A_252 : vector<1000x128xf32>
    %add3A_256 = arith.constant 5.000000e-01 : f32
    %add3A_257 = vector.broadcast %add3A_256 : f32 to vector<1000x128xf32>
    %add3A_258 = arith.addf %mul3A_255, %add3A_257 : vector<1000x128xf32>
    %mul3A_259 = arith.mulf %add3A_248, %add3A_218 : vector<1000x128xf32>
    %mul3A_260 = arith.mulf %add3A_240, %tanh3A_250 : vector<1000x128xf32>
    %add3A_261 = arith.addf %mul3A_259, %mul3A_260 : vector<1000x128xf32>
    %tanh3A_262 = math.tanh %add3A_261 : vector<1000x128xf32>
    %mul3A_263 = arith.mulf %add3A_258, %tanh3A_262 : vector<1000x128xf32>
    %get3A_264 = arith.constant 6 : index
    %get3A_265 = arith.constant 0 : index
    %get3A_266 = arith.constant 0 : index
    %get3A_267 = vector.load %arg1[%get3A_264, %get3A_265, %get3A_266] : memref<16x1000x128xf32, #tpu.memory_space<vmem>>, vector<1x1000x128xf32>
    %get3A_268 = vector.shape_cast %get3A_267 : vector<1x1000x128xf32> to vector<1000x128xf32>
    %dot_general3A_269 = arith.constant dense<0.000000e+00> : vector<1000x512xf32>
    %dot_general3A_270 = tpu.matmul %get3A_268, %get3A_1, %dot_general3A_269 {dimension_numbers = #tpu.dot_dimension_numbers<[1], [0], [0], [1], [0, 0, 1, 1], [], []>, transpose_lhs_hint = false} : vector<1000x128xf32>, vector<128x512xf32>, vector<1000x512xf32> -> vector<1000x512xf32>
    %dot_general3A_271 = arith.constant dense<0.000000e+00> : vector<1000x512xf32>
    %dot_general3A_272 = tpu.matmul %mul3A_263, %get3A_4, %dot_general3A_271 {dimension_numbers = #tpu.dot_dimension_numbers<[1], [0], [0], [1], [0, 0, 1, 1], [], []>, transpose_lhs_hint = false} : vector<1000x128xf32>, vector<128x512xf32>, vector<1000x512xf32> -> vector<1000x512xf32>
    %add3A_273 = arith.addf %dot_general3A_270, %dot_general3A_272 : vector<1000x512xf32>
    %add3A_274 = vector.broadcast %get3A_7 : vector<1x512xf32> to vector<1000x512xf32>
    %add3A_275 = arith.addf %add3A_273, %add3A_274 : vector<1000x512xf32>
    %slice3A_276 = vector.extract_strided_slice %add3A_275 {offsets = [0, 0], sizes = [1000, 128], strides = [1, 1]} : vector<1000x512xf32> to vector<1000x128xf32>
    %tanh3A_277 = math.tanh %slice3A_276 : vector<1000x128xf32>
    %mul3A_278 = arith.constant 5.000000e-01 : f32
    %mul3A_279 = vector.broadcast %mul3A_278 : f32 to vector<1000x128xf32>
    %mul3A_280 = arith.mulf %mul3A_279, %tanh3A_277 : vector<1000x128xf32>
    %add3A_281 = arith.constant 5.000000e-01 : f32
    %add3A_282 = vector.broadcast %add3A_281 : f32 to vector<1000x128xf32>
    %add3A_283 = arith.addf %mul3A_280, %add3A_282 : vector<1000x128xf32>
    %slice3A_284 = vector.extract_strided_slice %add3A_275 {offsets = [0, 128], sizes = [1000, 128], strides = [1, 1]} : vector<1000x512xf32> to vector<1000x128xf32>
    %tanh3A_285 = math.tanh %slice3A_284 : vector<1000x128xf32>
    %mul3A_286 = arith.constant 5.000000e-01 : f32
    %mul3A_287 = vector.broadcast %mul3A_286 : f32 to vector<1000x128xf32>
    %mul3A_288 = arith.mulf %mul3A_287, %tanh3A_285 : vector<1000x128xf32>
    %add3A_289 = arith.constant 5.000000e-01 : f32
    %add3A_290 = vector.broadcast %add3A_289 : f32 to vector<1000x128xf32>
    %add3A_291 = arith.addf %mul3A_288, %add3A_290 : vector<1000x128xf32>
    %slice3A_292 = vector.extract_strided_slice %add3A_275 {offsets = [0, 256], sizes = [1000, 128], strides = [1, 1]} : vector<1000x512xf32> to vector<1000x128xf32>
    %tanh3A_293 = math.tanh %slice3A_292 : vector<1000x128xf32>
    %slice3A_294 = vector.extract_strided_slice %add3A_275 {offsets = [0, 384], sizes = [1000, 128], strides = [1, 1]} : vector<1000x512xf32> to vector<1000x128xf32>
    %tanh3A_295 = math.tanh %slice3A_294 : vector<1000x128xf32>
    %mul3A_296 = arith.constant 5.000000e-01 : f32
    %mul3A_297 = vector.broadcast %mul3A_296 : f32 to vector<1000x128xf32>
    %mul3A_298 = arith.mulf %mul3A_297, %tanh3A_295 : vector<1000x128xf32>
    %add3A_299 = arith.constant 5.000000e-01 : f32
    %add3A_300 = vector.broadcast %add3A_299 : f32 to vector<1000x128xf32>
    %add3A_301 = arith.addf %mul3A_298, %add3A_300 : vector<1000x128xf32>
    %mul3A_302 = arith.mulf %add3A_291, %add3A_261 : vector<1000x128xf32>
    %mul3A_303 = arith.mulf %add3A_283, %tanh3A_293 : vector<1000x128xf32>
    %add3A_304 = arith.addf %mul3A_302, %mul3A_303 : vector<1000x128xf32>
    %tanh3A_305 = math.tanh %add3A_304 : vector<1000x128xf32>
    %mul3A_306 = arith.mulf %add3A_301, %tanh3A_305 : vector<1000x128xf32>
    %get3A_307 = arith.constant 7 : index
    %get3A_308 = arith.constant 0 : index
    %get3A_309 = arith.constant 0 : index
    %get3A_310 = vector.load %arg1[%get3A_307, %get3A_308, %get3A_309] : memref<16x1000x128xf32, #tpu.memory_space<vmem>>, vector<1x1000x128xf32>
    %get3A_311 = vector.shape_cast %get3A_310 : vector<1x1000x128xf32> to vector<1000x128xf32>
    %dot_general3A_312 = arith.constant dense<0.000000e+00> : vector<1000x512xf32>
    %dot_general3A_313 = tpu.matmul %get3A_311, %get3A_1, %dot_general3A_312 {dimension_numbers = #tpu.dot_dimension_numbers<[1], [0], [0], [1], [0, 0, 1, 1], [], []>, transpose_lhs_hint = false} : vector<1000x128xf32>, vector<128x512xf32>, vector<1000x512xf32> -> vector<1000x512xf32>
    %dot_general3A_314 = arith.constant dense<0.000000e+00> : vector<1000x512xf32>
    %dot_general3A_315 = tpu.matmul %mul3A_306, %get3A_4, %dot_general3A_314 {dimension_numbers = #tpu.dot_dimension_numbers<[1], [0], [0], [1], [0, 0, 1, 1], [], []>, transpose_lhs_hint = false} : vector<1000x128xf32>, vector<128x512xf32>, vector<1000x512xf32> -> vector<1000x512xf32>
    %add3A_316 = arith.addf %dot_general3A_313, %dot_general3A_315 : vector<1000x512xf32>
    %add3A_317 = vector.broadcast %get3A_7 : vector<1x512xf32> to vector<1000x512xf32>
    %add3A_318 = arith.addf %add3A_316, %add3A_317 : vector<1000x512xf32>
    %slice3A_319 = vector.extract_strided_slice %add3A_318 {offsets = [0, 0], sizes = [1000, 128], strides = [1, 1]} : vector<1000x512xf32> to vector<1000x128xf32>
    %tanh3A_320 = math.tanh %slice3A_319 : vector<1000x128xf32>
    %mul3A_321 = arith.constant 5.000000e-01 : f32
    %mul3A_322 = vector.broadcast %mul3A_321 : f32 to vector<1000x128xf32>
    %mul3A_323 = arith.mulf %mul3A_322, %tanh3A_320 : vector<1000x128xf32>
    %add3A_324 = arith.constant 5.000000e-01 : f32
    %add3A_325 = vector.broadcast %add3A_324 : f32 to vector<1000x128xf32>
    %add3A_326 = arith.addf %mul3A_323, %add3A_325 : vector<1000x128xf32>
    %slice3A_327 = vector.extract_strided_slice %add3A_318 {offsets = [0, 128], sizes = [1000, 128], strides = [1, 1]} : vector<1000x512xf32> to vector<1000x128xf32>
    %tanh3A_328 = math.tanh %slice3A_327 : vector<1000x128xf32>
    %mul3A_329 = arith.constant 5.000000e-01 : f32
    %mul3A_330 = vector.broadcast %mul3A_329 : f32 to vector<1000x128xf32>
    %mul3A_331 = arith.mulf %mul3A_330, %tanh3A_328 : vector<1000x128xf32>
    %add3A_332 = arith.constant 5.000000e-01 : f32
    %add3A_333 = vector.broadcast %add3A_332 : f32 to vector<1000x128xf32>
    %add3A_334 = arith.addf %mul3A_331, %add3A_333 : vector<1000x128xf32>
    %slice3A_335 = vector.extract_strided_slice %add3A_318 {offsets = [0, 256], sizes = [1000, 128], strides = [1, 1]} : vector<1000x512xf32> to vector<1000x128xf32>
    %tanh3A_336 = math.tanh %slice3A_335 : vector<1000x128xf32>
    %slice3A_337 = vector.extract_strided_slice %add3A_318 {offsets = [0, 384], sizes = [1000, 128], strides = [1, 1]} : vector<1000x512xf32> to vector<1000x128xf32>
    %tanh3A_338 = math.tanh %slice3A_337 : vector<1000x128xf32>
    %mul3A_339 = arith.constant 5.000000e-01 : f32
    %mul3A_340 = vector.broadcast %mul3A_339 : f32 to vector<1000x128xf32>
    %mul3A_341 = arith.mulf %mul3A_340, %tanh3A_338 : vector<1000x128xf32>
    %add3A_342 = arith.constant 5.000000e-01 : f32
    %add3A_343 = vector.broadcast %add3A_342 : f32 to vector<1000x128xf32>
    %add3A_344 = arith.addf %mul3A_341, %add3A_343 : vector<1000x128xf32>
    %mul3A_345 = arith.mulf %add3A_334, %add3A_304 : vector<1000x128xf32>
    %mul3A_346 = arith.mulf %add3A_326, %tanh3A_336 : vector<1000x128xf32>
    %add3A_347 = arith.addf %mul3A_345, %mul3A_346 : vector<1000x128xf32>
    %tanh3A_348 = math.tanh %add3A_347 : vector<1000x128xf32>
    %mul3A_349 = arith.mulf %add3A_344, %tanh3A_348 : vector<1000x128xf32>
    %get3A_350 = arith.constant 8 : index
    %get3A_351 = arith.constant 0 : index
    %get3A_352 = arith.constant 0 : index
    %get3A_353 = vector.load %arg1[%get3A_350, %get3A_351, %get3A_352] : memref<16x1000x128xf32, #tpu.memory_space<vmem>>, vector<1x1000x128xf32>
    %get3A_354 = vector.shape_cast %get3A_353 : vector<1x1000x128xf32> to vector<1000x128xf32>
    %dot_general3A_355 = arith.constant dense<0.000000e+00> : vector<1000x512xf32>
    %dot_general3A_356 = tpu.matmul %get3A_354, %get3A_1, %dot_general3A_355 {dimension_numbers = #tpu.dot_dimension_numbers<[1], [0], [0], [1], [0, 0, 1, 1], [], []>, transpose_lhs_hint = false} : vector<1000x128xf32>, vector<128x512xf32>, vector<1000x512xf32> -> vector<1000x512xf32>
    %dot_general3A_357 = arith.constant dense<0.000000e+00> : vector<1000x512xf32>
    %dot_general3A_358 = tpu.matmul %mul3A_349, %get3A_4, %dot_general3A_357 {dimension_numbers = #tpu.dot_dimension_numbers<[1], [0], [0], [1], [0, 0, 1, 1], [], []>, transpose_lhs_hint = false} : vector<1000x128xf32>, vector<128x512xf32>, vector<1000x512xf32> -> vector<1000x512xf32>
    %add3A_359 = arith.addf %dot_general3A_356, %dot_general3A_358 : vector<1000x512xf32>
    %add3A_360 = vector.broadcast %get3A_7 : vector<1x512xf32> to vector<1000x512xf32>
    %add3A_361 = arith.addf %add3A_359, %add3A_360 : vector<1000x512xf32>
    %slice3A_362 = vector.extract_strided_slice %add3A_361 {offsets = [0, 0], sizes = [1000, 128], strides = [1, 1]} : vector<1000x512xf32> to vector<1000x128xf32>
    %tanh3A_363 = math.tanh %slice3A_362 : vector<1000x128xf32>
    %mul3A_364 = arith.constant 5.000000e-01 : f32
    %mul3A_365 = vector.broadcast %mul3A_364 : f32 to vector<1000x128xf32>
    %mul3A_366 = arith.mulf %mul3A_365, %tanh3A_363 : vector<1000x128xf32>
    %add3A_367 = arith.constant 5.000000e-01 : f32
    %add3A_368 = vector.broadcast %add3A_367 : f32 to vector<1000x128xf32>
    %add3A_369 = arith.addf %mul3A_366, %add3A_368 : vector<1000x128xf32>
    %slice3A_370 = vector.extract_strided_slice %add3A_361 {offsets = [0, 128], sizes = [1000, 128], strides = [1, 1]} : vector<1000x512xf32> to vector<1000x128xf32>
    %tanh3A_371 = math.tanh %slice3A_370 : vector<1000x128xf32>
    %mul3A_372 = arith.constant 5.000000e-01 : f32
    %mul3A_373 = vector.broadcast %mul3A_372 : f32 to vector<1000x128xf32>
    %mul3A_374 = arith.mulf %mul3A_373, %tanh3A_371 : vector<1000x128xf32>
    %add3A_375 = arith.constant 5.000000e-01 : f32
    %add3A_376 = vector.broadcast %add3A_375 : f32 to vector<1000x128xf32>
    %add3A_377 = arith.addf %mul3A_374, %add3A_376 : vector<1000x128xf32>
    %slice3A_378 = vector.extract_strided_slice %add3A_361 {offsets = [0, 256], sizes = [1000, 128], strides = [1, 1]} : vector<1000x512xf32> to vector<1000x128xf32>
    %tanh3A_379 = math.tanh %slice3A_378 : vector<1000x128xf32>
    %slice3A_380 = vector.extract_strided_slice %add3A_361 {offsets = [0, 384], sizes = [1000, 128], strides = [1, 1]} : vector<1000x512xf32> to vector<1000x128xf32>
    %tanh3A_381 = math.tanh %slice3A_380 : vector<1000x128xf32>
    %mul3A_382 = arith.constant 5.000000e-01 : f32
    %mul3A_383 = vector.broadcast %mul3A_382 : f32 to vector<1000x128xf32>
    %mul3A_384 = arith.mulf %mul3A_383, %tanh3A_381 : vector<1000x128xf32>
    %add3A_385 = arith.constant 5.000000e-01 : f32
    %add3A_386 = vector.broadcast %add3A_385 : f32 to vector<1000x128xf32>
    %add3A_387 = arith.addf %mul3A_384, %add3A_386 : vector<1000x128xf32>
    %mul3A_388 = arith.mulf %add3A_377, %add3A_347 : vector<1000x128xf32>
    %mul3A_389 = arith.mulf %add3A_369, %tanh3A_379 : vector<1000x128xf32>
    %add3A_390 = arith.addf %mul3A_388, %mul3A_389 : vector<1000x128xf32>
    %tanh3A_391 = math.tanh %add3A_390 : vector<1000x128xf32>
    %mul3A_392 = arith.mulf %add3A_387, %tanh3A_391 : vector<1000x128xf32>
    %get3A_393 = arith.constant 9 : index
    %get3A_394 = arith.constant 0 : index
    %get3A_395 = arith.constant 0 : index
    %get3A_396 = vector.load %arg1[%get3A_393, %get3A_394, %get3A_395] : memref<16x1000x128xf32, #tpu.memory_space<vmem>>, vector<1x1000x128xf32>
    %get3A_397 = vector.shape_cast %get3A_396 : vector<1x1000x128xf32> to vector<1000x128xf32>
    %dot_general3A_398 = arith.constant dense<0.000000e+00> : vector<1000x512xf32>
    %dot_general3A_399 = tpu.matmul %get3A_397, %get3A_1, %dot_general3A_398 {dimension_numbers = #tpu.dot_dimension_numbers<[1], [0], [0], [1], [0, 0, 1, 1], [], []>, transpose_lhs_hint = false} : vector<1000x128xf32>, vector<128x512xf32>, vector<1000x512xf32> -> vector<1000x512xf32>
    %dot_general3A_400 = arith.constant dense<0.000000e+00> : vector<1000x512xf32>
    %dot_general3A_401 = tpu.matmul %mul3A_392, %get3A_4, %dot_general3A_400 {dimension_numbers = #tpu.dot_dimension_numbers<[1], [0], [0], [1], [0, 0, 1, 1], [], []>, transpose_lhs_hint = false} : vector<1000x128xf32>, vector<128x512xf32>, vector<1000x512xf32> -> vector<1000x512xf32>
    %add3A_402 = arith.addf %dot_general3A_399, %dot_general3A_401 : vector<1000x512xf32>
    %add3A_403 = vector.broadcast %get3A_7 : vector<1x512xf32> to vector<1000x512xf32>
    %add3A_404 = arith.addf %add3A_402, %add3A_403 : vector<1000x512xf32>
    %slice3A_405 = vector.extract_strided_slice %add3A_404 {offsets = [0, 0], sizes = [1000, 128], strides = [1, 1]} : vector<1000x512xf32> to vector<1000x128xf32>
    %tanh3A_406 = math.tanh %slice3A_405 : vector<1000x128xf32>
    %mul3A_407 = arith.constant 5.000000e-01 : f32
    %mul3A_408 = vector.broadcast %mul3A_407 : f32 to vector<1000x128xf32>
    %mul3A_409 = arith.mulf %mul3A_408, %tanh3A_406 : vector<1000x128xf32>
    %add3A_410 = arith.constant 5.000000e-01 : f32
    %add3A_411 = vector.broadcast %add3A_410 : f32 to vector<1000x128xf32>
    %add3A_412 = arith.addf %mul3A_409, %add3A_411 : vector<1000x128xf32>
    %slice3A_413 = vector.extract_strided_slice %add3A_404 {offsets = [0, 128], sizes = [1000, 128], strides = [1, 1]} : vector<1000x512xf32> to vector<1000x128xf32>
    %tanh3A_414 = math.tanh %slice3A_413 : vector<1000x128xf32>
    %mul3A_415 = arith.constant 5.000000e-01 : f32
    %mul3A_416 = vector.broadcast %mul3A_415 : f32 to vector<1000x128xf32>
    %mul3A_417 = arith.mulf %mul3A_416, %tanh3A_414 : vector<1000x128xf32>
    %add3A_418 = arith.constant 5.000000e-01 : f32
    %add3A_419 = vector.broadcast %add3A_418 : f32 to vector<1000x128xf32>
    %add3A_420 = arith.addf %mul3A_417, %add3A_419 : vector<1000x128xf32>
    %slice3A_421 = vector.extract_strided_slice %add3A_404 {offsets = [0, 256], sizes = [1000, 128], strides = [1, 1]} : vector<1000x512xf32> to vector<1000x128xf32>
    %tanh3A_422 = math.tanh %slice3A_421 : vector<1000x128xf32>
    %slice3A_423 = vector.extract_strided_slice %add3A_404 {offsets = [0, 384], sizes = [1000, 128], strides = [1, 1]} : vector<1000x512xf32> to vector<1000x128xf32>
    %tanh3A_424 = math.tanh %slice3A_423 : vector<1000x128xf32>
    %mul3A_425 = arith.constant 5.000000e-01 : f32
    %mul3A_426 = vector.broadcast %mul3A_425 : f32 to vector<1000x128xf32>
    %mul3A_427 = arith.mulf %mul3A_426, %tanh3A_424 : vector<1000x128xf32>
    %add3A_428 = arith.constant 5.000000e-01 : f32
    %add3A_429 = vector.broadcast %add3A_428 : f32 to vector<1000x128xf32>
    %add3A_430 = arith.addf %mul3A_427, %add3A_429 : vector<1000x128xf32>
    %mul3A_431 = arith.mulf %add3A_420, %add3A_390 : vector<1000x128xf32>
    %mul3A_432 = arith.mulf %add3A_412, %tanh3A_422 : vector<1000x128xf32>
    %add3A_433 = arith.addf %mul3A_431, %mul3A_432 : vector<1000x128xf32>
    %tanh3A_434 = math.tanh %add3A_433 : vector<1000x128xf32>
    %mul3A_435 = arith.mulf %add3A_430, %tanh3A_434 : vector<1000x128xf32>
    %get3A_436 = arith.constant 10 : index
    %get3A_437 = arith.constant 0 : index
    %get3A_438 = arith.constant 0 : index
    %get3A_439 = vector.load %arg1[%get3A_436, %get3A_437, %get3A_438] : memref<16x1000x128xf32, #tpu.memory_space<vmem>>, vector<1x1000x128xf32>
    %get3A_440 = vector.shape_cast %get3A_439 : vector<1x1000x128xf32> to vector<1000x128xf32>
    %dot_general3A_441 = arith.constant dense<0.000000e+00> : vector<1000x512xf32>
    %dot_general3A_442 = tpu.matmul %get3A_440, %get3A_1, %dot_general3A_441 {dimension_numbers = #tpu.dot_dimension_numbers<[1], [0], [0], [1], [0, 0, 1, 1], [], []>, transpose_lhs_hint = false} : vector<1000x128xf32>, vector<128x512xf32>, vector<1000x512xf32> -> vector<1000x512xf32>
    %dot_general3A_443 = arith.constant dense<0.000000e+00> : vector<1000x512xf32>
    %dot_general3A_444 = tpu.matmul %mul3A_435, %get3A_4, %dot_general3A_443 {dimension_numbers = #tpu.dot_dimension_numbers<[1], [0], [0], [1], [0, 0, 1, 1], [], []>, transpose_lhs_hint = false} : vector<1000x128xf32>, vector<128x512xf32>, vector<1000x512xf32> -> vector<1000x512xf32>
    %add3A_445 = arith.addf %dot_general3A_442, %dot_general3A_444 : vector<1000x512xf32>
    %add3A_446 = vector.broadcast %get3A_7 : vector<1x512xf32> to vector<1000x512xf32>
    %add3A_447 = arith.addf %add3A_445, %add3A_446 : vector<1000x512xf32>
    %slice3A_448 = vector.extract_strided_slice %add3A_447 {offsets = [0, 0], sizes = [1000, 128], strides = [1, 1]} : vector<1000x512xf32> to vector<1000x128xf32>
    %tanh3A_449 = math.tanh %slice3A_448 : vector<1000x128xf32>
    %mul3A_450 = arith.constant 5.000000e-01 : f32
    %mul3A_451 = vector.broadcast %mul3A_450 : f32 to vector<1000x128xf32>
    %mul3A_452 = arith.mulf %mul3A_451, %tanh3A_449 : vector<1000x128xf32>
    %add3A_453 = arith.constant 5.000000e-01 : f32
    %add3A_454 = vector.broadcast %add3A_453 : f32 to vector<1000x128xf32>
    %add3A_455 = arith.addf %mul3A_452, %add3A_454 : vector<1000x128xf32>
    %slice3A_456 = vector.extract_strided_slice %add3A_447 {offsets = [0, 128], sizes = [1000, 128], strides = [1, 1]} : vector<1000x512xf32> to vector<1000x128xf32>
    %tanh3A_457 = math.tanh %slice3A_456 : vector<1000x128xf32>
    %mul3A_458 = arith.constant 5.000000e-01 : f32
    %mul3A_459 = vector.broadcast %mul3A_458 : f32 to vector<1000x128xf32>
    %mul3A_460 = arith.mulf %mul3A_459, %tanh3A_457 : vector<1000x128xf32>
    %add3A_461 = arith.constant 5.000000e-01 : f32
    %add3A_462 = vector.broadcast %add3A_461 : f32 to vector<1000x128xf32>
    %add3A_463 = arith.addf %mul3A_460, %add3A_462 : vector<1000x128xf32>
    %slice3A_464 = vector.extract_strided_slice %add3A_447 {offsets = [0, 256], sizes = [1000, 128], strides = [1, 1]} : vector<1000x512xf32> to vector<1000x128xf32>
    %tanh3A_465 = math.tanh %slice3A_464 : vector<1000x128xf32>
    %slice3A_466 = vector.extract_strided_slice %add3A_447 {offsets = [0, 384], sizes = [1000, 128], strides = [1, 1]} : vector<1000x512xf32> to vector<1000x128xf32>
    %tanh3A_467 = math.tanh %slice3A_466 : vector<1000x128xf32>
    %mul3A_468 = arith.constant 5.000000e-01 : f32
    %mul3A_469 = vector.broadcast %mul3A_468 : f32 to vector<1000x128xf32>
    %mul3A_470 = arith.mulf %mul3A_469, %tanh3A_467 : vector<1000x128xf32>
    %add3A_471 = arith.constant 5.000000e-01 : f32
    %add3A_472 = vector.broadcast %add3A_471 : f32 to vector<1000x128xf32>
    %add3A_473 = arith.addf %mul3A_470, %add3A_472 : vector<1000x128xf32>
    %mul3A_474 = arith.mulf %add3A_463, %add3A_433 : vector<1000x128xf32>
    %mul3A_475 = arith.mulf %add3A_455, %tanh3A_465 : vector<1000x128xf32>
    %add3A_476 = arith.addf %mul3A_474, %mul3A_475 : vector<1000x128xf32>
    %tanh3A_477 = math.tanh %add3A_476 : vector<1000x128xf32>
    %mul3A_478 = arith.mulf %add3A_473, %tanh3A_477 : vector<1000x128xf32>
    %get3A_479 = arith.constant 11 : index
    %get3A_480 = arith.constant 0 : index
    %get3A_481 = arith.constant 0 : index
    %get3A_482 = vector.load %arg1[%get3A_479, %get3A_480, %get3A_481] : memref<16x1000x128xf32, #tpu.memory_space<vmem>>, vector<1x1000x128xf32>
    %get3A_483 = vector.shape_cast %get3A_482 : vector<1x1000x128xf32> to vector<1000x128xf32>
    %dot_general3A_484 = arith.constant dense<0.000000e+00> : vector<1000x512xf32>
    %dot_general3A_485 = tpu.matmul %get3A_483, %get3A_1, %dot_general3A_484 {dimension_numbers = #tpu.dot_dimension_numbers<[1], [0], [0], [1], [0, 0, 1, 1], [], []>, transpose_lhs_hint = false} : vector<1000x128xf32>, vector<128x512xf32>, vector<1000x512xf32> -> vector<1000x512xf32>
    %dot_general3A_486 = arith.constant dense<0.000000e+00> : vector<1000x512xf32>
    %dot_general3A_487 = tpu.matmul %mul3A_478, %get3A_4, %dot_general3A_486 {dimension_numbers = #tpu.dot_dimension_numbers<[1], [0], [0], [1], [0, 0, 1, 1], [], []>, transpose_lhs_hint = false} : vector<1000x128xf32>, vector<128x512xf32>, vector<1000x512xf32> -> vector<1000x512xf32>
    %add3A_488 = arith.addf %dot_general3A_485, %dot_general3A_487 : vector<1000x512xf32>
    %add3A_489 = vector.broadcast %get3A_7 : vector<1x512xf32> to vector<1000x512xf32>
    %add3A_490 = arith.addf %add3A_488, %add3A_489 : vector<1000x512xf32>
    %slice3A_491 = vector.extract_strided_slice %add3A_490 {offsets = [0, 0], sizes = [1000, 128], strides = [1, 1]} : vector<1000x512xf32> to vector<1000x128xf32>
    %tanh3A_492 = math.tanh %slice3A_491 : vector<1000x128xf32>
    %mul3A_493 = arith.constant 5.000000e-01 : f32
    %mul3A_494 = vector.broadcast %mul3A_493 : f32 to vector<1000x128xf32>
    %mul3A_495 = arith.mulf %mul3A_494, %tanh3A_492 : vector<1000x128xf32>
    %add3A_496 = arith.constant 5.000000e-01 : f32
    %add3A_497 = vector.broadcast %add3A_496 : f32 to vector<1000x128xf32>
    %add3A_498 = arith.addf %mul3A_495, %add3A_497 : vector<1000x128xf32>
    %slice3A_499 = vector.extract_strided_slice %add3A_490 {offsets = [0, 128], sizes = [1000, 128], strides = [1, 1]} : vector<1000x512xf32> to vector<1000x128xf32>
    %tanh3A_500 = math.tanh %slice3A_499 : vector<1000x128xf32>
    %mul3A_501 = arith.constant 5.000000e-01 : f32
    %mul3A_502 = vector.broadcast %mul3A_501 : f32 to vector<1000x128xf32>
    %mul3A_503 = arith.mulf %mul3A_502, %tanh3A_500 : vector<1000x128xf32>
    %add3A_504 = arith.constant 5.000000e-01 : f32
    %add3A_505 = vector.broadcast %add3A_504 : f32 to vector<1000x128xf32>
    %add3A_506 = arith.addf %mul3A_503, %add3A_505 : vector<1000x128xf32>
    %slice3A_507 = vector.extract_strided_slice %add3A_490 {offsets = [0, 256], sizes = [1000, 128], strides = [1, 1]} : vector<1000x512xf32> to vector<1000x128xf32>
    %tanh3A_508 = math.tanh %slice3A_507 : vector<1000x128xf32>
    %slice3A_509 = vector.extract_strided_slice %add3A_490 {offsets = [0, 384], sizes = [1000, 128], strides = [1, 1]} : vector<1000x512xf32> to vector<1000x128xf32>
    %tanh3A_510 = math.tanh %slice3A_509 : vector<1000x128xf32>
    %mul3A_511 = arith.constant 5.000000e-01 : f32
    %mul3A_512 = vector.broadcast %mul3A_511 : f32 to vector<1000x128xf32>
    %mul3A_513 = arith.mulf %mul3A_512, %tanh3A_510 : vector<1000x128xf32>
    %add3A_514 = arith.constant 5.000000e-01 : f32
    %add3A_515 = vector.broadcast %add3A_514 : f32 to vector<1000x128xf32>
    %add3A_516 = arith.addf %mul3A_513, %add3A_515 : vector<1000x128xf32>
    %mul3A_517 = arith.mulf %add3A_506, %add3A_476 : vector<1000x128xf32>
    %mul3A_518 = arith.mulf %add3A_498, %tanh3A_508 : vector<1000x128xf32>
    %add3A_519 = arith.addf %mul3A_517, %mul3A_518 : vector<1000x128xf32>
    %tanh3A_520 = math.tanh %add3A_519 : vector<1000x128xf32>
    %mul3A_521 = arith.mulf %add3A_516, %tanh3A_520 : vector<1000x128xf32>
    %get3A_522 = arith.constant 12 : index
    %get3A_523 = arith.constant 0 : index
    %get3A_524 = arith.constant 0 : index
    %get3A_525 = vector.load %arg1[%get3A_522, %get3A_523, %get3A_524] : memref<16x1000x128xf32, #tpu.memory_space<vmem>>, vector<1x1000x128xf32>
    %get3A_526 = vector.shape_cast %get3A_525 : vector<1x1000x128xf32> to vector<1000x128xf32>
    %dot_general3A_527 = arith.constant dense<0.000000e+00> : vector<1000x512xf32>
    %dot_general3A_528 = tpu.matmul %get3A_526, %get3A_1, %dot_general3A_527 {dimension_numbers = #tpu.dot_dimension_numbers<[1], [0], [0], [1], [0, 0, 1, 1], [], []>, transpose_lhs_hint = false} : vector<1000x128xf32>, vector<128x512xf32>, vector<1000x512xf32> -> vector<1000x512xf32>
    %dot_general3A_529 = arith.constant dense<0.000000e+00> : vector<1000x512xf32>
    %dot_general3A_530 = tpu.matmul %mul3A_521, %get3A_4, %dot_general3A_529 {dimension_numbers = #tpu.dot_dimension_numbers<[1], [0], [0], [1], [0, 0, 1, 1], [], []>, transpose_lhs_hint = false} : vector<1000x128xf32>, vector<128x512xf32>, vector<1000x512xf32> -> vector<1000x512xf32>
    %add3A_531 = arith.addf %dot_general3A_528, %dot_general3A_530 : vector<1000x512xf32>
    %add3A_532 = vector.broadcast %get3A_7 : vector<1x512xf32> to vector<1000x512xf32>
    %add3A_533 = arith.addf %add3A_531, %add3A_532 : vector<1000x512xf32>
    %slice3A_534 = vector.extract_strided_slice %add3A_533 {offsets = [0, 0], sizes = [1000, 128], strides = [1, 1]} : vector<1000x512xf32> to vector<1000x128xf32>
    %tanh3A_535 = math.tanh %slice3A_534 : vector<1000x128xf32>
    %mul3A_536 = arith.constant 5.000000e-01 : f32
    %mul3A_537 = vector.broadcast %mul3A_536 : f32 to vector<1000x128xf32>
    %mul3A_538 = arith.mulf %mul3A_537, %tanh3A_535 : vector<1000x128xf32>
    %add3A_539 = arith.constant 5.000000e-01 : f32
    %add3A_540 = vector.broadcast %add3A_539 : f32 to vector<1000x128xf32>
    %add3A_541 = arith.addf %mul3A_538, %add3A_540 : vector<1000x128xf32>
    %slice3A_542 = vector.extract_strided_slice %add3A_533 {offsets = [0, 128], sizes = [1000, 128], strides = [1, 1]} : vector<1000x512xf32> to vector<1000x128xf32>
    %tanh3A_543 = math.tanh %slice3A_542 : vector<1000x128xf32>
    %mul3A_544 = arith.constant 5.000000e-01 : f32
    %mul3A_545 = vector.broadcast %mul3A_544 : f32 to vector<1000x128xf32>
    %mul3A_546 = arith.mulf %mul3A_545, %tanh3A_543 : vector<1000x128xf32>
    %add3A_547 = arith.constant 5.000000e-01 : f32
    %add3A_548 = vector.broadcast %add3A_547 : f32 to vector<1000x128xf32>
    %add3A_549 = arith.addf %mul3A_546, %add3A_548 : vector<1000x128xf32>
    %slice3A_550 = vector.extract_strided_slice %add3A_533 {offsets = [0, 256], sizes = [1000, 128], strides = [1, 1]} : vector<1000x512xf32> to vector<1000x128xf32>
    %tanh3A_551 = math.tanh %slice3A_550 : vector<1000x128xf32>
    %slice3A_552 = vector.extract_strided_slice %add3A_533 {offsets = [0, 384], sizes = [1000, 128], strides = [1, 1]} : vector<1000x512xf32> to vector<1000x128xf32>
    %tanh3A_553 = math.tanh %slice3A_552 : vector<1000x128xf32>
    %mul3A_554 = arith.constant 5.000000e-01 : f32
    %mul3A_555 = vector.broadcast %mul3A_554 : f32 to vector<1000x128xf32>
    %mul3A_556 = arith.mulf %mul3A_555, %tanh3A_553 : vector<1000x128xf32>
    %add3A_557 = arith.constant 5.000000e-01 : f32
    %add3A_558 = vector.broadcast %add3A_557 : f32 to vector<1000x128xf32>
    %add3A_559 = arith.addf %mul3A_556, %add3A_558 : vector<1000x128xf32>
    %mul3A_560 = arith.mulf %add3A_549, %add3A_519 : vector<1000x128xf32>
    %mul3A_561 = arith.mulf %add3A_541, %tanh3A_551 : vector<1000x128xf32>
    %add3A_562 = arith.addf %mul3A_560, %mul3A_561 : vector<1000x128xf32>
    %tanh3A_563 = math.tanh %add3A_562 : vector<1000x128xf32>
    %mul3A_564 = arith.mulf %add3A_559, %tanh3A_563 : vector<1000x128xf32>
    %get3A_565 = arith.constant 13 : index
    %get3A_566 = arith.constant 0 : index
    %get3A_567 = arith.constant 0 : index
    %get3A_568 = vector.load %arg1[%get3A_565, %get3A_566, %get3A_567] : memref<16x1000x128xf32, #tpu.memory_space<vmem>>, vector<1x1000x128xf32>
    %get3A_569 = vector.shape_cast %get3A_568 : vector<1x1000x128xf32> to vector<1000x128xf32>
    %dot_general3A_570 = arith.constant dense<0.000000e+00> : vector<1000x512xf32>
    %dot_general3A_571 = tpu.matmul %get3A_569, %get3A_1, %dot_general3A_570 {dimension_numbers = #tpu.dot_dimension_numbers<[1], [0], [0], [1], [0, 0, 1, 1], [], []>, transpose_lhs_hint = false} : vector<1000x128xf32>, vector<128x512xf32>, vector<1000x512xf32> -> vector<1000x512xf32>
    %dot_general3A_572 = arith.constant dense<0.000000e+00> : vector<1000x512xf32>
    %dot_general3A_573 = tpu.matmul %mul3A_564, %get3A_4, %dot_general3A_572 {dimension_numbers = #tpu.dot_dimension_numbers<[1], [0], [0], [1], [0, 0, 1, 1], [], []>, transpose_lhs_hint = false} : vector<1000x128xf32>, vector<128x512xf32>, vector<1000x512xf32> -> vector<1000x512xf32>
    %add3A_574 = arith.addf %dot_general3A_571, %dot_general3A_573 : vector<1000x512xf32>
    %add3A_575 = vector.broadcast %get3A_7 : vector<1x512xf32> to vector<1000x512xf32>
    %add3A_576 = arith.addf %add3A_574, %add3A_575 : vector<1000x512xf32>
    %slice3A_577 = vector.extract_strided_slice %add3A_576 {offsets = [0, 0], sizes = [1000, 128], strides = [1, 1]} : vector<1000x512xf32> to vector<1000x128xf32>
    %tanh3A_578 = math.tanh %slice3A_577 : vector<1000x128xf32>
    %mul3A_579 = arith.constant 5.000000e-01 : f32
    %mul3A_580 = vector.broadcast %mul3A_579 : f32 to vector<1000x128xf32>
    %mul3A_581 = arith.mulf %mul3A_580, %tanh3A_578 : vector<1000x128xf32>
    %add3A_582 = arith.constant 5.000000e-01 : f32
    %add3A_583 = vector.broadcast %add3A_582 : f32 to vector<1000x128xf32>
    %add3A_584 = arith.addf %mul3A_581, %add3A_583 : vector<1000x128xf32>
    %slice3A_585 = vector.extract_strided_slice %add3A_576 {offsets = [0, 128], sizes = [1000, 128], strides = [1, 1]} : vector<1000x512xf32> to vector<1000x128xf32>
    %tanh3A_586 = math.tanh %slice3A_585 : vector<1000x128xf32>
    %mul3A_587 = arith.constant 5.000000e-01 : f32
    %mul3A_588 = vector.broadcast %mul3A_587 : f32 to vector<1000x128xf32>
    %mul3A_589 = arith.mulf %mul3A_588, %tanh3A_586 : vector<1000x128xf32>
    %add3A_590 = arith.constant 5.000000e-01 : f32
    %add3A_591 = vector.broadcast %add3A_590 : f32 to vector<1000x128xf32>
    %add3A_592 = arith.addf %mul3A_589, %add3A_591 : vector<1000x128xf32>
    %slice3A_593 = vector.extract_strided_slice %add3A_576 {offsets = [0, 256], sizes = [1000, 128], strides = [1, 1]} : vector<1000x512xf32> to vector<1000x128xf32>
    %tanh3A_594 = math.tanh %slice3A_593 : vector<1000x128xf32>
    %slice3A_595 = vector.extract_strided_slice %add3A_576 {offsets = [0, 384], sizes = [1000, 128], strides = [1, 1]} : vector<1000x512xf32> to vector<1000x128xf32>
    %tanh3A_596 = math.tanh %slice3A_595 : vector<1000x128xf32>
    %mul3A_597 = arith.constant 5.000000e-01 : f32
    %mul3A_598 = vector.broadcast %mul3A_597 : f32 to vector<1000x128xf32>
    %mul3A_599 = arith.mulf %mul3A_598, %tanh3A_596 : vector<1000x128xf32>
    %add3A_600 = arith.constant 5.000000e-01 : f32
    %add3A_601 = vector.broadcast %add3A_600 : f32 to vector<1000x128xf32>
    %add3A_602 = arith.addf %mul3A_599, %add3A_601 : vector<1000x128xf32>
    %mul3A_603 = arith.mulf %add3A_592, %add3A_562 : vector<1000x128xf32>
    %mul3A_604 = arith.mulf %add3A_584, %tanh3A_594 : vector<1000x128xf32>
    %add3A_605 = arith.addf %mul3A_603, %mul3A_604 : vector<1000x128xf32>
    %tanh3A_606 = math.tanh %add3A_605 : vector<1000x128xf32>
    %mul3A_607 = arith.mulf %add3A_602, %tanh3A_606 : vector<1000x128xf32>
    %get3A_608 = arith.constant 14 : index
    %get3A_609 = arith.constant 0 : index
    %get3A_610 = arith.constant 0 : index
    %get3A_611 = vector.load %arg1[%get3A_608, %get3A_609, %get3A_610] : memref<16x1000x128xf32, #tpu.memory_space<vmem>>, vector<1x1000x128xf32>
    %get3A_612 = vector.shape_cast %get3A_611 : vector<1x1000x128xf32> to vector<1000x128xf32>
    %dot_general3A_613 = arith.constant dense<0.000000e+00> : vector<1000x512xf32>
    %dot_general3A_614 = tpu.matmul %get3A_612, %get3A_1, %dot_general3A_613 {dimension_numbers = #tpu.dot_dimension_numbers<[1], [0], [0], [1], [0, 0, 1, 1], [], []>, transpose_lhs_hint = false} : vector<1000x128xf32>, vector<128x512xf32>, vector<1000x512xf32> -> vector<1000x512xf32>
    %dot_general3A_615 = arith.constant dense<0.000000e+00> : vector<1000x512xf32>
    %dot_general3A_616 = tpu.matmul %mul3A_607, %get3A_4, %dot_general3A_615 {dimension_numbers = #tpu.dot_dimension_numbers<[1], [0], [0], [1], [0, 0, 1, 1], [], []>, transpose_lhs_hint = false} : vector<1000x128xf32>, vector<128x512xf32>, vector<1000x512xf32> -> vector<1000x512xf32>
    %add3A_617 = arith.addf %dot_general3A_614, %dot_general3A_616 : vector<1000x512xf32>
    %add3A_618 = vector.broadcast %get3A_7 : vector<1x512xf32> to vector<1000x512xf32>
    %add3A_619 = arith.addf %add3A_617, %add3A_618 : vector<1000x512xf32>
    %slice3A_620 = vector.extract_strided_slice %add3A_619 {offsets = [0, 0], sizes = [1000, 128], strides = [1, 1]} : vector<1000x512xf32> to vector<1000x128xf32>
    %tanh3A_621 = math.tanh %slice3A_620 : vector<1000x128xf32>
    %mul3A_622 = arith.constant 5.000000e-01 : f32
    %mul3A_623 = vector.broadcast %mul3A_622 : f32 to vector<1000x128xf32>
    %mul3A_624 = arith.mulf %mul3A_623, %tanh3A_621 : vector<1000x128xf32>
    %add3A_625 = arith.constant 5.000000e-01 : f32
    %add3A_626 = vector.broadcast %add3A_625 : f32 to vector<1000x128xf32>
    %add3A_627 = arith.addf %mul3A_624, %add3A_626 : vector<1000x128xf32>
    %slice3A_628 = vector.extract_strided_slice %add3A_619 {offsets = [0, 128], sizes = [1000, 128], strides = [1, 1]} : vector<1000x512xf32> to vector<1000x128xf32>
    %tanh3A_629 = math.tanh %slice3A_628 : vector<1000x128xf32>
    %mul3A_630 = arith.constant 5.000000e-01 : f32
    %mul3A_631 = vector.broadcast %mul3A_630 : f32 to vector<1000x128xf32>
    %mul3A_632 = arith.mulf %mul3A_631, %tanh3A_629 : vector<1000x128xf32>
    %add3A_633 = arith.constant 5.000000e-01 : f32
    %add3A_634 = vector.broadcast %add3A_633 : f32 to vector<1000x128xf32>
    %add3A_635 = arith.addf %mul3A_632, %add3A_634 : vector<1000x128xf32>
    %slice3A_636 = vector.extract_strided_slice %add3A_619 {offsets = [0, 256], sizes = [1000, 128], strides = [1, 1]} : vector<1000x512xf32> to vector<1000x128xf32>
    %tanh3A_637 = math.tanh %slice3A_636 : vector<1000x128xf32>
    %slice3A_638 = vector.extract_strided_slice %add3A_619 {offsets = [0, 384], sizes = [1000, 128], strides = [1, 1]} : vector<1000x512xf32> to vector<1000x128xf32>
    %tanh3A_639 = math.tanh %slice3A_638 : vector<1000x128xf32>
    %mul3A_640 = arith.constant 5.000000e-01 : f32
    %mul3A_641 = vector.broadcast %mul3A_640 : f32 to vector<1000x128xf32>
    %mul3A_642 = arith.mulf %mul3A_641, %tanh3A_639 : vector<1000x128xf32>
    %add3A_643 = arith.constant 5.000000e-01 : f32
    %add3A_644 = vector.broadcast %add3A_643 : f32 to vector<1000x128xf32>
    %add3A_645 = arith.addf %mul3A_642, %add3A_644 : vector<1000x128xf32>
    %mul3A_646 = arith.mulf %add3A_635, %add3A_605 : vector<1000x128xf32>
    %mul3A_647 = arith.mulf %add3A_627, %tanh3A_637 : vector<1000x128xf32>
    %add3A_648 = arith.addf %mul3A_646, %mul3A_647 : vector<1000x128xf32>
    %tanh3A_649 = math.tanh %add3A_648 : vector<1000x128xf32>
    %mul3A_650 = arith.mulf %add3A_645, %tanh3A_649 : vector<1000x128xf32>
    %get3A_651 = arith.constant 15 : index
    %get3A_652 = arith.constant 0 : index
    %get3A_653 = arith.constant 0 : index
    %get3A_654 = vector.load %arg1[%get3A_651, %get3A_652, %get3A_653] : memref<16x1000x128xf32, #tpu.memory_space<vmem>>, vector<1x1000x128xf32>
    %get3A_655 = vector.shape_cast %get3A_654 : vector<1x1000x128xf32> to vector<1000x128xf32>
    %dot_general3A_656 = arith.constant dense<0.000000e+00> : vector<1000x512xf32>
    %dot_general3A_657 = tpu.matmul %get3A_655, %get3A_1, %dot_general3A_656 {dimension_numbers = #tpu.dot_dimension_numbers<[1], [0], [0], [1], [0, 0, 1, 1], [], []>, transpose_lhs_hint = false} : vector<1000x128xf32>, vector<128x512xf32>, vector<1000x512xf32> -> vector<1000x512xf32>
    %dot_general3A_658 = arith.constant dense<0.000000e+00> : vector<1000x512xf32>
    %dot_general3A_659 = tpu.matmul %mul3A_650, %get3A_4, %dot_general3A_658 {dimension_numbers = #tpu.dot_dimension_numbers<[1], [0], [0], [1], [0, 0, 1, 1], [], []>, transpose_lhs_hint = false} : vector<1000x128xf32>, vector<128x512xf32>, vector<1000x512xf32> -> vector<1000x512xf32>
    %add3A_660 = arith.addf %dot_general3A_657, %dot_general3A_659 : vector<1000x512xf32>
    %add3A_661 = vector.broadcast %get3A_7 : vector<1x512xf32> to vector<1000x512xf32>
    %add3A_662 = arith.addf %add3A_660, %add3A_661 : vector<1000x512xf32>
    %slice3A_663 = vector.extract_strided_slice %add3A_662 {offsets = [0, 0], sizes = [1000, 128], strides = [1, 1]} : vector<1000x512xf32> to vector<1000x128xf32>
    %tanh3A_664 = math.tanh %slice3A_663 : vector<1000x128xf32>
    %mul3A_665 = arith.constant 5.000000e-01 : f32
    %mul3A_666 = vector.broadcast %mul3A_665 : f32 to vector<1000x128xf32>
    %mul3A_667 = arith.mulf %mul3A_666, %tanh3A_664 : vector<1000x128xf32>
    %add3A_668 = arith.constant 5.000000e-01 : f32
    %add3A_669 = vector.broadcast %add3A_668 : f32 to vector<1000x128xf32>
    %add3A_670 = arith.addf %mul3A_667, %add3A_669 : vector<1000x128xf32>
    %slice3A_671 = vector.extract_strided_slice %add3A_662 {offsets = [0, 128], sizes = [1000, 128], strides = [1, 1]} : vector<1000x512xf32> to vector<1000x128xf32>
    %tanh3A_672 = math.tanh %slice3A_671 : vector<1000x128xf32>
    %mul3A_673 = arith.constant 5.000000e-01 : f32
    %mul3A_674 = vector.broadcast %mul3A_673 : f32 to vector<1000x128xf32>
    %mul3A_675 = arith.mulf %mul3A_674, %tanh3A_672 : vector<1000x128xf32>
    %add3A_676 = arith.constant 5.000000e-01 : f32
    %add3A_677 = vector.broadcast %add3A_676 : f32 to vector<1000x128xf32>
    %add3A_678 = arith.addf %mul3A_675, %add3A_677 : vector<1000x128xf32>
    %slice3A_679 = vector.extract_strided_slice %add3A_662 {offsets = [0, 256], sizes = [1000, 128], strides = [1, 1]} : vector<1000x512xf32> to vector<1000x128xf32>
    %tanh3A_680 = math.tanh %slice3A_679 : vector<1000x128xf32>
    %slice3A_681 = vector.extract_strided_slice %add3A_662 {offsets = [0, 384], sizes = [1000, 128], strides = [1, 1]} : vector<1000x512xf32> to vector<1000x128xf32>
    %tanh3A_682 = math.tanh %slice3A_681 : vector<1000x128xf32>
    %mul3A_683 = arith.constant 5.000000e-01 : f32
    %mul3A_684 = vector.broadcast %mul3A_683 : f32 to vector<1000x128xf32>
    %mul3A_685 = arith.mulf %mul3A_684, %tanh3A_682 : vector<1000x128xf32>
    %add3A_686 = arith.constant 5.000000e-01 : f32
    %add3A_687 = vector.broadcast %add3A_686 : f32 to vector<1000x128xf32>
    %add3A_688 = arith.addf %mul3A_685, %add3A_687 : vector<1000x128xf32>
    %mul3A_689 = arith.mulf %add3A_678, %add3A_648 : vector<1000x128xf32>
    %mul3A_690 = arith.mulf %add3A_670, %tanh3A_680 : vector<1000x128xf32>
    %add3A_691 = arith.addf %mul3A_689, %mul3A_690 : vector<1000x128xf32>
    %tanh3A_692 = math.tanh %add3A_691 : vector<1000x128xf32>
    %mul3A_693 = arith.mulf %add3A_688, %tanh3A_692 : vector<1000x128xf32>
    %get3A_694 = arith.constant 0 : index
    %get3A_695 = arith.constant 0 : index
    %get3A_696 = vector.load %arg2[%get3A_694, %get3A_695] : memref<1000x128xf32, #tpu.memory_space<vmem>>, vector<1000x128xf32>
    %get3A_697 = arith.constant 0 : index
    %get3A_698 = arith.constant 0 : index
    %get3A_699 = vector.load %arg6[%get3A_697, %get3A_698] : memref<128x128xf32, #tpu.memory_space<vmem>>, vector<128x128xf32>
    %dot_general3A_700 = arith.constant dense<0.000000e+00> : vector<1000x128xf32>
    %dot_general3A_701 = tpu.matmul %get3A_696, %get3A_699, %dot_general3A_700 {dimension_numbers = #tpu.dot_dimension_numbers<[1], [0], [0], [1], [0, 0, 1, 1], [], []>, transpose_lhs_hint = false} : vector<1000x128xf32>, vector<128x128xf32>, vector<1000x128xf32> -> vector<1000x128xf32>
    %get3A_702 = arith.constant 0 : index
    %get3A_703 = arith.constant 0 : index
    %get3A_704 = vector.load %arg7[%get3A_702, %get3A_703] : memref<128x128xf32, #tpu.memory_space<vmem>>, vector<128x128xf32>
    %dot_general3A_705 = arith.constant dense<0.000000e+00> : vector<1000x128xf32>
    %dot_general3A_706 = tpu.matmul %mul3A_693, %get3A_704, %dot_general3A_705 {dimension_numbers = #tpu.dot_dimension_numbers<[1], [0], [0], [1], [0, 0, 1, 1], [], []>, transpose_lhs_hint = false} : vector<1000x128xf32>, vector<128x128xf32>, vector<1000x128xf32> -> vector<1000x128xf32>
    %add3A_707 = arith.addf %dot_general3A_701, %dot_general3A_706 : vector<1000x128xf32>
    %get3A_708 = arith.constant 0 : index
    %get3A_709 = arith.constant 0 : index
    %get3A_710 = vector.load %arg8[%get3A_708, %get3A_709] : memref<1x128xf32, #tpu.memory_space<vmem>>, vector<1x128xf32>
    %add3A_711 = vector.broadcast %get3A_710 : vector<1x128xf32> to vector<1000x128xf32>
    %add3A_712 = arith.addf %add3A_707, %add3A_711 : vector<1000x128xf32>
    %max3A = arith.constant 0.000000e+00 : f32
    %max3A_713 = vector.broadcast %max3A : f32 to vector<1000x128xf32>
    %max3A_714 = arith.maximumf %add3A_712, %max3A_713 : vector<1000x128xf32>
    %swap3A = arith.constant 0 : index
    %swap3A_715 = arith.constant 0 : index
    %swap3A_716 = vector.load %arg9[%swap3A, %swap3A_715] : memref<1000x128xf32, #tpu.memory_space<vmem>>, vector<1000x128xf32>
    tpu.vector_store %arg9[%swap3A, %swap3A_715], %max3A_714 {strides = array<i32>} : memref<1000x128xf32, #tpu.memory_space<vmem>>, vector<1000x128xf32>,
    return
  }
  func.func @transform_0(%arg0: i32) -> (i32, i32, i32) {
    %c0_i32 = arith.constant 0 : i32
    %c0_i32_0 = arith.constant 0 : i32
    %c0_i32_1 = arith.constant 0 : i32
    return %c0_i32, %arg0, %c0_i32_0 : i32, i32, i32
  }
  func.func @transform_1(%arg0: i32) -> (i32, i32) {
    %c0_i32 = arith.constant 0 : i32
    %c0_i32_0 = arith.constant 0 : i32
    return %arg0, %c0_i32 : i32, i32
  }
  func.func @transform_2(%arg0: i32) -> (i32, i32) {
    %c0_i32 = arith.constant 0 : i32
    %c0_i32_0 = arith.constant 0 : i32
    %c0_i32_1 = arith.constant 0 : i32
    return %c0_i32, %c0_i32_0 : i32, i32
  }
  func.func @transform_3(%arg0: i32) -> (i32, i32) {
    %c0_i32 = arith.constant 0 : i32
    %c0_i32_0 = arith.constant 0 : i32
    %c0_i32_1 = arith.constant 0 : i32
    return %c0_i32, %c0_i32_0 : i32, i32
  }
  func.func @transform_4(%arg0: i32) -> (i32, i32) {
    %c0_i32 = arith.constant 0 : i32
    %c0_i32_0 = arith.constant 0 : i32
    %c0_i32_1 = arith.constant 0 : i32
    return %c0_i32, %c0_i32_0 : i32, i32
  }
  func.func @transform_5(%arg0: i32) -> (i32, i32) {
    %c0_i32 = arith.constant 0 : i32
    %c0_i32_0 = arith.constant 0 : i32
    %c0_i32_1 = arith.constant 0 : i32
    return %c0_i32, %c0_i32_0 : i32, i32
  }
  func.func @transform_6(%arg0: i32) -> (i32, i32) {
    %c0_i32 = arith.constant 0 : i32
    %c0_i32_0 = arith.constant 0 : i32
    %c0_i32_1 = arith.constant 0 : i32
    return %c0_i32, %c0_i32_0 : i32, i32
  }
  func.func @transform_7(%arg0: i32) -> (i32, i32) {
    %c0_i32 = arith.constant 0 : i32
    %c0_i32_0 = arith.constant 0 : i32
    %c0_i32_1 = arith.constant 0 : i32
    return %c0_i32, %c0_i32_0 : i32, i32
  }
  func.func @transform_8(%arg0: i32) -> (i32, i32) {
    %c0_i32 = arith.constant 0 : i32
    %c0_i32_0 = arith.constant 0 : i32
    return %arg0, %c0_i32 : i32, i32
  }
}

module attributes {stable_mosaic.version = 14 : i64} {
  func.func @body(%arg0: i32, %arg1: memref<16x1000x128xf32, #tpu.memory_space<vmem>>, %arg2: memref<1000x128xf32, #tpu.memory_space<vmem>>, %arg3: memref<128x512xf32, #tpu.memory_space<vmem>>, %arg4: memref<128x512xf32, #tpu.memory_space<vmem>>, %arg5: memref<1x512xf32, #tpu.memory_space<vmem>>, %arg6: memref<128x128xf32, #tpu.memory_space<vmem>>, %arg7: memref<128x128xf32, #tpu.memory_space<vmem>>, %arg8: memref<1x128xf32, #tpu.memory_space<vmem>>, %arg9: memref<1000x128xf32, #tpu.memory_space<vmem>>) attributes {dimension_semantics = [#tpu.dimension_semantics<arbitrary>], iteration_bounds = array<i64: 10>, scalar_prefetch = 0 : i64, scratch_operands = 0 : i64, tpu.core_type = #tpu.core_type<tc>, window_params = [{transform_indices = @transform_0, window_bounds = array<i64: 16, 1000, 128>}, {transform_indices = @transform_1, window_bounds = array<i64: 1000, 128>}, {pipeline_mode = #tpu.pipeline_mode<synchronous>, transform_indices = @transform_2, window_bounds = array<i64: 128, 512>}, {pipeline_mode = #tpu.pipeline_mode<synchronous>, transform_indices = @transform_3, window_bounds = array<i64: 128, 512>}, {pipeline_mode = #tpu.pipeline_mode<synchronous>, transform_indices = @transform_4, window_bounds = array<i64: 1, 512>}, {pipeline_mode = #tpu.pipeline_mode<synchronous>, transform_indices = @transform_5, window_bounds = array<i64: 128, 128>}, {pipeline_mode = #tpu.pipeline_mode<synchronous>, transform_indices = @transform_6, window_bounds = array<i64: 128, 128>}, {pipeline_mode = #tpu.pipeline_mode<synchronous>, transform_indices = @transform_7, window_bounds = array<i64: 1, 128>}, {transform_indices = @transform_8, window_bounds = array<i64: 1000, 128>}]} {
    %get3A = arith.constant 0 : index
    %get3A_0 = arith.constant 0 : index
    %get3A_1 = vector.load %arg3[%get3A, %get3A_0] : memref<128x512xf32, #tpu.memory_space<vmem>>, vector<128x512xf32>
    %get3A_2 = arith.constant 0 : index
    %get3A_3 = arith.constant 0 : index
    %get3A_4 = vector.load %arg4[%get3A_2, %get3A_3] : memref<128x512xf32, #tpu.memory_space<vmem>>, vector<128x512xf32>
    %get3A_5 = arith.constant 0 : index
    %get3A_6 = arith.constant 0 : index
    %get3A_7 = vector.load %arg5[%get3A_5, %get3A_6] : memref<1x512xf32, #tpu.memory_space<vmem>>, vector<1x512xf32>
    %broadcast_in_dim3A = arith.constant 0.000000e+00 : f32
    %broadcast_in_dim3A_8 = vector.broadcast %broadcast_in_dim3A : f32 to vector<1000x128xf32>
    %broadcast_in_dim3A_9 = arith.constant 0.000000e+00 : f32
    %broadcast_in_dim3A_10 = vector.broadcast %broadcast_in_dim3A_9 : f32 to vector<1000x128xf32>
    %get3A_11 = arith.constant 0 : index
    %get3A_12 = arith.constant 0 : index
    %get3A_13 = arith.constant 0 : index
    %get3A_14 = vector.load %arg1[%get3A_11, %get3A_12, %get3A_13] : memref<16x1000x128xf32, #tpu.memory_space<vmem>>, vector<1x1000x128xf32>
    %get3A_15 = vector.shape_cast %get3A_14 : vector<1x1000x128xf32> to vector<1000x128xf32>
    %dot_general3A = arith.constant dense<0.000000e+00> : vector<1000x512xf32>
    %dot_general3A_16 = tpu.matmul %get3A_15, %get3A_1, %dot_general3A {dimension_numbers = #tpu.dot_dimension_numbers<[1], [0], [0], [1], [0, 0, 1, 1], [], []>, transpose_lhs_hint = false} : vector<1000x128xf32>, vector<128x512xf32>, vector<1000x512xf32> -> vector<1000x512xf32>
    %dot_general3A_17 = arith.constant dense<0.000000e+00> : vector<1000x512xf32>
    %dot_general3A_18 = tpu.matmul %broadcast_in_dim3A_8, %get3A_4, %dot_general3A_17 {dimension_numbers = #tpu.dot_dimension_numbers<[1], [0], [0], [1], [0, 0, 1, 1], [], []>, transpose_lhs_hint = false} : vector<1000x128xf32>, vector<128x512xf32>, vector<1000x512xf32> -> vector<1000x512xf32>
    %add3A = arith.addf %dot_general3A_16, %dot_general3A_18 : vector<1000x512xf32>
    %add3A_19 = vector.broadcast %get3A_7 : vector<1x512xf32> to vector<1000x512xf32>
    %add3A_20 = arith.addf %add3A, %add3A_19 : vector<1000x512xf32>
    %slice3A = vector.extract_strided_slice %add3A_20 {offsets = [0, 0], sizes = [1000, 128], strides = [1, 1]} : vector<1000x512xf32> to vector<1000x128xf32>
    %tanh3A = math.tanh %slice3A : vector<1000x128xf32>
    %mul3A = arith.constant 5.000000e-01 : f32
    %mul3A_21 = vector.broadcast %mul3A : f32 to vector<1000x128xf32>
    %mul3A_22 = arith.mulf %mul3A_21, %tanh3A : vector<1000x128xf32>
    %add3A_23 = arith.constant 5.000000e-01 : f32
    %add3A_24 = vector.broadcast %add3A_23 : f32 to vector<1000x128xf32>
    %add3A_25 = arith.addf %mul3A_22, %add3A_24 : vector<1000x128xf32>
    %slice3A_26 = vector.extract_strided_slice %add3A_20 {offsets = [0, 128], sizes = [1000, 128], strides = [1, 1]} : vector<1000x512xf32> to vector<1000x128xf32>
    %tanh3A_27 = math.tanh %slice3A_26 : vector<1000x128xf32>
    %mul3A_28 = arith.constant 5.000000e-01 : f32
    %mul3A_29 = vector.broadcast %mul3A_28 : f32 to vector<1000x128xf32>
    %mul3A_30 = arith.mulf %mul3A_29, %tanh3A_27 : vector<1000x128xf32>
    %add3A_31 = arith.constant 5.000000e-01 : f32
    %add3A_32 = vector.broadcast %add3A_31 : f32 to vector<1000x128xf32>
    %add3A_33 = arith.addf %mul3A_30, %add3A_32 : vector<1000x128xf32>
    %slice3A_34 = vector.extract_strided_slice %add3A_20 {offsets = [0, 256], sizes = [1000, 128], strides = [1, 1]} : vector<1000x512xf32> to vector<1000x128xf32>
    %tanh3A_35 = math.tanh %slice3A_34 : vector<1000x128xf32>
    %slice3A_36 = vector.extract_strided_slice %add3A_20 {offsets = [0, 384], sizes = [1000, 128], strides = [1, 1]} : vector<1000x512xf32> to vector<1000x128xf32>
    %tanh3A_37 = math.tanh %slice3A_36 : vector<1000x128xf32>
    %mul3A_38 = arith.constant 5.000000e-01 : f32
    %mul3A_39 = vector.broadcast %mul3A_38 : f32 to vector<1000x128xf32>
    %mul3A_40 = arith.mulf %mul3A_39, %tanh3A_37 : vector<1000x128xf32>
    %add3A_41 = arith.constant 5.000000e-01 : f32
    %add3A_42 = vector.broadcast %add3A_41 : f32 to vector<1000x128xf32>
    %add3A_43 = arith.addf %mul3A_40, %add3A_42 : vector<1000x128xf32>
    %mul3A_44 = arith.mulf %add3A_33, %broadcast_in_dim3A_10 : vector<1000x128xf32>
    %mul3A_45 = arith.mulf %add3A_25, %tanh3A_35 : vector<1000x128xf32>
    %add3A_46 = arith.addf %mul3A_44, %mul3A_45 : vector<1000x128xf32>
    %tanh3A_47 = math.tanh %add3A_46 : vector<1000x128xf32>
    %mul3A_48 = arith.mulf %add3A_43, %tanh3A_47 : vector<1000x128xf32>
    %get3A_49 = arith.constant 1 : index
    %get3A_50 = arith.constant 0 : index
    %get3A_51 = arith.constant 0 : index
    %get3A_52 = vector.load %arg1[%get3A_49, %get3A_50, %get3A_51] : memref<16x1000x128xf32, #tpu.memory_space<vmem>>, vector<1x1000x128xf32>
    %get3A_53 = vector.shape_cast %get3A_52 : vector<1x1000x128xf32> to vector<1000x128xf32>
    %dot_general3A_54 = arith.constant dense<0.000000e+00> : vector<1000x512xf32>
    %dot_general3A_55 = tpu.matmul %get3A_53, %get3A_1, %dot_general3A_54 {dimension_numbers = #tpu.dot_dimension_numbers<[1], [0], [0], [1], [0, 0, 1, 1], [], []>, transpose_lhs_hint = false} : vector<1000x128xf32>, vector<128x512xf32>, vector<1000x512xf32> -> vector<1000x512xf32>
    %dot_general3A_56 = arith.constant dense<0.000000e+00> : vector<1000x512xf32>
    %dot_general3A_57 = tpu.matmul %mul3A_48, %get3A_4, %dot_general3A_56 {dimension_numbers = #tpu.dot_dimension_numbers<[1], [0], [0], [1], [0, 0, 1, 1], [], []>, transpose_lhs_hint = false} : vector<1000x128xf32>, vector<128x512xf32>, vector<1000x512xf32> -> vector<1000x512xf32>
    %add3A_58 = arith.addf %dot_general3A_55, %dot_general3A_57 : vector<1000x512xf32>
    %add3A_59 = vector.broadcast %get3A_7 : vector<1x512xf32> to vector<1000x512xf32>
    %add3A_60 = arith.addf %add3A_58, %add3A_59 : vector<1000x512xf32>
    %slice3A_61 = vector.extract_strided_slice %add3A_60 {offsets = [0, 0], sizes = [1000, 128], strides = [1, 1]} : vector<1000x512xf32> to vector<1000x128xf32>
    %tanh3A_62 = math.tanh %slice3A_61 : vector<1000x128xf32>
    %mul3A_63 = arith.constant 5.000000e-01 : f32
    %mul3A_64 = vector.broadcast %mul3A_63 : f32 to vector<1000x128xf32>
    %mul3A_65 = arith.mulf %mul3A_64, %tanh3A_62 : vector<1000x128xf32>
    %add3A_66 = arith.constant 5.000000e-01 : f32
    %add3A_67 = vector.broadcast %add3A_66 : f32 to vector<1000x128xf32>
    %add3A_68 = arith.addf %mul3A_65, %add3A_67 : vector<1000x128xf32>
    %slice3A_69 = vector.extract_strided_slice %add3A_60 {offsets = [0, 128], sizes = [1000, 128], strides = [1, 1]} : vector<1000x512xf32> to vector<1000x128xf32>
    %tanh3A_70 = math.tanh %slice3A_69 : vector<1000x128xf32>
    %mul3A_71 = arith.constant 5.000000e-01 : f32
    %mul3A_72 = vector.broadcast %mul3A_71 : f32 to vector<1000x128xf32>
    %mul3A_73 = arith.mulf %mul3A_72, %tanh3A_70 : vector<1000x128xf32>
    %add3A_74 = arith.constant 5.000000e-01 : f32
    %add3A_75 = vector.broadcast %add3A_74 : f32 to vector<1000x128xf32>
    %add3A_76 = arith.addf %mul3A_73, %add3A_75 : vector<1000x128xf32>
    %slice3A_77 = vector.extract_strided_slice %add3A_60 {offsets = [0, 256], sizes = [1000, 128], strides = [1, 1]} : vector<1000x512xf32> to vector<1000x128xf32>
    %tanh3A_78 = math.tanh %slice3A_77 : vector<1000x128xf32>
    %slice3A_79 = vector.extract_strided_slice %add3A_60 {offsets = [0, 384], sizes = [1000, 128], strides = [1, 1]} : vector<1000x512xf32> to vector<1000x128xf32>
    %tanh3A_80 = math.tanh %slice3A_79 : vector<1000x128xf32>
    %mul3A_81 = arith.constant 5.000000e-01 : f32
    %mul3A_82 = vector.broadcast %mul3A_81 : f32 to vector<1000x128xf32>
    %mul3A_83 = arith.mulf %mul3A_82, %tanh3A_80 : vector<1000x128xf32>
    %add3A_84 = arith.constant 5.000000e-01 : f32
    %add3A_85 = vector.broadcast %add3A_84 : f32 to vector<1000x128xf32>
    %add3A_86 = arith.addf %mul3A_83, %add3A_85 : vector<1000x128xf32>
    %mul3A_87 = arith.mulf %add3A_76, %add3A_46 : vector<1000x128xf32>
    %mul3A_88 = arith.mulf %add3A_68, %tanh3A_78 : vector<1000x128xf32>
    %add3A_89 = arith.addf %mul3A_87, %mul3A_88 : vector<1000x128xf32>
    %tanh3A_90 = math.tanh %add3A_89 : vector<1000x128xf32>
    %mul3A_91 = arith.mulf %add3A_86, %tanh3A_90 : vector<1000x128xf32>
    %get3A_92 = arith.constant 2 : index
    %get3A_93 = arith.constant 0 : index
    %get3A_94 = arith.constant 0 : index
    %get3A_95 = vector.load %arg1[%get3A_92, %get3A_93, %get3A_94] : memref<16x1000x128xf32, #tpu.memory_space<vmem>>, vector<1x1000x128xf32>
    %get3A_96 = vector.shape_cast %get3A_95 : vector<1x1000x128xf32> to vector<1000x128xf32>
    %dot_general3A_97 = arith.constant dense<0.000000e+00> : vector<1000x512xf32>
    %dot_general3A_98 = tpu.matmul %get3A_96, %get3A_1, %dot_general3A_97 {dimension_numbers = #tpu.dot_dimension_numbers<[1], [0], [0], [1], [0, 0, 1, 1], [], []>, transpose_lhs_hint = false} : vector<1000x128xf32>, vector<128x512xf32>, vector<1000x512xf32> -> vector<1000x512xf32>
    %dot_general3A_99 = arith.constant dense<0.000000e+00> : vector<1000x512xf32>
    %dot_general3A_100 = tpu.matmul %mul3A_91, %get3A_4, %dot_general3A_99 {dimension_numbers = #tpu.dot_dimension_numbers<[1], [0], [0], [1], [0, 0, 1, 1], [], []>, transpose_lhs_hint = false} : vector<1000x128xf32>, vector<128x512xf32>, vector<1000x512xf32> -> vector<1000x512xf32>
    %add3A_101 = arith.addf %dot_general3A_98, %dot_general3A_100 : vector<1000x512xf32>
    %add3A_102 = vector.broadcast %get3A_7 : vector<1x512xf32> to vector<1000x512xf32>
    %add3A_103 = arith.addf %add3A_101, %add3A_102 : vector<1000x512xf32>
    %slice3A_104 = vector.extract_strided_slice %add3A_103 {offsets = [0, 0], sizes = [1000, 128], strides = [1, 1]} : vector<1000x512xf32> to vector<1000x128xf32>
    %tanh3A_105 = math.tanh %slice3A_104 : vector<1000x128xf32>
    %mul3A_106 = arith.constant 5.000000e-01 : f32
    %mul3A_107 = vector.broadcast %mul3A_106 : f32 to vector<1000x128xf32>
    %mul3A_108 = arith.mulf %mul3A_107, %tanh3A_105 : vector<1000x128xf32>
    %add3A_109 = arith.constant 5.000000e-01 : f32
    %add3A_110 = vector.broadcast %add3A_109 : f32 to vector<1000x128xf32>
    %add3A_111 = arith.addf %mul3A_108, %add3A_110 : vector<1000x128xf32>
    %slice3A_112 = vector.extract_strided_slice %add3A_103 {offsets = [0, 128], sizes = [1000, 128], strides = [1, 1]} : vector<1000x512xf32> to vector<1000x128xf32>
    %tanh3A_113 = math.tanh %slice3A_112 : vector<1000x128xf32>
    %mul3A_114 = arith.constant 5.000000e-01 : f32
    %mul3A_115 = vector.broadcast %mul3A_114 : f32 to vector<1000x128xf32>
    %mul3A_116 = arith.mulf %mul3A_115, %tanh3A_113 : vector<1000x128xf32>
    %add3A_117 = arith.constant 5.000000e-01 : f32
    %add3A_118 = vector.broadcast %add3A_117 : f32 to vector<1000x128xf32>
    %add3A_119 = arith.addf %mul3A_116, %add3A_118 : vector<1000x128xf32>
    %slice3A_120 = vector.extract_strided_slice %add3A_103 {offsets = [0, 256], sizes = [1000, 128], strides = [1, 1]} : vector<1000x512xf32> to vector<1000x128xf32>
    %tanh3A_121 = math.tanh %slice3A_120 : vector<1000x128xf32>
    %slice3A_122 = vector.extract_strided_slice %add3A_103 {offsets = [0, 384], sizes = [1000, 128], strides = [1, 1]} : vector<1000x512xf32> to vector<1000x128xf32>
    %tanh3A_123 = math.tanh %slice3A_122 : vector<1000x128xf32>
    %mul3A_124 = arith.constant 5.000000e-01 : f32
    %mul3A_125 = vector.broadcast %mul3A_124 : f32 to vector<1000x128xf32>
    %mul3A_126 = arith.mulf %mul3A_125, %tanh3A_123 : vector<1000x128xf32>
    %add3A_127 = arith.constant 5.000000e-01 : f32
    %add3A_128 = vector.broadcast %add3A_127 : f32 to vector<1000x128xf32>
    %add3A_129 = arith.addf %mul3A_126, %add3A_128 : vector<1000x128xf32>
    %mul3A_130 = arith.mulf %add3A_119, %add3A_89 : vector<1000x128xf32>
    %mul3A_131 = arith.mulf %add3A_111, %tanh3A_121 : vector<1000x128xf32>
    %add3A_132 = arith.addf %mul3A_130, %mul3A_131 : vector<1000x128xf32>
    %tanh3A_133 = math.tanh %add3A_132 : vector<1000x128xf32>
    %mul3A_134 = arith.mulf %add3A_129, %tanh3A_133 : vector<1000x128xf32>
    %get3A_135 = arith.constant 3 : index
    %get3A_136 = arith.constant 0 : index
    %get3A_137 = arith.constant 0 : index
    %get3A_138 = vector.load %arg1[%get3A_135, %get3A_136, %get3A_137] : memref<16x1000x128xf32, #tpu.memory_space<vmem>>, vector<1x1000x128xf32>
    %get3A_139 = vector.shape_cast %get3A_138 : vector<1x1000x128xf32> to vector<1000x128xf32>
    %dot_general3A_140 = arith.constant dense<0.000000e+00> : vector<1000x512xf32>
    %dot_general3A_141 = tpu.matmul %get3A_139, %get3A_1, %dot_general3A_140 {dimension_numbers = #tpu.dot_dimension_numbers<[1], [0], [0], [1], [0, 0, 1, 1], [], []>, transpose_lhs_hint = false} : vector<1000x128xf32>, vector<128x512xf32>, vector<1000x512xf32> -> vector<1000x512xf32>
    %dot_general3A_142 = arith.constant dense<0.000000e+00> : vector<1000x512xf32>
    %dot_general3A_143 = tpu.matmul %mul3A_134, %get3A_4, %dot_general3A_142 {dimension_numbers = #tpu.dot_dimension_numbers<[1], [0], [0], [1], [0, 0, 1, 1], [], []>, transpose_lhs_hint = false} : vector<1000x128xf32>, vector<128x512xf32>, vector<1000x512xf32> -> vector<1000x512xf32>
    %add3A_144 = arith.addf %dot_general3A_141, %dot_general3A_143 : vector<1000x512xf32>
    %add3A_145 = vector.broadcast %get3A_7 : vector<1x512xf32> to vector<1000x512xf32>
    %add3A_146 = arith.addf %add3A_144, %add3A_145 : vector<1000x512xf32>
    %slice3A_147 = vector.extract_strided_slice %add3A_146 {offsets = [0, 0], sizes = [1000, 128], strides = [1, 1]} : vector<1000x512xf32> to vector<1000x128xf32>
    %tanh3A_148 = math.tanh %slice3A_147 : vector<1000x128xf32>
    %mul3A_149 = arith.constant 5.000000e-01 : f32
    %mul3A_150 = vector.broadcast %mul3A_149 : f32 to vector<1000x128xf32>
    %mul3A_151 = arith.mulf %mul3A_150, %tanh3A_148 : vector<1000x128xf32>
    %add3A_152 = arith.constant 5.000000e-01 : f32
    %add3A_153 = vector.broadcast %add3A_152 : f32 to vector<1000x128xf32>
    %add3A_154 = arith.addf %mul3A_151, %add3A_153 : vector<1000x128xf32>
    %slice3A_155 = vector.extract_strided_slice %add3A_146 {offsets = [0, 128], sizes = [1000, 128], strides = [1, 1]} : vector<1000x512xf32> to vector<1000x128xf32>
    %tanh3A_156 = math.tanh %slice3A_155 : vector<1000x128xf32>
    %mul3A_157 = arith.constant 5.000000e-01 : f32
    %mul3A_158 = vector.broadcast %mul3A_157 : f32 to vector<1000x128xf32>
    %mul3A_159 = arith.mulf %mul3A_158, %tanh3A_156 : vector<1000x128xf32>
    %add3A_160 = arith.constant 5.000000e-01 : f32
    %add3A_161 = vector.broadcast %add3A_160 : f32 to vector<1000x128xf32>
    %add3A_162 = arith.addf %mul3A_159, %add3A_161 : vector<1000x128xf32>
    %slice3A_163 = vector.extract_strided_slice %add3A_146 {offsets = [0, 256], sizes = [1000, 128], strides = [1, 1]} : vector<1000x512xf32> to vector<1000x128xf32>
    %tanh3A_164 = math.tanh %slice3A_163 : vector<1000x128xf32>
    %slice3A_165 = vector.extract_strided_slice %add3A_146 {offsets = [0, 384], sizes = [1000, 128], strides = [1, 1]} : vector<1000x512xf32> to vector<1000x128xf32>
    %tanh3A_166 = math.tanh %slice3A_165 : vector<1000x128xf32>
    %mul3A_167 = arith.constant 5.000000e-01 : f32
    %mul3A_168 = vector.broadcast %mul3A_167 : f32 to vector<1000x128xf32>
    %mul3A_169 = arith.mulf %mul3A_168, %tanh3A_166 : vector<1000x128xf32>
    %add3A_170 = arith.constant 5.000000e-01 : f32
    %add3A_171 = vector.broadcast %add3A_170 : f32 to vector<1000x128xf32>
    %add3A_172 = arith.addf %mul3A_169, %add3A_171 : vector<1000x128xf32>
    %mul3A_173 = arith.mulf %add3A_162, %add3A_132 : vector<1000x128xf32>
    %mul3A_174 = arith.mulf %add3A_154, %tanh3A_164 : vector<1000x128xf32>
    %add3A_175 = arith.addf %mul3A_173, %mul3A_174 : vector<1000x128xf32>
    %tanh3A_176 = math.tanh %add3A_175 : vector<1000x128xf32>
    %mul3A_177 = arith.mulf %add3A_172, %tanh3A_176 : vector<1000x128xf32>
    %get3A_178 = arith.constant 4 : index
    %get3A_179 = arith.constant 0 : index
    %get3A_180 = arith.constant 0 : index
    %get3A_181 = vector.load %arg1[%get3A_178, %get3A_179, %get3A_180] : memref<16x1000x128xf32, #tpu.memory_space<vmem>>, vector<1x1000x128xf32>
    %get3A_182 = vector.shape_cast %get3A_181 : vector<1x1000x128xf32> to vector<1000x128xf32>
    %dot_general3A_183 = arith.constant dense<0.000000e+00> : vector<1000x512xf32>
    %dot_general3A_184 = tpu.matmul %get3A_182, %get3A_1, %dot_general3A_183 {dimension_numbers = #tpu.dot_dimension_numbers<[1], [0], [0], [1], [0, 0, 1, 1], [], []>, transpose_lhs_hint = false} : vector<1000x128xf32>, vector<128x512xf32>, vector<1000x512xf32> -> vector<1000x512xf32>
    %dot_general3A_185 = arith.constant dense<0.000000e+00> : vector<1000x512xf32>
    %dot_general3A_186 = tpu.matmul %mul3A_177, %get3A_4, %dot_general3A_185 {dimension_numbers = #tpu.dot_dimension_numbers<[1], [0], [0], [1], [0, 0, 1, 1], [], []>, transpose_lhs_hint = false} : vector<1000x128xf32>, vector<128x512xf32>, vector<1000x512xf32> -> vector<1000x512xf32>
    %add3A_187 = arith.addf %dot_general3A_184, %dot_general3A_186 : vector<1000x512xf32>
    %add3A_188 = vector.broadcast %get3A_7 : vector<1x512xf32> to vector<1000x512xf32>
    %add3A_189 = arith.addf %add3A_187, %add3A_188 : vector<1000x512xf32>
    %slice3A_190 = vector.extract_strided_slice %add3A_189 {offsets = [0, 0], sizes = [1000, 128], strides = [1, 1]} : vector<1000x512xf32> to vector<1000x128xf32>
    %tanh3A_191 = math.tanh %slice3A_190 : vector<1000x128xf32>
    %mul3A_192 = arith.constant 5.000000e-01 : f32
    %mul3A_193 = vector.broadcast %mul3A_192 : f32 to vector<1000x128xf32>
    %mul3A_194 = arith.mulf %mul3A_193, %tanh3A_191 : vector<1000x128xf32>
    %add3A_195 = arith.constant 5.000000e-01 : f32
    %add3A_196 = vector.broadcast %add3A_195 : f32 to vector<1000x128xf32>
    %add3A_197 = arith.addf %mul3A_194, %add3A_196 : vector<1000x128xf32>
    %slice3A_198 = vector.extract_strided_slice %add3A_189 {offsets = [0, 128], sizes = [1000, 128], strides = [1, 1]} : vector<1000x512xf32> to vector<1000x128xf32>
    %tanh3A_199 = math.tanh %slice3A_198 : vector<1000x128xf32>
    %mul3A_200 = arith.constant 5.000000e-01 : f32
    %mul3A_201 = vector.broadcast %mul3A_200 : f32 to vector<1000x128xf32>
    %mul3A_202 = arith.mulf %mul3A_201, %tanh3A_199 : vector<1000x128xf32>
    %add3A_203 = arith.constant 5.000000e-01 : f32
    %add3A_204 = vector.broadcast %add3A_203 : f32 to vector<1000x128xf32>
    %add3A_205 = arith.addf %mul3A_202, %add3A_204 : vector<1000x128xf32>
    %slice3A_206 = vector.extract_strided_slice %add3A_189 {offsets = [0, 256], sizes = [1000, 128], strides = [1, 1]} : vector<1000x512xf32> to vector<1000x128xf32>
    %tanh3A_207 = math.tanh %slice3A_206 : vector<1000x128xf32>
    %slice3A_208 = vector.extract_strided_slice %add3A_189 {offsets = [0, 384], sizes = [1000, 128], strides = [1, 1]} : vector<1000x512xf32> to vector<1000x128xf32>
    %tanh3A_209 = math.tanh %slice3A_208 : vector<1000x128xf32>
    %mul3A_210 = arith.constant 5.000000e-01 : f32
    %mul3A_211 = vector.broadcast %mul3A_210 : f32 to vector<1000x128xf32>
    %mul3A_212 = arith.mulf %mul3A_211, %tanh3A_209 : vector<1000x128xf32>
    %add3A_213 = arith.constant 5.000000e-01 : f32
    %add3A_214 = vector.broadcast %add3A_213 : f32 to vector<1000x128xf32>
    %add3A_215 = arith.addf %mul3A_212, %add3A_214 : vector<1000x128xf32>
    %mul3A_216 = arith.mulf %add3A_205, %add3A_175 : vector<1000x128xf32>
    %mul3A_217 = arith.mulf %add3A_197, %tanh3A_207 : vector<1000x128xf32>
    %add3A_218 = arith.addf %mul3A_216, %mul3A_217 : vector<1000x128xf32>
    %tanh3A_219 = math.tanh %add3A_218 : vector<1000x128xf32>
    %mul3A_220 = arith.mulf %add3A_215, %tanh3A_219 : vector<1000x128xf32>
    %get3A_221 = arith.constant 5 : index
    %get3A_222 = arith.constant 0 : index
    %get3A_223 = arith.constant 0 : index
    %get3A_224 = vector.load %arg1[%get3A_221, %get3A_222, %get3A_223] : memref<16x1000x128xf32, #tpu.memory_space<vmem>>, vector<1x1000x128xf32>
    %get3A_225 = vector.shape_cast %get3A_224 : vector<1x1000x128xf32> to vector<1000x128xf32>
    %dot_general3A_226 = arith.constant dense<0.000000e+00> : vector<1000x512xf32>
    %dot_general3A_227 = tpu.matmul %get3A_225, %get3A_1, %dot_general3A_226 {dimension_numbers = #tpu.dot_dimension_numbers<[1], [0], [0], [1], [0, 0, 1, 1], [], []>, transpose_lhs_hint = false} : vector<1000x128xf32>, vector<128x512xf32>, vector<1000x512xf32> -> vector<1000x512xf32>
    %dot_general3A_228 = arith.constant dense<0.000000e+00> : vector<1000x512xf32>
    %dot_general3A_229 = tpu.matmul %mul3A_220, %get3A_4, %dot_general3A_228 {dimension_numbers = #tpu.dot_dimension_numbers<[1], [0], [0], [1], [0, 0, 1, 1], [], []>, transpose_lhs_hint = false} : vector<1000x128xf32>, vector<128x512xf32>, vector<1000x512xf32> -> vector<1000x512xf32>
    %add3A_230 = arith.addf %dot_general3A_227, %dot_general3A_229 : vector<1000x512xf32>
    %add3A_231 = vector.broadcast %get3A_7 : vector<1x512xf32> to vector<1000x512xf32>
    %add3A_232 = arith.addf %add3A_230, %add3A_231 : vector<1000x512xf32>
    %slice3A_233 = vector.extract_strided_slice %add3A_232 {offsets = [0, 0], sizes = [1000, 128], strides = [1, 1]} : vector<1000x512xf32> to vector<1000x128xf32>
    %tanh3A_234 = math.tanh %slice3A_233 : vector<1000x128xf32>
    %mul3A_235 = arith.constant 5.000000e-01 : f32
    %mul3A_236 = vector.broadcast %mul3A_235 : f32 to vector<1000x128xf32>
    %mul3A_237 = arith.mulf %mul3A_236, %tanh3A_234 : vector<1000x128xf32>
    %add3A_238 = arith.constant 5.000000e-01 : f32
    %add3A_239 = vector.broadcast %add3A_238 : f32 to vector<1000x128xf32>
    %add3A_240 = arith.addf %mul3A_237, %add3A_239 : vector<1000x128xf32>
    %slice3A_241 = vector.extract_strided_slice %add3A_232 {offsets = [0, 128], sizes = [1000, 128], strides = [1, 1]} : vector<1000x512xf32> to vector<1000x128xf32>
    %tanh3A_242 = math.tanh %slice3A_241 : vector<1000x128xf32>
    %mul3A_243 = arith.constant 5.000000e-01 : f32
    %mul3A_244 = vector.broadcast %mul3A_243 : f32 to vector<1000x128xf32>
    %mul3A_245 = arith.mulf %mul3A_244, %tanh3A_242 : vector<1000x128xf32>
    %add3A_246 = arith.constant 5.000000e-01 : f32
    %add3A_247 = vector.broadcast %add3A_246 : f32 to vector<1000x128xf32>
    %add3A_248 = arith.addf %mul3A_245, %add3A_247 : vector<1000x128xf32>
    %slice3A_249 = vector.extract_strided_slice %add3A_232 {offsets = [0, 256], sizes = [1000, 128], strides = [1, 1]} : vector<1000x512xf32> to vector<1000x128xf32>
    %tanh3A_250 = math.tanh %slice3A_249 : vector<1000x128xf32>
    %slice3A_251 = vector.extract_strided_slice %add3A_232 {offsets = [0, 384], sizes = [1000, 128], strides = [1, 1]} : vector<1000x512xf32> to vector<1000x128xf32>
    %tanh3A_252 = math.tanh %slice3A_251 : vector<1000x128xf32>
    %mul3A_253 = arith.constant 5.000000e-01 : f32
    %mul3A_254 = vector.broadcast %mul3A_253 : f32 to vector<1000x128xf32>
    %mul3A_255 = arith.mulf %mul3A_254, %tanh3A_252 : vector<1000x128xf32>
    %add3A_256 = arith.constant 5.000000e-01 : f32
    %add3A_257 = vector.broadcast %add3A_256 : f32 to vector<1000x128xf32>
    %add3A_258 = arith.addf %mul3A_255, %add3A_257 : vector<1000x128xf32>
    %mul3A_259 = arith.mulf %add3A_248, %add3A_218 : vector<1000x128xf32>
    %mul3A_260 = arith.mulf %add3A_240, %tanh3A_250 : vector<1000x128xf32>
    %add3A_261 = arith.addf %mul3A_259, %mul3A_260 : vector<1000x128xf32>
    %tanh3A_262 = math.tanh %add3A_261 : vector<1000x128xf32>
    %mul3A_263 = arith.mulf %add3A_258, %tanh3A_262 : vector<1000x128xf32>
    %get3A_264 = arith.constant 6 : index
    %get3A_265 = arith.constant 0 : index
    %get3A_266 = arith.constant 0 : index
    %get3A_267 = vector.load %arg1[%get3A_264, %get3A_265, %get3A_266] : memref<16x1000x128xf32, #tpu.memory_space<vmem>>, vector<1x1000x128xf32>
    %get3A_268 = vector.shape_cast %get3A_267 : vector<1x1000x128xf32> to vector<1000x128xf32>
    %dot_general3A_269 = arith.constant dense<0.000000e+00> : vector<1000x512xf32>
    %dot_general3A_270 = tpu.matmul %get3A_268, %get3A_1, %dot_general3A_269 {dimension_numbers = #tpu.dot_dimension_numbers<[1], [0], [0], [1], [0, 0, 1, 1], [], []>, transpose_lhs_hint = false} : vector<1000x128xf32>, vector<128x512xf32>, vector<1000x512xf32> -> vector<1000x512xf32>
    %dot_general3A_271 = arith.constant dense<0.000000e+00> : vector<1000x512xf32>
    %dot_general3A_272 = tpu.matmul %mul3A_263, %get3A_4, %dot_general3A_271 {dimension_numbers = #tpu.dot_dimension_numbers<[1], [0], [0], [1], [0, 0, 1, 1], [], []>, transpose_lhs_hint = false} : vector<1000x128xf32>, vector<128x512xf32>, vector<1000x512xf32> -> vector<1000x512xf32>
    %add3A_273 = arith.addf %dot_general3A_270, %dot_general3A_272 : vector<1000x512xf32>
    %add3A_274 = vector.broadcast %get3A_7 : vector<1x512xf32> to vector<1000x512xf32>
    %add3A_275 = arith.addf %add3A_273, %add3A_274 : vector<1000x512xf32>
    %slice3A_276 = vector.extract_strided_slice %add3A_275 {offsets = [0, 0], sizes = [1000, 128], strides = [1, 1]} : vector<1000x512xf32> to vector<1000x128xf32>
    %tanh3A_277 = math.tanh %slice3A_276 : vector<1000x128xf32>
    %mul3A_278 = arith.constant 5.000000e-01 : f32
    %mul3A_279 = vector.broadcast %mul3A_278 : f32 to vector<1000x128xf32>
    %mul3A_280 = arith.mulf %mul3A_279, %tanh3A_277 : vector<1000x128xf32>
    %add3A_281 = arith.constant 5.000000e-01 : f32
    %add3A_282 = vector.broadcast %add3A_281 : f32 to vector<1000x128xf32>
    %add3A_283 = arith.addf %mul3A_280, %add3A_282 : vector<1000x128xf32>
    %slice3A_284 = vector.extract_strided_slice %add3A_275 {offsets = [0, 128], sizes = [1000, 128], strides = [1, 1]} : vector<1000x512xf32> to vector<1000x128xf32>
    %tanh3A_285 = math.tanh %slice3A_284 : vector<1000x128xf32>
    %mul3A_286 = arith.constant 5.000000e-01 : f32
    %mul3A_287 = vector.broadcast %mul3A_286 : f32 to vector<1000x128xf32>
    %mul3A_288 = arith.mulf %mul3A_287, %tanh3A_285 : vector<1000x128xf32>
    %add3A_289 = arith.constant 5.000000e-01 : f32
    %add3A_290 = vector.broadcast %add3A_289 : f32 to vector<1000x128xf32>
    %add3A_291 = arith.addf %mul3A_288, %add3A_290 : vector<1000x128xf32>
    %slice3A_292 = vector.extract_strided_slice %add3A_275 {offsets = [0, 256], sizes = [1000, 128], strides = [1, 1]} : vector<1000x512xf32> to vector<1000x128xf32>
    %tanh3A_293 = math.tanh %slice3A_292 : vector<1000x128xf32>
    %slice3A_294 = vector.extract_strided_slice %add3A_275 {offsets = [0, 384], sizes = [1000, 128], strides = [1, 1]} : vector<1000x512xf32> to vector<1000x128xf32>
    %tanh3A_295 = math.tanh %slice3A_294 : vector<1000x128xf32>
    %mul3A_296 = arith.constant 5.000000e-01 : f32
    %mul3A_297 = vector.broadcast %mul3A_296 : f32 to vector<1000x128xf32>
    %mul3A_298 = arith.mulf %mul3A_297, %tanh3A_295 : vector<1000x128xf32>
    %add3A_299 = arith.constant 5.000000e-01 : f32
    %add3A_300 = vector.broadcast %add3A_299 : f32 to vector<1000x128xf32>
    %add3A_301 = arith.addf %mul3A_298, %add3A_300 : vector<1000x128xf32>
    %mul3A_302 = arith.mulf %add3A_291, %add3A_261 : vector<1000x128xf32>
    %mul3A_303 = arith.mulf %add3A_283, %tanh3A_293 : vector<1000x128xf32>
    %add3A_304 = arith.addf %mul3A_302, %mul3A_303 : vector<1000x128xf32>
    %tanh3A_305 = math.tanh %add3A_304 : vector<1000x128xf32>
    %mul3A_306 = arith.mulf %add3A_301, %tanh3A_305 : vector<1000x128xf32>
    %get3A_307 = arith.constant 7 : index
    %get3A_308 = arith.constant 0 : index
    %get3A_309 = arith.constant 0 : index
    %get3A_310 = vector.load %arg1[%get3A_307, %get3A_308, %get3A_309] : memref<16x1000x128xf32, #tpu.memory_space<vmem>>, vector<1x1000x128xf32>
    %get3A_311 = vector.shape_cast %get3A_310 : vector<1x1000x128xf32> to vector<1000x128xf32>
    %dot_general3A_312 = arith.constant dense<0.000000e+00> : vector<1000x512xf32>
    %dot_general3A_313 = tpu.matmul %get3A_311, %get3A_1, %dot_general3A_312 {dimension_numbers = #tpu.dot_dimension_numbers<[1], [0], [0], [1], [0, 0, 1, 1], [], []>, transpose_lhs_hint = false} : vector<1000x128xf32>, vector<128x512xf32>, vector<1000x512xf32> -> vector<1000x512xf32>
    %dot_general3A_314 = arith.constant dense<0.000000e+00> : vector<1000x512xf32>
    %dot_general3A_315 = tpu.matmul %mul3A_306, %get3A_4, %dot_general3A_314 {dimension_numbers = #tpu.dot_dimension_numbers<[1], [0], [0], [1], [0, 0, 1, 1], [], []>, transpose_lhs_hint = false} : vector<1000x128xf32>, vector<128x512xf32>, vector<1000x512xf32> -> vector<1000x512xf32>
    %add3A_316 = arith.addf %dot_general3A_313, %dot_general3A_315 : vector<1000x512xf32>
    %add3A_317 = vector.broadcast %get3A_7 : vector<1x512xf32> to vector<1000x512xf32>
    %add3A_318 = arith.addf %add3A_316, %add3A_317 : vector<1000x512xf32>
    %slice3A_319 = vector.extract_strided_slice %add3A_318 {offsets = [0, 0], sizes = [1000, 128], strides = [1, 1]} : vector<1000x512xf32> to vector<1000x128xf32>
    %tanh3A_320 = math.tanh %slice3A_319 : vector<1000x128xf32>
    %mul3A_321 = arith.constant 5.000000e-01 : f32
    %mul3A_322 = vector.broadcast %mul3A_321 : f32 to vector<1000x128xf32>
    %mul3A_323 = arith.mulf %mul3A_322, %tanh3A_320 : vector<1000x128xf32>
    %add3A_324 = arith.constant 5.000000e-01 : f32
    %add3A_325 = vector.broadcast %add3A_324 : f32 to vector<1000x128xf32>
    %add3A_326 = arith.addf %mul3A_323, %add3A_325 : vector<1000x128xf32>
    %slice3A_327 = vector.extract_strided_slice %add3A_318 {offsets = [0, 128], sizes = [1000, 128], strides = [1, 1]} : vector<1000x512xf32> to vector<1000x128xf32>
    %tanh3A_328 = math.tanh %slice3A_327 : vector<1000x128xf32>
    %mul3A_329 = arith.constant 5.000000e-01 : f32
    %mul3A_330 = vector.broadcast %mul3A_329 : f32 to vector<1000x128xf32>
    %mul3A_331 = arith.mulf %mul3A_330, %tanh3A_328 : vector<1000x128xf32>
    %add3A_332 = arith.constant 5.000000e-01 : f32
    %add3A_333 = vector.broadcast %add3A_332 : f32 to vector<1000x128xf32>
    %add3A_334 = arith.addf %mul3A_331, %add3A_333 : vector<1000x128xf32>
    %slice3A_335 = vector.extract_strided_slice %add3A_318 {offsets = [0, 256], sizes = [1000, 128], strides = [1, 1]} : vector<1000x512xf32> to vector<1000x128xf32>
    %tanh3A_336 = math.tanh %slice3A_335 : vector<1000x128xf32>
    %slice3A_337 = vector.extract_strided_slice %add3A_318 {offsets = [0, 384], sizes = [1000, 128], strides = [1, 1]} : vector<1000x512xf32> to vector<1000x128xf32>
    %tanh3A_338 = math.tanh %slice3A_337 : vector<1000x128xf32>
    %mul3A_339 = arith.constant 5.000000e-01 : f32
    %mul3A_340 = vector.broadcast %mul3A_339 : f32 to vector<1000x128xf32>
    %mul3A_341 = arith.mulf %mul3A_340, %tanh3A_338 : vector<1000x128xf32>
    %add3A_342 = arith.constant 5.000000e-01 : f32
    %add3A_343 = vector.broadcast %add3A_342 : f32 to vector<1000x128xf32>
    %add3A_344 = arith.addf %mul3A_341, %add3A_343 : vector<1000x128xf32>
    %mul3A_345 = arith.mulf %add3A_334, %add3A_304 : vector<1000x128xf32>
    %mul3A_346 = arith.mulf %add3A_326, %tanh3A_336 : vector<1000x128xf32>
    %add3A_347 = arith.addf %mul3A_345, %mul3A_346 : vector<1000x128xf32>
    %tanh3A_348 = math.tanh %add3A_347 : vector<1000x128xf32>
    %mul3A_349 = arith.mulf %add3A_344, %tanh3A_348 : vector<1000x128xf32>
    %get3A_350 = arith.constant 8 : index
    %get3A_351 = arith.constant 0 : index
    %get3A_352 = arith.constant 0 : index
    %get3A_353 = vector.load %arg1[%get3A_350, %get3A_351, %get3A_352] : memref<16x1000x128xf32, #tpu.memory_space<vmem>>, vector<1x1000x128xf32>
    %get3A_354 = vector.shape_cast %get3A_353 : vector<1x1000x128xf32> to vector<1000x128xf32>
    %dot_general3A_355 = arith.constant dense<0.000000e+00> : vector<1000x512xf32>
    %dot_general3A_356 = tpu.matmul %get3A_354, %get3A_1, %dot_general3A_355 {dimension_numbers = #tpu.dot_dimension_numbers<[1], [0], [0], [1], [0, 0, 1, 1], [], []>, transpose_lhs_hint = false} : vector<1000x128xf32>, vector<128x512xf32>, vector<1000x512xf32> -> vector<1000x512xf32>
    %dot_general3A_357 = arith.constant dense<0.000000e+00> : vector<1000x512xf32>
    %dot_general3A_358 = tpu.matmul %mul3A_349, %get3A_4, %dot_general3A_357 {dimension_numbers = #tpu.dot_dimension_numbers<[1], [0], [0], [1], [0, 0, 1, 1], [], []>, transpose_lhs_hint = false} : vector<1000x128xf32>, vector<128x512xf32>, vector<1000x512xf32> -> vector<1000x512xf32>
    %add3A_359 = arith.addf %dot_general3A_356, %dot_general3A_358 : vector<1000x512xf32>
    %add3A_360 = vector.broadcast %get3A_7 : vector<1x512xf32> to vector<1000x512xf32>
    %add3A_361 = arith.addf %add3A_359, %add3A_360 : vector<1000x512xf32>
    %slice3A_362 = vector.extract_strided_slice %add3A_361 {offsets = [0, 0], sizes = [1000, 128], strides = [1, 1]} : vector<1000x512xf32> to vector<1000x128xf32>
    %tanh3A_363 = math.tanh %slice3A_362 : vector<1000x128xf32>
    %mul3A_364 = arith.constant 5.000000e-01 : f32
    %mul3A_365 = vector.broadcast %mul3A_364 : f32 to vector<1000x128xf32>
    %mul3A_366 = arith.mulf %mul3A_365, %tanh3A_363 : vector<1000x128xf32>
    %add3A_367 = arith.constant 5.000000e-01 : f32
    %add3A_368 = vector.broadcast %add3A_367 : f32 to vector<1000x128xf32>
    %add3A_369 = arith.addf %mul3A_366, %add3A_368 : vector<1000x128xf32>
    %slice3A_370 = vector.extract_strided_slice %add3A_361 {offsets = [0, 128], sizes = [1000, 128], strides = [1, 1]} : vector<1000x512xf32> to vector<1000x128xf32>
    %tanh3A_371 = math.tanh %slice3A_370 : vector<1000x128xf32>
    %mul3A_372 = arith.constant 5.000000e-01 : f32
    %mul3A_373 = vector.broadcast %mul3A_372 : f32 to vector<1000x128xf32>
    %mul3A_374 = arith.mulf %mul3A_373, %tanh3A_371 : vector<1000x128xf32>
    %add3A_375 = arith.constant 5.000000e-01 : f32
    %add3A_376 = vector.broadcast %add3A_375 : f32 to vector<1000x128xf32>
    %add3A_377 = arith.addf %mul3A_374, %add3A_376 : vector<1000x128xf32>
    %slice3A_378 = vector.extract_strided_slice %add3A_361 {offsets = [0, 256], sizes = [1000, 128], strides = [1, 1]} : vector<1000x512xf32> to vector<1000x128xf32>
    %tanh3A_379 = math.tanh %slice3A_378 : vector<1000x128xf32>
    %slice3A_380 = vector.extract_strided_slice %add3A_361 {offsets = [0, 384], sizes = [1000, 128], strides = [1, 1]} : vector<1000x512xf32> to vector<1000x128xf32>
    %tanh3A_381 = math.tanh %slice3A_380 : vector<1000x128xf32>
    %mul3A_382 = arith.constant 5.000000e-01 : f32
    %mul3A_383 = vector.broadcast %mul3A_382 : f32 to vector<1000x128xf32>
    %mul3A_384 = arith.mulf %mul3A_383, %tanh3A_381 : vector<1000x128xf32>
    %add3A_385 = arith.constant 5.000000e-01 : f32
    %add3A_386 = vector.broadcast %add3A_385 : f32 to vector<1000x128xf32>
    %add3A_387 = arith.addf %mul3A_384, %add3A_386 : vector<1000x128xf32>
    %mul3A_388 = arith.mulf %add3A_377, %add3A_347 : vector<1000x128xf32>
    %mul3A_389 = arith.mulf %add3A_369, %tanh3A_379 : vector<1000x128xf32>
    %add3A_390 = arith.addf %mul3A_388, %mul3A_389 : vector<1000x128xf32>
    %tanh3A_391 = math.tanh %add3A_390 : vector<1000x128xf32>
    %mul3A_392 = arith.mulf %add3A_387, %tanh3A_391 : vector<1000x128xf32>
    %get3A_393 = arith.constant 9 : index
    %get3A_394 = arith.constant 0 : index
    %get3A_395 = arith.constant 0 : index
    %get3A_396 = vector.load %arg1[%get3A_393, %get3A_394, %get3A_395] : memref<16x1000x128xf32, #tpu.memory_space<vmem>>, vector<1x1000x128xf32>
    %get3A_397 = vector.shape_cast %get3A_396 : vector<1x1000x128xf32> to vector<1000x128xf32>
    %dot_general3A_398 = arith.constant dense<0.000000e+00> : vector<1000x512xf32>
    %dot_general3A_399 = tpu.matmul %get3A_397, %get3A_1, %dot_general3A_398 {dimension_numbers = #tpu.dot_dimension_numbers<[1], [0], [0], [1], [0, 0, 1, 1], [], []>, transpose_lhs_hint = false} : vector<1000x128xf32>, vector<128x512xf32>, vector<1000x512xf32> -> vector<1000x512xf32>
    %dot_general3A_400 = arith.constant dense<0.000000e+00> : vector<1000x512xf32>
    %dot_general3A_401 = tpu.matmul %mul3A_392, %get3A_4, %dot_general3A_400 {dimension_numbers = #tpu.dot_dimension_numbers<[1], [0], [0], [1], [0, 0, 1, 1], [], []>, transpose_lhs_hint = false} : vector<1000x128xf32>, vector<128x512xf32>, vector<1000x512xf32> -> vector<1000x512xf32>
    %add3A_402 = arith.addf %dot_general3A_399, %dot_general3A_401 : vector<1000x512xf32>
    %add3A_403 = vector.broadcast %get3A_7 : vector<1x512xf32> to vector<1000x512xf32>
    %add3A_404 = arith.addf %add3A_402, %add3A_403 : vector<1000x512xf32>
    %slice3A_405 = vector.extract_strided_slice %add3A_404 {offsets = [0, 0], sizes = [1000, 128], strides = [1, 1]} : vector<1000x512xf32> to vector<1000x128xf32>
    %tanh3A_406 = math.tanh %slice3A_405 : vector<1000x128xf32>
    %mul3A_407 = arith.constant 5.000000e-01 : f32
    %mul3A_408 = vector.broadcast %mul3A_407 : f32 to vector<1000x128xf32>
    %mul3A_409 = arith.mulf %mul3A_408, %tanh3A_406 : vector<1000x128xf32>
    %add3A_410 = arith.constant 5.000000e-01 : f32
    %add3A_411 = vector.broadcast %add3A_410 : f32 to vector<1000x128xf32>
    %add3A_412 = arith.addf %mul3A_409, %add3A_411 : vector<1000x128xf32>
    %slice3A_413 = vector.extract_strided_slice %add3A_404 {offsets = [0, 128], sizes = [1000, 128], strides = [1, 1]} : vector<1000x512xf32> to vector<1000x128xf32>
    %tanh3A_414 = math.tanh %slice3A_413 : vector<1000x128xf32>
    %mul3A_415 = arith.constant 5.000000e-01 : f32
    %mul3A_416 = vector.broadcast %mul3A_415 : f32 to vector<1000x128xf32>
    %mul3A_417 = arith.mulf %mul3A_416, %tanh3A_414 : vector<1000x128xf32>
    %add3A_418 = arith.constant 5.000000e-01 : f32
    %add3A_419 = vector.broadcast %add3A_418 : f32 to vector<1000x128xf32>
    %add3A_420 = arith.addf %mul3A_417, %add3A_419 : vector<1000x128xf32>
    %slice3A_421 = vector.extract_strided_slice %add3A_404 {offsets = [0, 256], sizes = [1000, 128], strides = [1, 1]} : vector<1000x512xf32> to vector<1000x128xf32>
    %tanh3A_422 = math.tanh %slice3A_421 : vector<1000x128xf32>
    %slice3A_423 = vector.extract_strided_slice %add3A_404 {offsets = [0, 384], sizes = [1000, 128], strides = [1, 1]} : vector<1000x512xf32> to vector<1000x128xf32>
    %tanh3A_424 = math.tanh %slice3A_423 : vector<1000x128xf32>
    %mul3A_425 = arith.constant 5.000000e-01 : f32
    %mul3A_426 = vector.broadcast %mul3A_425 : f32 to vector<1000x128xf32>
    %mul3A_427 = arith.mulf %mul3A_426, %tanh3A_424 : vector<1000x128xf32>
    %add3A_428 = arith.constant 5.000000e-01 : f32
    %add3A_429 = vector.broadcast %add3A_428 : f32 to vector<1000x128xf32>
    %add3A_430 = arith.addf %mul3A_427, %add3A_429 : vector<1000x128xf32>
    %mul3A_431 = arith.mulf %add3A_420, %add3A_390 : vector<1000x128xf32>
    %mul3A_432 = arith.mulf %add3A_412, %tanh3A_422 : vector<1000x128xf32>
    %add3A_433 = arith.addf %mul3A_431, %mul3A_432 : vector<1000x128xf32>
    %tanh3A_434 = math.tanh %add3A_433 : vector<1000x128xf32>
    %mul3A_435 = arith.mulf %add3A_430, %tanh3A_434 : vector<1000x128xf32>
    %get3A_436 = arith.constant 10 : index
    %get3A_437 = arith.constant 0 : index
    %get3A_438 = arith.constant 0 : index
    %get3A_439 = vector.load %arg1[%get3A_436, %get3A_437, %get3A_438] : memref<16x1000x128xf32, #tpu.memory_space<vmem>>, vector<1x1000x128xf32>
    %get3A_440 = vector.shape_cast %get3A_439 : vector<1x1000x128xf32> to vector<1000x128xf32>
    %dot_general3A_441 = arith.constant dense<0.000000e+00> : vector<1000x512xf32>
    %dot_general3A_442 = tpu.matmul %get3A_440, %get3A_1, %dot_general3A_441 {dimension_numbers = #tpu.dot_dimension_numbers<[1], [0], [0], [1], [0, 0, 1, 1], [], []>, transpose_lhs_hint = false} : vector<1000x128xf32>, vector<128x512xf32>, vector<1000x512xf32> -> vector<1000x512xf32>
    %dot_general3A_443 = arith.constant dense<0.000000e+00> : vector<1000x512xf32>
    %dot_general3A_444 = tpu.matmul %mul3A_435, %get3A_4, %dot_general3A_443 {dimension_numbers = #tpu.dot_dimension_numbers<[1], [0], [0], [1], [0, 0, 1, 1], [], []>, transpose_lhs_hint = false} : vector<1000x128xf32>, vector<128x512xf32>, vector<1000x512xf32> -> vector<1000x512xf32>
    %add3A_445 = arith.addf %dot_general3A_442, %dot_general3A_444 : vector<1000x512xf32>
    %add3A_446 = vector.broadcast %get3A_7 : vector<1x512xf32> to vector<1000x512xf32>
    %add3A_447 = arith.addf %add3A_445, %add3A_446 : vector<1000x512xf32>
    %slice3A_448 = vector.extract_strided_slice %add3A_447 {offsets = [0, 0], sizes = [1000, 128], strides = [1, 1]} : vector<1000x512xf32> to vector<1000x128xf32>
    %tanh3A_449 = math.tanh %slice3A_448 : vector<1000x128xf32>
    %mul3A_450 = arith.constant 5.000000e-01 : f32
    %mul3A_451 = vector.broadcast %mul3A_450 : f32 to vector<1000x128xf32>
    %mul3A_452 = arith.mulf %mul3A_451, %tanh3A_449 : vector<1000x128xf32>
    %add3A_453 = arith.constant 5.000000e-01 : f32
    %add3A_454 = vector.broadcast %add3A_453 : f32 to vector<1000x128xf32>
    %add3A_455 = arith.addf %mul3A_452, %add3A_454 : vector<1000x128xf32>
    %slice3A_456 = vector.extract_strided_slice %add3A_447 {offsets = [0, 128], sizes = [1000, 128], strides = [1, 1]} : vector<1000x512xf32> to vector<1000x128xf32>
    %tanh3A_457 = math.tanh %slice3A_456 : vector<1000x128xf32>
    %mul3A_458 = arith.constant 5.000000e-01 : f32
    %mul3A_459 = vector.broadcast %mul3A_458 : f32 to vector<1000x128xf32>
    %mul3A_460 = arith.mulf %mul3A_459, %tanh3A_457 : vector<1000x128xf32>
    %add3A_461 = arith.constant 5.000000e-01 : f32
    %add3A_462 = vector.broadcast %add3A_461 : f32 to vector<1000x128xf32>
    %add3A_463 = arith.addf %mul3A_460, %add3A_462 : vector<1000x128xf32>
    %slice3A_464 = vector.extract_strided_slice %add3A_447 {offsets = [0, 256], sizes = [1000, 128], strides = [1, 1]} : vector<1000x512xf32> to vector<1000x128xf32>
    %tanh3A_465 = math.tanh %slice3A_464 : vector<1000x128xf32>
    %slice3A_466 = vector.extract_strided_slice %add3A_447 {offsets = [0, 384], sizes = [1000, 128], strides = [1, 1]} : vector<1000x512xf32> to vector<1000x128xf32>
    %tanh3A_467 = math.tanh %slice3A_466 : vector<1000x128xf32>
    %mul3A_468 = arith.constant 5.000000e-01 : f32
    %mul3A_469 = vector.broadcast %mul3A_468 : f32 to vector<1000x128xf32>
    %mul3A_470 = arith.mulf %mul3A_469, %tanh3A_467 : vector<1000x128xf32>
    %add3A_471 = arith.constant 5.000000e-01 : f32
    %add3A_472 = vector.broadcast %add3A_471 : f32 to vector<1000x128xf32>
    %add3A_473 = arith.addf %mul3A_470, %add3A_472 : vector<1000x128xf32>
    %mul3A_474 = arith.mulf %add3A_463, %add3A_433 : vector<1000x128xf32>
    %mul3A_475 = arith.mulf %add3A_455, %tanh3A_465 : vector<1000x128xf32>
    %add3A_476 = arith.addf %mul3A_474, %mul3A_475 : vector<1000x128xf32>
    %tanh3A_477 = math.tanh %add3A_476 : vector<1000x128xf32>
    %mul3A_478 = arith.mulf %add3A_473, %tanh3A_477 : vector<1000x128xf32>
    %get3A_479 = arith.constant 11 : index
    %get3A_480 = arith.constant 0 : index
    %get3A_481 = arith.constant 0 : index
    %get3A_482 = vector.load %arg1[%get3A_479, %get3A_480, %get3A_481] : memref<16x1000x128xf32, #tpu.memory_space<vmem>>, vector<1x1000x128xf32>
    %get3A_483 = vector.shape_cast %get3A_482 : vector<1x1000x128xf32> to vector<1000x128xf32>
    %dot_general3A_484 = arith.constant dense<0.000000e+00> : vector<1000x512xf32>
    %dot_general3A_485 = tpu.matmul %get3A_483, %get3A_1, %dot_general3A_484 {dimension_numbers = #tpu.dot_dimension_numbers<[1], [0], [0], [1], [0, 0, 1, 1], [], []>, transpose_lhs_hint = false} : vector<1000x128xf32>, vector<128x512xf32>, vector<1000x512xf32> -> vector<1000x512xf32>
    %dot_general3A_486 = arith.constant dense<0.000000e+00> : vector<1000x512xf32>
    %dot_general3A_487 = tpu.matmul %mul3A_478, %get3A_4, %dot_general3A_486 {dimension_numbers = #tpu.dot_dimension_numbers<[1], [0], [0], [1], [0, 0, 1, 1], [], []>, transpose_lhs_hint = false} : vector<1000x128xf32>, vector<128x512xf32>, vector<1000x512xf32> -> vector<1000x512xf32>
    %add3A_488 = arith.addf %dot_general3A_485, %dot_general3A_487 : vector<1000x512xf32>
    %add3A_489 = vector.broadcast %get3A_7 : vector<1x512xf32> to vector<1000x512xf32>
    %add3A_490 = arith.addf %add3A_488, %add3A_489 : vector<1000x512xf32>
    %slice3A_491 = vector.extract_strided_slice %add3A_490 {offsets = [0, 0], sizes = [1000, 128], strides = [1, 1]} : vector<1000x512xf32> to vector<1000x128xf32>
    %tanh3A_492 = math.tanh %slice3A_491 : vector<1000x128xf32>
    %mul3A_493 = arith.constant 5.000000e-01 : f32
    %mul3A_494 = vector.broadcast %mul3A_493 : f32 to vector<1000x128xf32>
    %mul3A_495 = arith.mulf %mul3A_494, %tanh3A_492 : vector<1000x128xf32>
    %add3A_496 = arith.constant 5.000000e-01 : f32
    %add3A_497 = vector.broadcast %add3A_496 : f32 to vector<1000x128xf32>
    %add3A_498 = arith.addf %mul3A_495, %add3A_497 : vector<1000x128xf32>
    %slice3A_499 = vector.extract_strided_slice %add3A_490 {offsets = [0, 128], sizes = [1000, 128], strides = [1, 1]} : vector<1000x512xf32> to vector<1000x128xf32>
    %tanh3A_500 = math.tanh %slice3A_499 : vector<1000x128xf32>
    %mul3A_501 = arith.constant 5.000000e-01 : f32
    %mul3A_502 = vector.broadcast %mul3A_501 : f32 to vector<1000x128xf32>
    %mul3A_503 = arith.mulf %mul3A_502, %tanh3A_500 : vector<1000x128xf32>
    %add3A_504 = arith.constant 5.000000e-01 : f32
    %add3A_505 = vector.broadcast %add3A_504 : f32 to vector<1000x128xf32>
    %add3A_506 = arith.addf %mul3A_503, %add3A_505 : vector<1000x128xf32>
    %slice3A_507 = vector.extract_strided_slice %add3A_490 {offsets = [0, 256], sizes = [1000, 128], strides = [1, 1]} : vector<1000x512xf32> to vector<1000x128xf32>
    %tanh3A_508 = math.tanh %slice3A_507 : vector<1000x128xf32>
    %slice3A_509 = vector.extract_strided_slice %add3A_490 {offsets = [0, 384], sizes = [1000, 128], strides = [1, 1]} : vector<1000x512xf32> to vector<1000x128xf32>
    %tanh3A_510 = math.tanh %slice3A_509 : vector<1000x128xf32>
    %mul3A_511 = arith.constant 5.000000e-01 : f32
    %mul3A_512 = vector.broadcast %mul3A_511 : f32 to vector<1000x128xf32>
    %mul3A_513 = arith.mulf %mul3A_512, %tanh3A_510 : vector<1000x128xf32>
    %add3A_514 = arith.constant 5.000000e-01 : f32
    %add3A_515 = vector.broadcast %add3A_514 : f32 to vector<1000x128xf32>
    %add3A_516 = arith.addf %mul3A_513, %add3A_515 : vector<1000x128xf32>
    %mul3A_517 = arith.mulf %add3A_506, %add3A_476 : vector<1000x128xf32>
    %mul3A_518 = arith.mulf %add3A_498, %tanh3A_508 : vector<1000x128xf32>
    %add3A_519 = arith.addf %mul3A_517, %mul3A_518 : vector<1000x128xf32>
    %tanh3A_520 = math.tanh %add3A_519 : vector<1000x128xf32>
    %mul3A_521 = arith.mulf %add3A_516, %tanh3A_520 : vector<1000x128xf32>
    %get3A_522 = arith.constant 12 : index
    %get3A_523 = arith.constant 0 : index
    %get3A_524 = arith.constant 0 : index
    %get3A_525 = vector.load %arg1[%get3A_522, %get3A_523, %get3A_524] : memref<16x1000x128xf32, #tpu.memory_space<vmem>>, vector<1x1000x128xf32>
    %get3A_526 = vector.shape_cast %get3A_525 : vector<1x1000x128xf32> to vector<1000x128xf32>
    %dot_general3A_527 = arith.constant dense<0.000000e+00> : vector<1000x512xf32>
    %dot_general3A_528 = tpu.matmul %get3A_526, %get3A_1, %dot_general3A_527 {dimension_numbers = #tpu.dot_dimension_numbers<[1], [0], [0], [1], [0, 0, 1, 1], [], []>, transpose_lhs_hint = false} : vector<1000x128xf32>, vector<128x512xf32>, vector<1000x512xf32> -> vector<1000x512xf32>
    %dot_general3A_529 = arith.constant dense<0.000000e+00> : vector<1000x512xf32>
    %dot_general3A_530 = tpu.matmul %mul3A_521, %get3A_4, %dot_general3A_529 {dimension_numbers = #tpu.dot_dimension_numbers<[1], [0], [0], [1], [0, 0, 1, 1], [], []>, transpose_lhs_hint = false} : vector<1000x128xf32>, vector<128x512xf32>, vector<1000x512xf32> -> vector<1000x512xf32>
    %add3A_531 = arith.addf %dot_general3A_528, %dot_general3A_530 : vector<1000x512xf32>
    %add3A_532 = vector.broadcast %get3A_7 : vector<1x512xf32> to vector<1000x512xf32>
    %add3A_533 = arith.addf %add3A_531, %add3A_532 : vector<1000x512xf32>
    %slice3A_534 = vector.extract_strided_slice %add3A_533 {offsets = [0, 0], sizes = [1000, 128], strides = [1, 1]} : vector<1000x512xf32> to vector<1000x128xf32>
    %tanh3A_535 = math.tanh %slice3A_534 : vector<1000x128xf32>
    %mul3A_536 = arith.constant 5.000000e-01 : f32
    %mul3A_537 = vector.broadcast %mul3A_536 : f32 to vector<1000x128xf32>
    %mul3A_538 = arith.mulf %mul3A_537, %tanh3A_535 : vector<1000x128xf32>
    %add3A_539 = arith.constant 5.000000e-01 : f32
    %add3A_540 = vector.broadcast %add3A_539 : f32 to vector<1000x128xf32>
    %add3A_541 = arith.addf %mul3A_538, %add3A_540 : vector<1000x128xf32>
    %slice3A_542 = vector.extract_strided_slice %add3A_533 {offsets = [0, 128], sizes = [1000, 128], strides = [1, 1]} : vector<1000x512xf32> to vector<1000x128xf32>
    %tanh3A_543 = math.tanh %slice3A_542 : vector<1000x128xf32>
    %mul3A_544 = arith.constant 5.000000e-01 : f32
    %mul3A_545 = vector.broadcast %mul3A_544 : f32 to vector<1000x128xf32>
    %mul3A_546 = arith.mulf %mul3A_545, %tanh3A_543 : vector<1000x128xf32>
    %add3A_547 = arith.constant 5.000000e-01 : f32
    %add3A_548 = vector.broadcast %add3A_547 : f32 to vector<1000x128xf32>
    %add3A_549 = arith.addf %mul3A_546, %add3A_548 : vector<1000x128xf32>
    %slice3A_550 = vector.extract_strided_slice %add3A_533 {offsets = [0, 256], sizes = [1000, 128], strides = [1, 1]} : vector<1000x512xf32> to vector<1000x128xf32>
    %tanh3A_551 = math.tanh %slice3A_550 : vector<1000x128xf32>
    %slice3A_552 = vector.extract_strided_slice %add3A_533 {offsets = [0, 384], sizes = [1000, 128], strides = [1, 1]} : vector<1000x512xf32> to vector<1000x128xf32>
    %tanh3A_553 = math.tanh %slice3A_552 : vector<1000x128xf32>
    %mul3A_554 = arith.constant 5.000000e-01 : f32
    %mul3A_555 = vector.broadcast %mul3A_554 : f32 to vector<1000x128xf32>
    %mul3A_556 = arith.mulf %mul3A_555, %tanh3A_553 : vector<1000x128xf32>
    %add3A_557 = arith.constant 5.000000e-01 : f32
    %add3A_558 = vector.broadcast %add3A_557 : f32 to vector<1000x128xf32>
    %add3A_559 = arith.addf %mul3A_556, %add3A_558 : vector<1000x128xf32>
    %mul3A_560 = arith.mulf %add3A_549, %add3A_519 : vector<1000x128xf32>
    %mul3A_561 = arith.mulf %add3A_541, %tanh3A_551 : vector<1000x128xf32>
    %add3A_562 = arith.addf %mul3A_560, %mul3A_561 : vector<1000x128xf32>
    %tanh3A_563 = math.tanh %add3A_562 : vector<1000x128xf32>
    %mul3A_564 = arith.mulf %add3A_559, %tanh3A_563 : vector<1000x128xf32>
    %get3A_565 = arith.constant 13 : index
    %get3A_566 = arith.constant 0 : index
    %get3A_567 = arith.constant 0 : index
    %get3A_568 = vector.load %arg1[%get3A_565, %get3A_566, %get3A_567] : memref<16x1000x128xf32, #tpu.memory_space<vmem>>, vector<1x1000x128xf32>
    %get3A_569 = vector.shape_cast %get3A_568 : vector<1x1000x128xf32> to vector<1000x128xf32>
    %dot_general3A_570 = arith.constant dense<0.000000e+00> : vector<1000x512xf32>
    %dot_general3A_571 = tpu.matmul %get3A_569, %get3A_1, %dot_general3A_570 {dimension_numbers = #tpu.dot_dimension_numbers<[1], [0], [0], [1], [0, 0, 1, 1], [], []>, transpose_lhs_hint = false} : vector<1000x128xf32>, vector<128x512xf32>, vector<1000x512xf32> -> vector<1000x512xf32>
    %dot_general3A_572 = arith.constant dense<0.000000e+00> : vector<1000x512xf32>
    %dot_general3A_573 = tpu.matmul %mul3A_564, %get3A_4, %dot_general3A_572 {dimension_numbers = #tpu.dot_dimension_numbers<[1], [0], [0], [1], [0, 0, 1, 1], [], []>, transpose_lhs_hint = false} : vector<1000x128xf32>, vector<128x512xf32>, vector<1000x512xf32> -> vector<1000x512xf32>
    %add3A_574 = arith.addf %dot_general3A_571, %dot_general3A_573 : vector<1000x512xf32>
    %add3A_575 = vector.broadcast %get3A_7 : vector<1x512xf32> to vector<1000x512xf32>
    %add3A_576 = arith.addf %add3A_574, %add3A_575 : vector<1000x512xf32>
    %slice3A_577 = vector.extract_strided_slice %add3A_576 {offsets = [0, 0], sizes = [1000, 128], strides = [1, 1]} : vector<1000x512xf32> to vector<1000x128xf32>
    %tanh3A_578 = math.tanh %slice3A_577 : vector<1000x128xf32>
    %mul3A_579 = arith.constant 5.000000e-01 : f32
    %mul3A_580 = vector.broadcast %mul3A_579 : f32 to vector<1000x128xf32>
    %mul3A_581 = arith.mulf %mul3A_580, %tanh3A_578 : vector<1000x128xf32>
    %add3A_582 = arith.constant 5.000000e-01 : f32
    %add3A_583 = vector.broadcast %add3A_582 : f32 to vector<1000x128xf32>
    %add3A_584 = arith.addf %mul3A_581, %add3A_583 : vector<1000x128xf32>
    %slice3A_585 = vector.extract_strided_slice %add3A_576 {offsets = [0, 128], sizes = [1000, 128], strides = [1, 1]} : vector<1000x512xf32> to vector<1000x128xf32>
    %tanh3A_586 = math.tanh %slice3A_585 : vector<1000x128xf32>
    %mul3A_587 = arith.constant 5.000000e-01 : f32
    %mul3A_588 = vector.broadcast %mul3A_587 : f32 to vector<1000x128xf32>
    %mul3A_589 = arith.mulf %mul3A_588, %tanh3A_586 : vector<1000x128xf32>
    %add3A_590 = arith.constant 5.000000e-01 : f32
    %add3A_591 = vector.broadcast %add3A_590 : f32 to vector<1000x128xf32>
    %add3A_592 = arith.addf %mul3A_589, %add3A_591 : vector<1000x128xf32>
    %slice3A_593 = vector.extract_strided_slice %add3A_576 {offsets = [0, 256], sizes = [1000, 128], strides = [1, 1]} : vector<1000x512xf32> to vector<1000x128xf32>
    %tanh3A_594 = math.tanh %slice3A_593 : vector<1000x128xf32>
    %slice3A_595 = vector.extract_strided_slice %add3A_576 {offsets = [0, 384], sizes = [1000, 128], strides = [1, 1]} : vector<1000x512xf32> to vector<1000x128xf32>
    %tanh3A_596 = math.tanh %slice3A_595 : vector<1000x128xf32>
    %mul3A_597 = arith.constant 5.000000e-01 : f32
    %mul3A_598 = vector.broadcast %mul3A_597 : f32 to vector<1000x128xf32>
    %mul3A_599 = arith.mulf %mul3A_598, %tanh3A_596 : vector<1000x128xf32>
    %add3A_600 = arith.constant 5.000000e-01 : f32
    %add3A_601 = vector.broadcast %add3A_600 : f32 to vector<1000x128xf32>
    %add3A_602 = arith.addf %mul3A_599, %add3A_601 : vector<1000x128xf32>
    %mul3A_603 = arith.mulf %add3A_592, %add3A_562 : vector<1000x128xf32>
    %mul3A_604 = arith.mulf %add3A_584, %tanh3A_594 : vector<1000x128xf32>
    %add3A_605 = arith.addf %mul3A_603, %mul3A_604 : vector<1000x128xf32>
    %tanh3A_606 = math.tanh %add3A_605 : vector<1000x128xf32>
    %mul3A_607 = arith.mulf %add3A_602, %tanh3A_606 : vector<1000x128xf32>
    %get3A_608 = arith.constant 14 : index
    %get3A_609 = arith.constant 0 : index
    %get3A_610 = arith.constant 0 : index
    %get3A_611 = vector.load %arg1[%get3A_608, %get3A_609, %get3A_610] : memref<16x1000x128xf32, #tpu.memory_space<vmem>>, vector<1x1000x128xf32>
    %get3A_612 = vector.shape_cast %get3A_611 : vector<1x1000x128xf32> to vector<1000x128xf32>
    %dot_general3A_613 = arith.constant dense<0.000000e+00> : vector<1000x512xf32>
    %dot_general3A_614 = tpu.matmul %get3A_612, %get3A_1, %dot_general3A_613 {dimension_numbers = #tpu.dot_dimension_numbers<[1], [0], [0], [1], [0, 0, 1, 1], [], []>, transpose_lhs_hint = false} : vector<1000x128xf32>, vector<128x512xf32>, vector<1000x512xf32> -> vector<1000x512xf32>
    %dot_general3A_615 = arith.constant dense<0.000000e+00> : vector<1000x512xf32>
    %dot_general3A_616 = tpu.matmul %mul3A_607, %get3A_4, %dot_general3A_615 {dimension_numbers = #tpu.dot_dimension_numbers<[1], [0], [0], [1], [0, 0, 1, 1], [], []>, transpose_lhs_hint = false} : vector<1000x128xf32>, vector<128x512xf32>, vector<1000x512xf32> -> vector<1000x512xf32>
    %add3A_617 = arith.addf %dot_general3A_614, %dot_general3A_616 : vector<1000x512xf32>
    %add3A_618 = vector.broadcast %get3A_7 : vector<1x512xf32> to vector<1000x512xf32>
    %add3A_619 = arith.addf %add3A_617, %add3A_618 : vector<1000x512xf32>
    %slice3A_620 = vector.extract_strided_slice %add3A_619 {offsets = [0, 0], sizes = [1000, 128], strides = [1, 1]} : vector<1000x512xf32> to vector<1000x128xf32>
    %tanh3A_621 = math.tanh %slice3A_620 : vector<1000x128xf32>
    %mul3A_622 = arith.constant 5.000000e-01 : f32
    %mul3A_623 = vector.broadcast %mul3A_622 : f32 to vector<1000x128xf32>
    %mul3A_624 = arith.mulf %mul3A_623, %tanh3A_621 : vector<1000x128xf32>
    %add3A_625 = arith.constant 5.000000e-01 : f32
    %add3A_626 = vector.broadcast %add3A_625 : f32 to vector<1000x128xf32>
    %add3A_627 = arith.addf %mul3A_624, %add3A_626 : vector<1000x128xf32>
    %slice3A_628 = vector.extract_strided_slice %add3A_619 {offsets = [0, 128], sizes = [1000, 128], strides = [1, 1]} : vector<1000x512xf32> to vector<1000x128xf32>
    %tanh3A_629 = math.tanh %slice3A_628 : vector<1000x128xf32>
    %mul3A_630 = arith.constant 5.000000e-01 : f32
    %mul3A_631 = vector.broadcast %mul3A_630 : f32 to vector<1000x128xf32>
    %mul3A_632 = arith.mulf %mul3A_631, %tanh3A_629 : vector<1000x128xf32>
    %add3A_633 = arith.constant 5.000000e-01 : f32
    %add3A_634 = vector.broadcast %add3A_633 : f32 to vector<1000x128xf32>
    %add3A_635 = arith.addf %mul3A_632, %add3A_634 : vector<1000x128xf32>
    %slice3A_636 = vector.extract_strided_slice %add3A_619 {offsets = [0, 256], sizes = [1000, 128], strides = [1, 1]} : vector<1000x512xf32> to vector<1000x128xf32>
    %tanh3A_637 = math.tanh %slice3A_636 : vector<1000x128xf32>
    %slice3A_638 = vector.extract_strided_slice %add3A_619 {offsets = [0, 384], sizes = [1000, 128], strides = [1, 1]} : vector<1000x512xf32> to vector<1000x128xf32>
    %tanh3A_639 = math.tanh %slice3A_638 : vector<1000x128xf32>
    %mul3A_640 = arith.constant 5.000000e-01 : f32
    %mul3A_641 = vector.broadcast %mul3A_640 : f32 to vector<1000x128xf32>
    %mul3A_642 = arith.mulf %mul3A_641, %tanh3A_639 : vector<1000x128xf32>
    %add3A_643 = arith.constant 5.000000e-01 : f32
    %add3A_644 = vector.broadcast %add3A_643 : f32 to vector<1000x128xf32>
    %add3A_645 = arith.addf %mul3A_642, %add3A_644 : vector<1000x128xf32>
    %mul3A_646 = arith.mulf %add3A_635, %add3A_605 : vector<1000x128xf32>
    %mul3A_647 = arith.mulf %add3A_627, %tanh3A_637 : vector<1000x128xf32>
    %add3A_648 = arith.addf %mul3A_646, %mul3A_647 : vector<1000x128xf32>
    %tanh3A_649 = math.tanh %add3A_648 : vector<1000x128xf32>
    %mul3A_650 = arith.mulf %add3A_645, %tanh3A_649 : vector<1000x128xf32>
    %get3A_651 = arith.constant 15 : index
    %get3A_652 = arith.constant 0 : index
    %get3A_653 = arith.constant 0 : index
    %get3A_654 = vector.load %arg1[%get3A_651, %get3A_652, %get3A_653] : memref<16x1000x128xf32, #tpu.memory_space<vmem>>, vector<1x1000x128xf32>
    %get3A_655 = vector.shape_cast %get3A_654 : vector<1x1000x128xf32> to vector<1000x128xf32>
    %dot_general3A_656 = arith.constant dense<0.000000e+00> : vector<1000x512xf32>
    %dot_general3A_657 = tpu.matmul %get3A_655, %get3A_1, %dot_general3A_656 {dimension_numbers = #tpu.dot_dimension_numbers<[1], [0], [0], [1], [0, 0, 1, 1], [], []>, transpose_lhs_hint = false} : vector<1000x128xf32>, vector<128x512xf32>, vector<1000x512xf32> -> vector<1000x512xf32>
    %dot_general3A_658 = arith.constant dense<0.000000e+00> : vector<1000x512xf32>
    %dot_general3A_659 = tpu.matmul %mul3A_650, %get3A_4, %dot_general3A_658 {dimension_numbers = #tpu.dot_dimension_numbers<[1], [0], [0], [1], [0, 0, 1, 1], [], []>, transpose_lhs_hint = false} : vector<1000x128xf32>, vector<128x512xf32>, vector<1000x512xf32> -> vector<1000x512xf32>
    %add3A_660 = arith.addf %dot_general3A_657, %dot_general3A_659 : vector<1000x512xf32>
    %add3A_661 = vector.broadcast %get3A_7 : vector<1x512xf32> to vector<1000x512xf32>
    %add3A_662 = arith.addf %add3A_660, %add3A_661 : vector<1000x512xf32>
    %slice3A_663 = vector.extract_strided_slice %add3A_662 {offsets = [0, 0], sizes = [1000, 128], strides = [1, 1]} : vector<1000x512xf32> to vector<1000x128xf32>
    %tanh3A_664 = math.tanh %slice3A_663 : vector<1000x128xf32>
    %mul3A_665 = arith.constant 5.000000e-01 : f32
    %mul3A_666 = vector.broadcast %mul3A_665 : f32 to vector<1000x128xf32>
    %mul3A_667 = arith.mulf %mul3A_666, %tanh3A_664 : vector<1000x128xf32>
    %add3A_668 = arith.constant 5.000000e-01 : f32
    %add3A_669 = vector.broadcast %add3A_668 : f32 to vector<1000x128xf32>
    %add3A_670 = arith.addf %mul3A_667, %add3A_669 : vector<1000x128xf32>
    %slice3A_671 = vector.extract_strided_slice %add3A_662 {offsets = [0, 128], sizes = [1000, 128], strides = [1, 1]} : vector<1000x512xf32> to vector<1000x128xf32>
    %tanh3A_672 = math.tanh %slice3A_671 : vector<1000x128xf32>
    %mul3A_673 = arith.constant 5.000000e-01 : f32
    %mul3A_674 = vector.broadcast %mul3A_673 : f32 to vector<1000x128xf32>
    %mul3A_675 = arith.mulf %mul3A_674, %tanh3A_672 : vector<1000x128xf32>
    %add3A_676 = arith.constant 5.000000e-01 : f32
    %add3A_677 = vector.broadcast %add3A_676 : f32 to vector<1000x128xf32>
    %add3A_678 = arith.addf %mul3A_675, %add3A_677 : vector<1000x128xf32>
    %slice3A_679 = vector.extract_strided_slice %add3A_662 {offsets = [0, 256], sizes = [1000, 128], strides = [1, 1]} : vector<1000x512xf32> to vector<1000x128xf32>
    %tanh3A_680 = math.tanh %slice3A_679 : vector<1000x128xf32>
    %slice3A_681 = vector.extract_strided_slice %add3A_662 {offsets = [0, 384], sizes = [1000, 128], strides = [1, 1]} : vector<1000x512xf32> to vector<1000x128xf32>
    %tanh3A_682 = math.tanh %slice3A_681 : vector<1000x128xf32>
    %mul3A_683 = arith.constant 5.000000e-01 : f32
    %mul3A_684 = vector.broadcast %mul3A_683 : f32 to vector<1000x128xf32>
    %mul3A_685 = arith.mulf %mul3A_684, %tanh3A_682 : vector<1000x128xf32>
    %add3A_686 = arith.constant 5.000000e-01 : f32
    %add3A_687 = vector.broadcast %add3A_686 : f32 to vector<1000x128xf32>
    %add3A_688 = arith.addf %mul3A_685, %add3A_687 : vector<1000x128xf32>
    %mul3A_689 = arith.mulf %add3A_678, %add3A_648 : vector<1000x128xf32>
    %mul3A_690 = arith.mulf %add3A_670, %tanh3A_680 : vector<1000x128xf32>
    %add3A_691 = arith.addf %mul3A_689, %mul3A_690 : vector<1000x128xf32>
    %tanh3A_692 = math.tanh %add3A_691 : vector<1000x128xf32>
    %mul3A_693 = arith.mulf %add3A_688, %tanh3A_692 : vector<1000x128xf32>
    %get3A_694 = arith.constant 0 : index
    %get3A_695 = arith.constant 0 : index
    %get3A_696 = vector.load %arg2[%get3A_694, %get3A_695] : memref<1000x128xf32, #tpu.memory_space<vmem>>, vector<1000x128xf32>
    %get3A_697 = arith.constant 0 : index
    %get3A_698 = arith.constant 0 : index
    %get3A_699 = vector.load %arg6[%get3A_697, %get3A_698] : memref<128x128xf32, #tpu.memory_space<vmem>>, vector<128x128xf32>
    %dot_general3A_700 = arith.constant dense<0.000000e+00> : vector<1000x128xf32>
    %dot_general3A_701 = tpu.matmul %get3A_696, %get3A_699, %dot_general3A_700 {dimension_numbers = #tpu.dot_dimension_numbers<[1], [0], [0], [1], [0, 0, 1, 1], [], []>, transpose_lhs_hint = false} : vector<1000x128xf32>, vector<128x128xf32>, vector<1000x128xf32> -> vector<1000x128xf32>
    %get3A_702 = arith.constant 0 : index
    %get3A_703 = arith.constant 0 : index
    %get3A_704 = vector.load %arg7[%get3A_702, %get3A_703] : memref<128x128xf32, #tpu.memory_space<vmem>>, vector<128x128xf32>
    %dot_general3A_705 = arith.constant dense<0.000000e+00> : vector<1000x128xf32>
    %dot_general3A_706 = tpu.matmul %mul3A_693, %get3A_704, %dot_general3A_705 {dimension_numbers = #tpu.dot_dimension_numbers<[1], [0], [0], [1], [0, 0, 1, 1], [], []>, transpose_lhs_hint = false} : vector<1000x128xf32>, vector<128x128xf32>, vector<1000x128xf32> -> vector<1000x128xf32>
    %add3A_707 = arith.addf %dot_general3A_701, %dot_general3A_706 : vector<1000x128xf32>
    %get3A_708 = arith.constant 0 : index
    %get3A_709 = arith.constant 0 : index
    %get3A_710 = vector.load %arg8[%get3A_708, %get3A_709] : memref<1x128xf32, #tpu.memory_space<vmem>>, vector<1x128xf32>
    %add3A_711 = vector.broadcast %get3A_710 : vector<1x128xf32> to vector<1000x128xf32>
    %add3A_712 = arith.addf %add3A_707, %add3A_711 : vector<1000x128xf32>
    %logistic3A = arith.negf %add3A_712 : vector<1000x128xf32>
    %logistic3A_713 = math.exp %logistic3A : vector<1000x128xf32>
    %logistic3A_714 = arith.constant 1.000000e+00 : f32
    %logistic3A_715 = vector.broadcast %logistic3A_714 : f32 to vector<1000x128xf32>
    %logistic3A_716 = arith.addf %logistic3A_715, %logistic3A_713 : vector<1000x128xf32>
    %logistic3A_717 = arith.divf %logistic3A_715, %logistic3A_716 : vector<1000x128xf32>
    %swap3A = arith.constant 0 : index
    %swap3A_718 = arith.constant 0 : index
    %swap3A_719 = vector.load %arg9[%swap3A, %swap3A_718] : memref<1000x128xf32, #tpu.memory_space<vmem>>, vector<1000x128xf32>
    tpu.vector_store %arg9[%swap3A, %swap3A_718], %logistic3A_717 {strides = array<i32>} : memref<1000x128xf32, #tpu.memory_space<vmem>>, vector<1000x128xf32>,
    return
  }
  func.func @transform_0(%arg0: i32) -> (i32, i32, i32) {
    %c0_i32 = arith.constant 0 : i32
    %c0_i32_0 = arith.constant 0 : i32
    %c0_i32_1 = arith.constant 0 : i32
    return %c0_i32, %arg0, %c0_i32_0 : i32, i32, i32
  }
  func.func @transform_1(%arg0: i32) -> (i32, i32) {
    %c0_i32 = arith.constant 0 : i32
    %c0_i32_0 = arith.constant 0 : i32
    return %arg0, %c0_i32 : i32, i32
  }
  func.func @transform_2(%arg0: i32) -> (i32, i32) {
    %c0_i32 = arith.constant 0 : i32
    %c0_i32_0 = arith.constant 0 : i32
    %c0_i32_1 = arith.constant 0 : i32
    return %c0_i32, %c0_i32_0 : i32, i32
  }
  func.func @transform_3(%arg0: i32) -> (i32, i32) {
    %c0_i32 = arith.constant 0 : i32
    %c0_i32_0 = arith.constant 0 : i32
    %c0_i32_1 = arith.constant 0 : i32
    return %c0_i32, %c0_i32_0 : i32, i32
  }
  func.func @transform_4(%arg0: i32) -> (i32, i32) {
    %c0_i32 = arith.constant 0 : i32
    %c0_i32_0 = arith.constant 0 : i32
    %c0_i32_1 = arith.constant 0 : i32
    return %c0_i32, %c0_i32_0 : i32, i32
  }
  func.func @transform_5(%arg0: i32) -> (i32, i32) {
    %c0_i32 = arith.constant 0 : i32
    %c0_i32_0 = arith.constant 0 : i32
    %c0_i32_1 = arith.constant 0 : i32
    return %c0_i32, %c0_i32_0 : i32, i32
  }
  func.func @transform_6(%arg0: i32) -> (i32, i32) {
    %c0_i32 = arith.constant 0 : i32
    %c0_i32_0 = arith.constant 0 : i32
    %c0_i32_1 = arith.constant 0 : i32
    return %c0_i32, %c0_i32_0 : i32, i32
  }
  func.func @transform_7(%arg0: i32) -> (i32, i32) {
    %c0_i32 = arith.constant 0 : i32
    %c0_i32_0 = arith.constant 0 : i32
    %c0_i32_1 = arith.constant 0 : i32
    return %c0_i32, %c0_i32_0 : i32, i32
  }
  func.func @transform_8(%arg0: i32) -> (i32, i32) {
    %c0_i32 = arith.constant 0 : i32
    %c0_i32_0 = arith.constant 0 : i32
    return %arg0, %c0_i32 : i32, i32
  }
}

</mosaic_0001>

<sc_bundles>
// kernel: kernel.6.cloned.1.call-start
scs
__scs_entry_jumppad:
0x0: {  	(pc) =	sbr.rel $0x88, $3  }
0x1: {  	(tag) =	ssettag $0x0;
	lr =	simm.s32 $0x1  }
0x2: {  	[smem:$0x3F91] =	sst lr;
	_ =	strace $0xD0000000  }
0x3: {  	_ = 	snop  }
0x4: {  	_ = 	snop  }
0x5: {  	_ = 	snop  }
0x6: {  	_ = 	snop  }
0x7: {  	_ = 	snop  }
__scs_overlays_trampoline_lowered:
0x8: {  	[smem:$0x3FA0] =	sst s0  }
0x9: {  	[smem:$0x3FA1] =	sst s1  }
0xa: {  	[smem:$0x3FA2] =	sst s2  }
0xb: {  	[smem:$0x3FA3] =	sst s3  }
0xc: {  	[smem:$0x3FA4] =	sst s4  }
0xd: {  	[smem:$0x3FA5] =	sst s5  }
0xe: {  	[smem:$0x3FA6] =	sst s6  }
0xf: {  	[smem:$0x3FA7] =	sst s7  }
0x10: {  	[smem:$0x3FA8] =	sst s8  }
0x11: {  	[smem:$0x3FA9] =	sst s9;
	s0 =	simm.s32 @!p0 $0x0  }
0x12: {  	s1 =	sld [smem:$0x3F8F];
	s0 =	simm.s32 @p0 $0x1  }
0x13: {  	[smem:$0x3FAA] =	sst s0;
	s0 =	simm.s32 @!p1 $0x0  }
0x14: {  	s2 =	sld [smem:$0x3F8E];
	s0 =	simm.s32 @p1 $0x1  }
0x15: {  	[smem:$0x3FAB] =	sst s0;
	s0 =	simm.s32 @!p2 $0x0  }
0x16: {  	s3 =	sld [smem:$0x3FDB];
	s0 =	simm.s32 @p2 $0x1  }
0x17: {  	s4 =	simm.s32 $0x1BF5;
	[smem:$0x3FAD] =	sst s0  }
0x18: {  	s0 =	sld [smem:$0x3F90];
	_ =	swait.ge [sflag:s4], $0x0  }
0x19: {  	s7 =	sld [smem:$0x3F91]  }
0x1a: {  	s8 =	sadd.s32 $0xFFFFE003, lr  }
0x1b: {  	s9 =	sadd.s32 $0xFFFFFEF7, lr;
	s5 =	simm.s32 $0xFFFFFFFF;
	p2 =	slt.u32 s8, $0xFFFFF086  }
0x1c: {  	p1 =	slt.u32 s9, $0xF7A;
	s5 =	simm.s32 @!p2 $0x0  }
0x1d: {  	s5 =	simm.s32 @p1 $0x1;
	p0 =	seq.s32 s7, s2  }
0x1e: {  	s7 =	smul.u32 @!p0 $0xF7A, s2;
	p2 =	seq.s32 @!p0 s5, $0x0  }
0x1f: {  	s9 =	smul.u32 $0xF7A, s1;
	s8 =	simm.s32 @!p0 $0x1BF5;
	p2 =	por !p2, p0  }
0x20: {  	[sflag:s8] =	ssyncset.s32 @!p0 $0xFFFFF086;
	s6 =	sadd.s32 @!p0 s3, s7;
	s7 =	simm.s32 @!p0 $0x108  }
0x21: {  	s3 =	sadd.s32 s3, s9;
	s6 =	sadd.s32 @!p0 $0x88, s6;
	s7 =	simm.s32 @p2 $0x1082  }
0x22: {  	[simem:s7], [sflag:s8] =	dma.local @!p0 [hbm:s6], $0xF7A  }
0x23: {  	s9 =	sor.u32 $0xD0000000, s2;
	s6 =	simm.s32 $0x108;
	_ =	swait.ge @!p0 [sflag:s8], $0x0  }
0x24: {  	s3 =	sadd.s32 $0x88, s3;
	s6 =	simm.s32 @!p1 $0x1082;
	[sflag:s4] =	ssyncset.s32 $0xFFFFF086  }
0x25: {  	[simem:s6], [sflag:s4] =	dma.local [hbm:s3], $0xF7A  }
0x26: {  	[smem:$0x3F91] =	sst s1;
	(tag) =	ssettag s2;
	_ =	strace s9  }
0x27: {  	s1 =	sld [smem:$0x3FA1]  }
0x28: {  	s2 =	sld [smem:$0x3FA2]  }
0x29: {  	s4 =	sld [smem:$0x3FA4]  }
0x2a: {  	p0 =	seq.s32 s5, $0x0;
	s5 =	sld [smem:$0x3FA5]  }
0x2b: {  	s6 =	sld [smem:$0x3FA6]  }
0x2c: {  	s7 =	sld [smem:$0x3FA7]  }
0x2d: {  	s3 =	simm.s32 $0x108;
	s8 =	sld [smem:$0x3FA8]  }
0x2e: {  	s3 =	simm.s32 @!p0 $0x1082;
	s9 =	sld [smem:$0x3FA9]  }
0x2f: {  	lr =	sadd.s32 s0, s3;
	s0 =	sld [smem:$0x3FA0]  }
0x30: {  	s3 =	sld [smem:$0x3FA3]  }
0x31: {  	[smem:$0x3FAC] =	sst s10  }
0x32: {  	s10 =	sld [smem:$0x3FAA];
	_ =	sdelay $0x3  }
0x33: {  	p0 =	seq.s32 s10, $0x1;
	s10 =	sld [smem:$0x3FAC];
	_ =	sdelay $0x3  }
0x34: {  	[smem:$0x3FAC] =	sst s10  }
0x35: {  	s10 =	sld [smem:$0x3FAB];
	_ =	sdelay $0x3  }
0x36: {  	p1 =	seq.s32 s10, $0x1;
	s10 =	sld [smem:$0x3FAC];
	_ =	sdelay $0x3  }
0x37: {  	[smem:$0x3FAC] =	sst s10  }
0x38: {  	s10 =	sld [smem:$0x3FAD]  }
0x39: {  	_ = 	snop;
	(pc) =	sbr.ind lr, $3  }
0x3a: {  	_ = 	snop  }
0x3b: {  	_ = 	snop  }
0x3c: {  	p2 =	seq.s32 s10, $0x1;
	s10 =	sld [smem:$0x3FAC]  }
0x3d: {  	_ =	shalt  }
0x3e: {  	_ =	shalt  }
0x3f: {  	_ =	shalt  }
0x40: {  	_ =	shalt  }
0x41: {  	_ =	shalt  }
0x42: {  	_ =	shalt  }
0x43: {  	_ =	shalt  }
0x44: {  	_ =	shalt  }
0x45: {  	_ =	shalt  }
0x46: {  	_ =	shalt  }
0x47: {  	_ =	shalt  }
0x48: {  	_ =	shalt  }
0x49: {  	_ =	shalt  }
0x4a: {  	_ =	shalt  }
0x4b: {  	_ =	shalt  }
0x4c: {  	_ =	shalt  }
0x4d: {  	_ =	shalt  }
0x4e: {  	_ =	shalt  }
0x4f: {  	_ =	shalt  }
0x50: {  	_ =	shalt  }
0x51: {  	_ =	shalt  }
0x52: {  	_ =	shalt  }
0x53: {  	_ =	shalt  }
0x54: {  	_ =	shalt  }
0x55: {  	_ =	shalt  }
0x56: {  	_ =	shalt  }
0x57: {  	_ =	shalt  }
0x58: {  	_ =	shalt  }
0x59: {  	_ =	shalt  }
0x5a: {  	_ =	shalt  }
0x5b: {  	_ =	shalt  }
0x5c: {  	_ =	shalt  }
0x5d: {  	_ =	shalt  }
0x5e: {  	_ =	shalt  }
0x5f: {  	_ =	shalt  }
0x60: {  	_ =	shalt  }
0x61: {  	_ =	shalt  }
0x62: {  	_ =	shalt  }
0x63: {  	_ =	shalt  }
0x64: {  	_ =	shalt  }
0x65: {  	_ =	shalt  }
0x66: {  	_ =	shalt  }
0x67: {  	_ =	shalt  }
0x68: {  	_ =	shalt  }
0x69: {  	_ =	shalt  }
0x6a: {  	_ =	shalt  }
0x6b: {  	_ =	shalt  }
0x6c: {  	_ =	shalt  }
0x6d: {  	_ =	shalt  }
0x6e: {  	_ =	shalt  }
0x6f: {  	_ =	shalt  }
0x70: {  	_ =	shalt  }
0x71: {  	_ =	shalt  }
0x72: {  	_ =	shalt  }
0x73: {  	_ =	shalt  }
0x74: {  	_ =	shalt  }
0x75: {  	_ =	shalt  }
0x76: {  	_ =	shalt  }
0x77: {  	_ =	shalt  }
0x78: {  	_ =	shalt  }
0x79: {  	_ =	shalt  }
0x7a: {  	_ =	shalt  }
0x7b: {  	_ =	shalt  }
0x7c: {  	_ =	shalt  }
0x7d: {  	_ =	shalt  }
0x7e: {  	_ =	shalt  }
0x7f: {  	_ =	shalt  }
0x80: {  	_ =	shalt  }
0x81: {  	_ =	shalt  }
0x82: {  	_ =	shalt  }
0x83: {  	_ =	shalt  }
0x84: {  	_ =	shalt  }
0x85: {  	_ =	shalt  }
0x86: {  	_ =	shalt  }
0x87: {  	_ =	shalt  }
.Lfunc_end0:
.L_simem_size_0:
called_computation_lowered:
.L_overlay_start_0:
0x88: {  	s2 =	sld [smem:$0x3FD9]  }
0x89: {  	s3 =	sld [smem:$0x3FFE];
	_ =	sdelay $0x1  }
0x8a: {  	s1 =	srdreg.scid  }
0x8b: {  	s0 =	sand.u32 $0x1, s1  }
0x8c: {  	s17 =	sshll.u32 s0, $0xA;
	s2 =	sadd.s32 s3, s2  }
0x8d: {  	s2 =	sadd.s32 s2, s17  }
0x8e: {  	[smem:$0x3FB8] =	sst s2  }
0x8f: {  	_ = 	snop  }
0x90: {  	s2 =	sld [smem:$0x3FC9];
	(tm) =	ssettm $0x1  }
0x91: {  	s18 =	sld [smem:$0x3FFB];
	_ =	sdelay $0x3  }
0x92: {  	_ =	strace s18  }
0x93: {  	s3 =	sld [smem:$0x3FFC];
	_ =	sdelay $0x3  }
0x94: {  	_ =	strace s3  }
0x95: {  	s3 =	sld [smem:$0x3FFD];
	_ =	sdelay $0x3  }
0x96: {  	_ =	strace s3  }
0x97: {  	_ =	strace $0x8FFFFFFF  }
0x98: {  	s19 =	sld [smem:$0x3FDB];
	_ =	sdelay $0x1  }
0x99: {  	s4 =	simm.s32 $_scs_section_size  }
0x9a: {  	s5 =	simm.s32 $_size__tile_overlayer_lowered;
	s6 =	simm.s32 $_tile_overlayer_lowered  }
0x9b: {  	s22 =	simm.s32 $0x1BFF;
	s21 =	sshll.u32 s6, $0x1;
	s3 =	sadd.s32 s4, s19  }
0x9c: {  	s7 =	simm.s32 $0x0;
	s20 =	sshll.u32 s5, $0x1;
	s5 =	sadd.s32 s21, s3  }
0x9d: {  	[timem:s7], [sflag:s22] =	dma.local [hbm:s5], s20  }
0x9e: {  	_ =	swait.ge [sflag:s22], s20  }
0x9f: {  	s4 =	ssub.s32 $0x0, s20;
	[sflag:s22] =	ssyncset.done $0x0  }
0xa0: {  	[sflag:s22] =	ssyncadd.s32 s4;
	_ =	sdelay $0x1  }
0xa1: {  	s23 =	simm.s32 $0x1B8B  }
0xa2: {  	_ =	swait.ge [sflag:s23], $0x1  }
0xa3: {  	[sflag:s23] =	ssyncset.done $0x0  }
0xa4: {  	s25 =	simm.s32 $0x1B8E;
	s24 =	sld [smem:$0x3FFE];
	[sflag:s23] =	ssyncadd.s32 $0xFFFFFFFF  }
0xa5: {  	s26 =	simm.s32 $execute0_lowered;
	[smem:$0x3FD2] =	sst s25  }
0xa6: {  	s5 =	sshll.u32 s26, $0x1;
	_ =	strace $0x80000046;
	[dreg:$0x1] =	wrdreg $0xFFFFFFFF  }
0xa7: {  	s28 =	simm.s32 $_size_execute0_lowered;
	s3 =	sadd.s32 s3, s5;
	[dreg:$0x0] =	wrdreg $0x0  }
0xa8: {  	s5 =	sshll.u32 s28, $0x1;
	[dreg:$0x2] =	wrdreg s3  }
0xa9: {  	[dreg:$0x3] =	wrdreg s5  }
0xaa: {  	[dreg:$0x4] =	wrdreg $0xC0  }
0xab: {  	_ =	task [dreg:s7], $0x5FFFF  }
0xac: {  	[dreg:$0x1] =	wrdreg $0xFFFFFFFF  }
0xad: {  	[dreg:$0x0] =	wrdreg $0x60  }
0xae: {  	[dreg:$0x2] =	wrdreg s2  }
0xaf: {  	[dreg:$0x3] =	wrdreg s24  }
0xb0: {  	[dreg:$0x4] =	wrdreg $0x9  }
0xb1: {  	_ =	task.clear_ibuf [dreg:s7], $0x5FFFF;
	_ =	strace $0x90000046  }
0xb2: {  	s29 =	simm.s32 $0x9;
	_ =	strace $0x80000048  }
0xb3: {  	_ =	swait.ge [sflag:s29], $0x1  }
0xb4: {  	[sflag:s29] =	ssyncadd.s32 $0xFFFFFFFF  }
0xb5: {  	_ =	strace $0x90000048  }
0xb6: {  	_ =	sfence  }
0xb7: {  	s30 =	sld [smem:$0x0];
	_ =	sdelay $0x2  }
0xb8: {  	s31 =	sshll.u32 s1, $0xD;
	s1 =	sshrl.u32 s1, $0x2  }
0xb9: {  	s3 =	sand.u32 $0x4000, s31;
	s1 =	sadd.s32 s1, s30  }
0xba: {  	s0 =	sor.u32 s3, s0;
	s1 =	sshll.u32 s1, $0x11  }
0xbb: {  	s0 =	sor.u32 s1, s0  }
0xbc: {  	s0 =	sadd.s32 $0x8F2B, s0  }
0xbd: {  	[sflag:s0] =	ssyncadd.remote.s32 $0x1  }
0xbe: {  	_ =	sfence.sel $0xFFFF  }
0xbf: {  	[dreg:$0x0] =	wrdreg $0xFFFFFFFF;
	(pc) =	sbr.abs _section_cstart, $3  }
0xc0: {  	[dreg:$0x1] =	wrdreg $0xFFFFFFFF  }
0xc1: {  	_ =	task.clear_ibuf [dreg:s7], $0x2FFFF;
	_ =	strace $0x9FFFFFFF  }
0xc2: {  	(tm) =	ssettm $0x7FFFFFFF  }
0xc3: {  	_ =	shalt  }
tec
execute0_lowered:
.L_overlay_start_1:
0x0: {  	(tag) =	ssettag $0x1  }
0x1: {  	s2 =	rddreg [dreg:$0x0];
	s0 =	srdreg.scid  }
0x2: {  	s8 =	stileid.u32;
	s1 =	rddreg [dreg:$0x1];
	s3 =	simm.s32 $0x0  }
0x3: {  	s9 =	simm.s32 $0x78;
	s10 =	simm.s32 $0x1800;
	s12 =	simm.s32 $0x5400  }
0x4: {  	s14 =	simm.s32 $0x9000;
	s15 =	simm.s32 $0x1;
	s16 =	simm.s32 $0xCC00  }
0x5: {  	s17 =	simm.s32 $0x2;
	s18 =	simm.s32 $0x10800;
	s19 =	simm.s32 $0x3  }
0x6: {  	s20 =	simm.s32 $0x14400;
	s21 =	simm.s32 $0x4;
	s22 =	simm.s32 $0x5  }
0x7: {  	s28 =	simm.s32 $0xA;
	s29 =	simm.s32 $0xB;
	s30 =	simm.s32 $0xC  }
0x8: {  	s0 =	sand.u32 $0x1, s0;
	s4 =	sshll.u32 s8, $0x1;
	s8 =	smul.u32 $0x27100, s8  }
0x9: {  	s4 =	sor.u32 s0, s4;
	s6 =	ssub.s32 $0x2, s0;
	s0 =	smul.u32 $0x13880, s0  }
0xa: {  	s31 =	simm.s32 $0x0;
	[smem:$0x7FF] =	sst s3;
	s5 =	smul.u32 $0x300, s4  }
0xb: {  	_ =	strace $0x80000047;
	s4 =	smul.u32 $0x9C400, s4;
	s7 =	sshrl.u32 s6, $0x1  }
0xc: {  	s6 =	ssub.s32 s6, s7;
	s5 =	sadd.s32 s5, s1;
	s1 =	sadd.s32 $0x9200, s1  }
.Ltmp0:
0xd: {  	s23 =	sshrl.u32 s4, $0x3;
	s6 =	smax.u32 s6, $0x1;
	(pc) =	sbr.rel .LBB2_1-.Ltmp0, $4  }
0xe: {  	s24 =	sadd.s32 $0x3200, s5;
	s25 =	sadd.s32 s1, s23;
	s1 =	sadd.s32 s8, s1  }
0xf: {  	s8 =	simm.s32 $0xD;
	s23 =	simm.s32 $0x6;
	[dreg:$0x3] =	wrdreg s24  }
0x10: {  	s26 =	sadd.s32 $0x13380, s25;
	s1 =	sadd.s32 s0, s1;
	s24 =	simm.s32 $0x7  }
0x11: {  	s25 =	simm.s32 $0x8;
	[dreg:$0x4] =	wrdreg s26;
	s26 =	simm.s32 $0x9  }
.LBB2_4:
0x12: {  	_ =	swait.ge [sflag:s23], $0x3C00  }
0x13: {  	[sflag:s23] =	ssyncset.done $0x0  }
0x14: {  	s0 =	rddreg [dreg:$0x4];
	[sflag:s23] =	ssyncadd.s32 $0xFFFFC400  }
0x15: {  	[hbm4b:s0+s3] =	stream.linear.scatter [tilespmem:s20], [sflag:$0xC], $0x2800, $0x38;
	[tilespmem:$0x18000] =	vst v63  }
0x16: {  	_ =	swait.ge [sflag:s24], $0x3C00  }
0x17: {  	[sflag:s24] =	ssyncset.done $0x0  }
0x18: {  	[sflag:s24] =	ssyncadd.s32 $0xFFFFC400  }
0x19: {  	_ =	swait.ge [sflag:s25], $0x3C00  }
0x1a: {  	[sflag:s25] =	ssyncset.done $0x0  }
0x1b: {  	[sflag:s25] =	ssyncadd.s32 $0xFFFFC400  }
0x1c: {  	_ =	swait.ge [sflag:s26], $0x3C00  }
0x1d: {  	[sflag:s26] =	ssyncset.done $0x0  }
0x1e: {  	[sflag:s26] =	ssyncadd.s32 $0xFFFFC400  }
0x1f: {  	_ =	swait.ge [sflag:s28], $0x3C00  }
0x20: {  	[sflag:s28] =	ssyncset.done $0x0  }
0x21: {  	s31 =	sadd.s32 $0x1, s31;
	[sflag:s28] =	ssyncadd.s32 $0xFFFFC400  }
0x22: {  	p0 =	sne.s32 s31, s6;
	_ =	swait.ge [sflag:s29], $0x3C00  }
.Ltmp1:
0x23: {  	[sflag:s29] =	ssyncset.done $0x0;
	(pc) =	sbr.rel @!p0 .LBB2_5-.Ltmp1, $4  }
0x24: {  	[sflag:s29] =	ssyncadd.s32 $0xFFFFC400  }
0x25: {  	_ =	swait.ge [sflag:s30], $0x2800  }
0x26: {  	[sflag:s30] =	ssyncset.done $0x0  }
0x27: {  	[sflag:s30] =	ssyncadd.s32 $0xFFFFD800  }
.LBB2_1:
0x28: {  	s0 =	rddreg [dreg:$0x3]  }
0x29: {  	[tilespmem:s3], [sflag:$0xD] =	stream.linear.gather [hbm4b:s0+s3], $0x1500, $0x38;
	[tilespmem:$0x18000] =	vst v63  }
0x2a: {  	_ =	swait.ge [sflag:s8], $0x1500  }
0x2b: {  	[sflag:s8] =	ssyncset.done $0x0  }
0x2c: {  	[sflag:s8] =	ssyncadd.s32 $0xFFFFEB00  }
0x2d: {  	[tilespmem:s10], [sflag:$0x1] =	stream.indirect.gather [hbm4b:s2+s9], $0x80, s3, s9, $0xb8;
	[tilespmem:$0x18000] =	vst v63  }
0x2e: {  	s11 =	simm.s32 $0x80  }
0x2f: {  	[tilespmem:s12], [sflag:$0x2] =	stream.indirect.gather [hbm4b:s2+s9], $0x80, s11, s9, $0xb8;
	[tilespmem:$0x18000] =	vst v63  }
0x30: {  	s13 =	simm.s32 $0x100;
	s7 =	smov.u32 s1;
	s0 =	simm.s32 $0x0  }
0x31: {  	[tilespmem:s14], [sflag:$0x3] =	stream.indirect.gather [hbm4b:s2+s9], $0x80, s13, s9, $0xb8;
	[tilespmem:$0x18000] =	vst v63  }
.LBB2_2:
0x32: {  	_ =	swait.ge [sflag:s15], $0x3C00  }
0x33: {  	p0 =	seq.s32 s0, $0x0;
	[sflag:s15] =	ssyncset.done $0x0  }
0x34: {  	s13 =	simm.s32 @!p0 $0xA;
	[sflag:s15] =	ssyncadd.s32 $0xFFFFC400  }
0x35: {  	[hbm4b:s7+s3] =	stream.linear.scatter [tilespmem:s10], [sflag:$0x7], $0x3C00, $0x38;
	[tilespmem:$0x18000] =	vst v63  }
0x36: {  	_ =	swait.ge @!p0 [sflag:s13], $0x3C00  }
0x37: {  	s11 =	sshra.s32 s0, $0x2;
	[sflag:s13] =	ssyncset.done @!p0 $0x0  }
0x38: {  	s4 =	sadd.s32 $0x180, s11;
	[sflag:s13] =	ssyncadd.s32 @!p0 $0xFFFFC400  }
0x39: {  	[tilespmem:s16], [sflag:$0x4] =	stream.indirect.gather [hbm4b:s2+s9], $0x80, s4, s9, $0xb8;
	[tilespmem:$0x18000] =	vst v63  }
0x3a: {  	_ =	swait.ge [sflag:s17], $0x3C00  }
0x3b: {  	[sflag:s17] =	ssyncset.done $0x0  }
0x3c: {  	s5 =	sadd.s32 $0x780, s7;
	s13 =	simm.s32 @!p0 $0xB;
	[sflag:s17] =	ssyncadd.s32 $0xFFFFC400  }
0x3d: {  	[hbm4b:s5+s3] =	stream.linear.scatter [tilespmem:s12], [sflag:$0x8], $0x3C00, $0x38;
	[tilespmem:$0x18000] =	vst v63  }
0x3e: {  	_ =	swait.ge @!p0 [sflag:s13], $0x3C00  }
0x3f: {  	[sflag:s13] =	ssyncset.done @!p0 $0x0  }
0x40: {  	s4 =	sadd.s32 $0x200, s11;
	[sflag:s13] =	ssyncadd.s32 @!p0 $0xFFFFC400  }
0x41: {  	[tilespmem:s18], [sflag:$0x5] =	stream.indirect.gather [hbm4b:s2+s9], $0x80, s4, s9, $0xb8;
	[tilespmem:$0x18000] =	vst v63  }
0x42: {  	_ =	swait.ge [sflag:s19], $0x3C00  }
0x43: {  	[sflag:s19] =	ssyncset.done $0x0  }
0x44: {  	s5 =	sadd.s32 $0xF00, s7;
	s13 =	simm.s32 @!p0 $0xC;
	[sflag:s19] =	ssyncadd.s32 $0xFFFFC400  }
0x45: {  	[hbm4b:s5+s3] =	stream.linear.scatter [tilespmem:s14], [sflag:$0x9], $0x3C00, $0x38;
	[tilespmem:$0x18000] =	vst v63  }
0x46: {  	_ =	swait.ge @!p0 [sflag:s13], $0x3C00  }
0x47: {  	[sflag:s13] =	ssyncset.done @!p0 $0x0  }
0x48: {  	s4 =	sadd.s32 $0x280, s11;
	[sflag:s13] =	ssyncadd.s32 @!p0 $0xFFFFC400  }
0x49: {  	[tilespmem:s20], [sflag:$0x6] =	stream.indirect.gather [hbm4b:s2+s9], $0x80, s4, s9, $0xb8;
	[tilespmem:$0x18000] =	vst v63  }
0x4a: {  	_ =	swait.ge [sflag:s21], $0x3C00  }
0x4b: {  	p0 =	seq.s32 s0, $0x4800;
	[sflag:s21] =	ssyncset.done $0x0  }
0x4c: {  	s5 =	sadd.s32 $0x1680, s7;
	s13 =	simm.s32 @!p0 $0x7;
	[sflag:s21] =	ssyncadd.s32 $0xFFFFC400  }
0x4d: {  	[hbm4b:s5+s3] =	stream.linear.scatter [tilespmem:s16], [sflag:$0xA], $0x3C00, $0x38;
	[tilespmem:$0x18000] =	vst v63  }
0x4e: {  	_ =	swait.ge @!p0 [sflag:s13], $0x3C00  }
0x4f: {  	[sflag:s13] =	ssyncset.done @!p0 $0x0  }
0x50: {  	[sflag:s13] =	ssyncadd.s32 @!p0 $0xFFFFC400;
	s13 =	sshra.s32 @!p0 s0, $0x2  }
0x51: {  	s4 =	simm.s32 @!p0 $0x78;
	s5 =	simm.s32 @!p0 $0x1800;
	s13 =	sadd.s32 @!p0 $0x300, s13  }
0x52: {  	[tilespmem:s5], [sflag:$0x1] =	stream.indirect.gather @!p0 [hbm4b:s2+s4], $0x80, s13, s4, $0xb8;
	[tilespmem:$0x18000] =	vst v63  }
.Ltmp2:
0x53: {  	_ = 	snop;
	(pc) =	sbr.rel @p0 .LBB2_4-.Ltmp2, $4  }
0x54: {  	_ =	swait.ge [sflag:s22], $0x3C00  }
0x55: {  	[sflag:s22] =	ssyncset.done $0x0  }
0x56: {  	s13 =	sadd.s32 $0x1E00, s7;
	[sflag:s22] =	ssyncadd.s32 $0xFFFFC400  }
0x57: {  	[hbm4b:s13+s3] =	stream.linear.scatter [tilespmem:s18], [sflag:$0xB], $0x3C00, $0x38;
	[tilespmem:$0x18000] =	vst v63  }
0x58: {  	_ =	swait.ge [sflag:s25], $0x3C00  }
0x59: {  	[sflag:s25] =	ssyncset.done $0x0  }
0x5a: {  	s4 =	sadd.s32 $0x380, s11;
	[sflag:s25] =	ssyncadd.s32 $0xFFFFC400  }
0x5b: {  	[tilespmem:s12], [sflag:$0x2] =	stream.indirect.gather [hbm4b:s2+s9], $0x80, s4, s9, $0xb8;
	[tilespmem:$0x18000] =	vst v63  }
0x5c: {  	_ =	swait.ge [sflag:s23], $0x3C00  }
0x5d: {  	[sflag:s23] =	ssyncset.done $0x0  }
0x5e: {  	s5 =	sadd.s32 $0x2580, s7;
	[sflag:s23] =	ssyncadd.s32 $0xFFFFC400  }
0x5f: {  	[hbm4b:s5+s3] =	stream.linear.scatter [tilespmem:s20], [sflag:$0xC], $0x3C00, $0x38;
	[tilespmem:$0x18000] =	vst v63  }
.Ltmp3:
0x60: {  	_ = 	snop;
	(pc) =	sbr.rel .LBB2_2-.Ltmp3, $4  }
0x61: {  	_ =	swait.ge [sflag:s26], $0x3C00  }
0x62: {  	s13 =	sadd.s32 $0x400, s11;
	[sflag:s26] =	ssyncset.done $0x0  }
0x63: {  	s0 =	sadd.s32 $0xC00, s0;
	s7 =	sadd.s32 $0x2D00, s7;
	[sflag:s26] =	ssyncadd.s32 $0xFFFFC400  }
0x64: {  	[tilespmem:s14], [sflag:$0x3] =	stream.indirect.gather [hbm4b:s2+s9], $0x80, s13, s9, $0xb8;
	[tilespmem:$0x18000] =	vst v63  }
.LBB2_5:
0x65: {  	_ =	sfence.sel $0x180000  }
0x66: {  	[bflag:$0x0] =	sbarrier.arrive $0xFFFF  }
0x67: {  	_ =	strace $0x90000047  }
0x68: {  	s0 =	stileid.u32;
	[bflag:$0x2] =	sbarrier.arrive $0xFFFF  }
0x69: {  	p0 =	sne.s32 s0, $0x0;
	s0 =	rddreg [dreg:$0x2]  }
0x6a: {  	s0 =	sadd.s32 @!p0 $0x100000, s0  }
0x6b: {  	[sflag:s0] =	ssyncadd.tile.s32 @!p0 $0x1;
	_ =	shalt  }
.Lfunc_end2:
_tile_overlayer_lowered:
.L_overlay_start_2:
0x6c: {  	(tag) =	ssettag $0x2  }
0x6d: {  	s0 =	rddreg [dreg:$0x0];
	s2 =	stileid.u32  }
0x6e: {  	s1 =	rddreg [dreg:$0x1];
	p0 =	sne.s32 s2, $0x0  }
0x6f: {  	s3 =	rddreg [dreg:$0x2];
	[bflag:$0x3] =	sbarrier.arrive $0xFFFF;
	s2 =	simm.s32 @!p0 $0x1C0D  }
0x70: {  	[timem:s3], [sflag:s2] =	dma.local @!p0 [hbm:s0], s1  }
0x71: {  	s0 =	simm.s32 @!p0 $0xD  }
0x72: {  	_ =	swait.ge @!p0 [sflag:s0], s1  }
0x73: {  	s1 =	ssub.s32 @!p0 $0x0, s1;
	[sflag:s0] =	ssyncset.done @!p0 $0x0  }
0x74: {  	[sflag:s0] =	ssyncadd.s32 @!p0 s1  }
0x75: {  	[bflag:$0x3] =	sbarrier.arrive $0xFFFF  }
0x76: {  	_ =	shalt  }

// kernel: kernel.9.cloned.1.call-start
scs
__scs_entry_jumppad:
0x0: {  	(pc) =	sbr.rel $0x88, $3  }
0x1: {  	(tag) =	ssettag $0x0;
	lr =	simm.s32 $0x1  }
0x2: {  	[smem:$0x3F91] =	sst lr;
	_ =	strace $0xD0000000  }
0x3: {  	_ = 	snop  }
0x4: {  	_ = 	snop  }
0x5: {  	_ = 	snop  }
0x6: {  	_ = 	snop  }
0x7: {  	_ = 	snop  }
__scs_overlays_trampoline_lowered:
0x8: {  	[smem:$0x3FA0] =	sst s0  }
0x9: {  	[smem:$0x3FA1] =	sst s1  }
0xa: {  	[smem:$0x3FA2] =	sst s2  }
0xb: {  	[smem:$0x3FA3] =	sst s3  }
0xc: {  	[smem:$0x3FA4] =	sst s4  }
0xd: {  	[smem:$0x3FA5] =	sst s5  }
0xe: {  	[smem:$0x3FA6] =	sst s6  }
0xf: {  	[smem:$0x3FA7] =	sst s7  }
0x10: {  	[smem:$0x3FA8] =	sst s8  }
0x11: {  	[smem:$0x3FA9] =	sst s9;
	s0 =	simm.s32 @!p0 $0x0  }
0x12: {  	s1 =	sld [smem:$0x3F8F];
	s0 =	simm.s32 @p0 $0x1  }
0x13: {  	[smem:$0x3FAA] =	sst s0;
	s0 =	simm.s32 @!p1 $0x0  }
0x14: {  	s2 =	sld [smem:$0x3F8E];
	s0 =	simm.s32 @p1 $0x1  }
0x15: {  	[smem:$0x3FAB] =	sst s0;
	s0 =	simm.s32 @!p2 $0x0  }
0x16: {  	s3 =	sld [smem:$0x3FDB];
	s0 =	simm.s32 @p2 $0x1  }
0x17: {  	s4 =	simm.s32 $0x1BF5;
	[smem:$0x3FAD] =	sst s0  }
0x18: {  	s0 =	sld [smem:$0x3F90];
	_ =	swait.ge [sflag:s4], $0x0  }
0x19: {  	s7 =	sld [smem:$0x3F91]  }
0x1a: {  	s8 =	sadd.s32 $0xFFFFE003, lr  }
0x1b: {  	s9 =	sadd.s32 $0xFFFFFEF7, lr;
	s5 =	simm.s32 $0xFFFFFFFF;
	p2 =	slt.u32 s8, $0xFFFFF086  }
0x1c: {  	p1 =	slt.u32 s9, $0xF7A;
	s5 =	simm.s32 @!p2 $0x0  }
0x1d: {  	s5 =	simm.s32 @p1 $0x1;
	p0 =	seq.s32 s7, s2  }
0x1e: {  	s7 =	smul.u32 @!p0 $0xF7A, s2;
	p2 =	seq.s32 @!p0 s5, $0x0  }
0x1f: {  	s9 =	smul.u32 $0xF7A, s1;
	s8 =	simm.s32 @!p0 $0x1BF5;
	p2 =	por !p2, p0  }
0x20: {  	[sflag:s8] =	ssyncset.s32 @!p0 $0xFFFFF086;
	s6 =	sadd.s32 @!p0 s3, s7;
	s7 =	simm.s32 @!p0 $0x108  }
0x21: {  	s3 =	sadd.s32 s3, s9;
	s6 =	sadd.s32 @!p0 $0x88, s6;
	s7 =	simm.s32 @p2 $0x1082  }
0x22: {  	[simem:s7], [sflag:s8] =	dma.local @!p0 [hbm:s6], $0xF7A  }
0x23: {  	s9 =	sor.u32 $0xD0000000, s2;
	s6 =	simm.s32 $0x108;
	_ =	swait.ge @!p0 [sflag:s8], $0x0  }
0x24: {  	s3 =	sadd.s32 $0x88, s3;
	s6 =	simm.s32 @!p1 $0x1082;
	[sflag:s4] =	ssyncset.s32 $0xFFFFF086  }
0x25: {  	[simem:s6], [sflag:s4] =	dma.local [hbm:s3], $0xF7A  }
0x26: {  	[smem:$0x3F91] =	sst s1;
	(tag) =	ssettag s2;
	_ =	strace s9  }
0x27: {  	s1 =	sld [smem:$0x3FA1]  }
0x28: {  	s2 =	sld [smem:$0x3FA2]  }
0x29: {  	s4 =	sld [smem:$0x3FA4]  }
0x2a: {  	p0 =	seq.s32 s5, $0x0;
	s5 =	sld [smem:$0x3FA5]  }
0x2b: {  	s6 =	sld [smem:$0x3FA6]  }
0x2c: {  	s7 =	sld [smem:$0x3FA7]  }
0x2d: {  	s3 =	simm.s32 $0x108;
	s8 =	sld [smem:$0x3FA8]  }
0x2e: {  	s3 =	simm.s32 @!p0 $0x1082;
	s9 =	sld [smem:$0x3FA9]  }
0x2f: {  	lr =	sadd.s32 s0, s3;
	s0 =	sld [smem:$0x3FA0]  }
0x30: {  	s3 =	sld [smem:$0x3FA3]  }
0x31: {  	[smem:$0x3FAC] =	sst s10  }
0x32: {  	s10 =	sld [smem:$0x3FAA];
	_ =	sdelay $0x3  }
0x33: {  	p0 =	seq.s32 s10, $0x1;
	s10 =	sld [smem:$0x3FAC];
	_ =	sdelay $0x3  }
0x34: {  	[smem:$0x3FAC] =	sst s10  }
0x35: {  	s10 =	sld [smem:$0x3FAB];
	_ =	sdelay $0x3  }
0x36: {  	p1 =	seq.s32 s10, $0x1;
	s10 =	sld [smem:$0x3FAC];
	_ =	sdelay $0x3  }
0x37: {  	[smem:$0x3FAC] =	sst s10  }
0x38: {  	s10 =	sld [smem:$0x3FAD]  }
0x39: {  	_ = 	snop;
	(pc) =	sbr.ind lr, $3  }
0x3a: {  	_ = 	snop  }
0x3b: {  	_ = 	snop  }
0x3c: {  	p2 =	seq.s32 s10, $0x1;
	s10 =	sld [smem:$0x3FAC]  }
0x3d: {  	_ =	shalt  }
0x3e: {  	_ =	shalt  }
0x3f: {  	_ =	shalt  }
0x40: {  	_ =	shalt  }
0x41: {  	_ =	shalt  }
0x42: {  	_ =	shalt  }
0x43: {  	_ =	shalt  }
0x44: {  	_ =	shalt  }
0x45: {  	_ =	shalt  }
0x46: {  	_ =	shalt  }
0x47: {  	_ =	shalt  }
0x48: {  	_ =	shalt  }
0x49: {  	_ =	shalt  }
0x4a: {  	_ =	shalt  }
0x4b: {  	_ =	shalt  }
0x4c: {  	_ =	shalt  }
0x4d: {  	_ =	shalt  }
0x4e: {  	_ =	shalt  }
0x4f: {  	_ =	shalt  }
0x50: {  	_ =	shalt  }
0x51: {  	_ =	shalt  }
0x52: {  	_ =	shalt  }
0x53: {  	_ =	shalt  }
0x54: {  	_ =	shalt  }
0x55: {  	_ =	shalt  }
0x56: {  	_ =	shalt  }
0x57: {  	_ =	shalt  }
0x58: {  	_ =	shalt  }
0x59: {  	_ =	shalt  }
0x5a: {  	_ =	shalt  }
0x5b: {  	_ =	shalt  }
0x5c: {  	_ =	shalt  }
0x5d: {  	_ =	shalt  }
0x5e: {  	_ =	shalt  }
0x5f: {  	_ =	shalt  }
0x60: {  	_ =	shalt  }
0x61: {  	_ =	shalt  }
0x62: {  	_ =	shalt  }
0x63: {  	_ =	shalt  }
0x64: {  	_ =	shalt  }
0x65: {  	_ =	shalt  }
0x66: {  	_ =	shalt  }
0x67: {  	_ =	shalt  }
0x68: {  	_ =	shalt  }
0x69: {  	_ =	shalt  }
0x6a: {  	_ =	shalt  }
0x6b: {  	_ =	shalt  }
0x6c: {  	_ =	shalt  }
0x6d: {  	_ =	shalt  }
0x6e: {  	_ =	shalt  }
0x6f: {  	_ =	shalt  }
0x70: {  	_ =	shalt  }
0x71: {  	_ =	shalt  }
0x72: {  	_ =	shalt  }
0x73: {  	_ =	shalt  }
0x74: {  	_ =	shalt  }
0x75: {  	_ =	shalt  }
0x76: {  	_ =	shalt  }
0x77: {  	_ =	shalt  }
0x78: {  	_ =	shalt  }
0x79: {  	_ =	shalt  }
0x7a: {  	_ =	shalt  }
0x7b: {  	_ =	shalt  }
0x7c: {  	_ =	shalt  }
0x7d: {  	_ =	shalt  }
0x7e: {  	_ =	shalt  }
0x7f: {  	_ =	shalt  }
0x80: {  	_ =	shalt  }
0x81: {  	_ =	shalt  }
0x82: {  	_ =	shalt  }
0x83: {  	_ =	shalt  }
0x84: {  	_ =	shalt  }
0x85: {  	_ =	shalt  }
0x86: {  	_ =	shalt  }
0x87: {  	_ =	shalt  }
.Lfunc_end0:
.L_simem_size_0:
called_computation.1_lowered:
.L_overlay_start_0:
0x88: {  	s2 =	sld [smem:$0x3FD9]  }
0x89: {  	s3 =	sld [smem:$0x3FFE];
	_ =	sdelay $0x1  }
0x8a: {  	s1 =	srdreg.scid  }
0x8b: {  	s0 =	sand.u32 $0x1, s1  }
0x8c: {  	s17 =	sshll.u32 s0, $0xA;
	s2 =	sadd.s32 s3, s2  }
0x8d: {  	s2 =	sadd.s32 s2, s17  }
0x8e: {  	[smem:$0x3FB8] =	sst s2  }
0x8f: {  	_ = 	snop  }
0x90: {  	s2 =	sld [smem:$0x3FD0];
	(tm) =	ssettm $0x1  }
0x91: {  	s18 =	sld [smem:$0x3FFB];
	_ =	sdelay $0x3  }
0x92: {  	_ =	strace s18  }
0x93: {  	s3 =	sld [smem:$0x3FFC];
	_ =	sdelay $0x3  }
0x94: {  	_ =	strace s3  }
0x95: {  	s3 =	sld [smem:$0x3FFD];
	_ =	sdelay $0x3  }
0x96: {  	_ =	strace s3  }
0x97: {  	_ =	strace $0x8FFFFFFF  }
0x98: {  	s19 =	sld [smem:$0x3FDB];
	_ =	sdelay $0x1  }
0x99: {  	s4 =	simm.s32 $_scs_section_size  }
0x9a: {  	s5 =	simm.s32 $_size__tile_overlayer_lowered;
	s6 =	simm.s32 $_tile_overlayer_lowered  }
0x9b: {  	s22 =	simm.s32 $0x1BFF;
	s21 =	sshll.u32 s6, $0x1;
	s3 =	sadd.s32 s4, s19  }
0x9c: {  	s7 =	simm.s32 $0x0;
	s20 =	sshll.u32 s5, $0x1;
	s5 =	sadd.s32 s21, s3  }
0x9d: {  	[timem:s7], [sflag:s22] =	dma.local [hbm:s5], s20  }
0x9e: {  	_ =	swait.ge [sflag:s22], s20  }
0x9f: {  	s4 =	ssub.s32 $0x0, s20;
	[sflag:s22] =	ssyncset.done $0x0  }
0xa0: {  	[sflag:s22] =	ssyncadd.s32 s4;
	_ =	sdelay $0x1  }
0xa1: {  	s23 =	simm.s32 $0x1B8B  }
0xa2: {  	_ =	swait.ge [sflag:s23], $0x1  }
0xa3: {  	[sflag:s23] =	ssyncset.done $0x0  }
0xa4: {  	s25 =	simm.s32 $0x1B8E;
	s24 =	sld [smem:$0x3FFE];
	[sflag:s23] =	ssyncadd.s32 $0xFFFFFFFF  }
0xa5: {  	s26 =	simm.s32 $execute0_lowered;
	[smem:$0x3FD2] =	sst s25  }
0xa6: {  	s5 =	sshll.u32 s26, $0x1;
	_ =	strace $0x80000049;
	[dreg:$0x1] =	wrdreg $0xFFFFFFFF  }
0xa7: {  	s28 =	simm.s32 $_size_execute0_lowered;
	s3 =	sadd.s32 s3, s5;
	[dreg:$0x0] =	wrdreg $0x0  }
0xa8: {  	s5 =	sshll.u32 s28, $0x1;
	[dreg:$0x2] =	wrdreg s3  }
0xa9: {  	[dreg:$0x3] =	wrdreg s5  }
0xaa: {  	[dreg:$0x4] =	wrdreg $0xC0  }
0xab: {  	_ =	task [dreg:s7], $0x5FFFF  }
0xac: {  	[dreg:$0x1] =	wrdreg $0xFFFFFFFF  }
0xad: {  	[dreg:$0x0] =	wrdreg $0x60  }
0xae: {  	[dreg:$0x2] =	wrdreg s2  }
0xaf: {  	[dreg:$0x3] =	wrdreg s24  }
0xb0: {  	[dreg:$0x4] =	wrdreg $0x9  }
0xb1: {  	_ =	task.clear_ibuf [dreg:s7], $0x5FFFF;
	_ =	strace $0x90000049  }
0xb2: {  	s29 =	simm.s32 $0x9;
	_ =	strace $0x8000004B  }
0xb3: {  	_ =	swait.ge [sflag:s29], $0x1  }
0xb4: {  	[sflag:s29] =	ssyncadd.s32 $0xFFFFFFFF  }
0xb5: {  	_ =	strace $0x9000004B  }
0xb6: {  	_ =	sfence  }
0xb7: {  	s30 =	sld [smem:$0x0];
	_ =	sdelay $0x2  }
0xb8: {  	s31 =	sshll.u32 s1, $0xD;
	s1 =	sshrl.u32 s1, $0x2  }
0xb9: {  	s3 =	sand.u32 $0x4000, s31;
	s1 =	sadd.s32 s1, s30  }
0xba: {  	s0 =	sor.u32 s3, s0;
	s1 =	sshll.u32 s1, $0x11  }
0xbb: {  	s0 =	sor.u32 s1, s0  }
0xbc: {  	s0 =	sadd.s32 $0x8F2B, s0  }
0xbd: {  	[sflag:s0] =	ssyncadd.remote.s32 $0x1  }
0xbe: {  	_ =	sfence.sel $0xFFFF  }
0xbf: {  	[dreg:$0x0] =	wrdreg $0xFFFFFFFF;
	(pc) =	sbr.abs _section_cstart, $3  }
0xc0: {  	[dreg:$0x1] =	wrdreg $0xFFFFFFFF  }
0xc1: {  	_ =	task.clear_ibuf [dreg:s7], $0x2FFFF;
	_ =	strace $0x9FFFFFFF  }
0xc2: {  	(tm) =	ssettm $0x7FFFFFFF  }
0xc3: {  	_ =	shalt  }
tec
execute0_lowered:
.L_overlay_start_1:
0x0: {  	(tag) =	ssettag $0x1  }
0x1: {  	s2 =	rddreg [dreg:$0x0];
	s0 =	srdreg.scid  }
0x2: {  	s8 =	stileid.u32;
	s1 =	rddreg [dreg:$0x1];
	s3 =	simm.s32 $0x0  }
0x3: {  	s9 =	simm.s32 $0x78;
	s10 =	simm.s32 $0x1800;
	s12 =	simm.s32 $0x5400  }
0x4: {  	s14 =	simm.s32 $0x9000;
	s15 =	simm.s32 $0x1;
	s16 =	simm.s32 $0xCC00  }
0x5: {  	s17 =	simm.s32 $0x2;
	s18 =	simm.s32 $0x10800;
	s19 =	simm.s32 $0x3  }
0x6: {  	s20 =	simm.s32 $0x14400;
	s21 =	simm.s32 $0x4;
	s22 =	simm.s32 $0x5  }
0x7: {  	s28 =	simm.s32 $0xA;
	s29 =	simm.s32 $0xB;
	s30 =	simm.s32 $0xC  }
0x8: {  	s0 =	sand.u32 $0x1, s0;
	s4 =	sshll.u32 s8, $0x1;
	s8 =	smul.u32 $0x27100, s8  }
0x9: {  	s4 =	sor.u32 s0, s4;
	s6 =	ssub.s32 $0x2, s0;
	s0 =	smul.u32 $0x13880, s0  }
0xa: {  	s31 =	simm.s32 $0x0;
	[smem:$0x7FF] =	sst s3;
	s5 =	smul.u32 $0x300, s4  }
0xb: {  	_ =	strace $0x8000004A;
	s4 =	smul.u32 $0x9C400, s4;
	s7 =	sshrl.u32 s6, $0x1  }
0xc: {  	s6 =	ssub.s32 s6, s7;
	s5 =	sadd.s32 s5, s1;
	s1 =	sadd.s32 $0x9200, s1  }
.Ltmp0:
0xd: {  	s23 =	sshrl.u32 s4, $0x3;
	s6 =	smax.u32 s6, $0x1;
	(pc) =	sbr.rel .LBB2_1-.Ltmp0, $4  }
0xe: {  	s24 =	sadd.s32 $0x3200, s5;
	s25 =	sadd.s32 s1, s23;
	s1 =	sadd.s32 s8, s1  }
0xf: {  	s8 =	simm.s32 $0xD;
	s23 =	simm.s32 $0x6;
	[dreg:$0x3] =	wrdreg s24  }
0x10: {  	s26 =	sadd.s32 $0x13380, s25;
	s1 =	sadd.s32 s0, s1;
	s24 =	simm.s32 $0x7  }
0x11: {  	s25 =	simm.s32 $0x8;
	[dreg:$0x4] =	wrdreg s26;
	s26 =	simm.s32 $0x9  }
.LBB2_4:
0x12: {  	_ =	swait.ge [sflag:s23], $0x3C00  }
0x13: {  	[sflag:s23] =	ssyncset.done $0x0  }
0x14: {  	s0 =	rddreg [dreg:$0x4];
	[sflag:s23] =	ssyncadd.s32 $0xFFFFC400  }
0x15: {  	[hbm4b:s0+s3] =	stream.linear.scatter [tilespmem:s20], [sflag:$0xC], $0x2800, $0x38;
	[tilespmem:$0x18000] =	vst v63  }
0x16: {  	_ =	swait.ge [sflag:s24], $0x3C00  }
0x17: {  	[sflag:s24] =	ssyncset.done $0x0  }
0x18: {  	[sflag:s24] =	ssyncadd.s32 $0xFFFFC400  }
0x19: {  	_ =	swait.ge [sflag:s25], $0x3C00  }
0x1a: {  	[sflag:s25] =	ssyncset.done $0x0  }
0x1b: {  	[sflag:s25] =	ssyncadd.s32 $0xFFFFC400  }
0x1c: {  	_ =	swait.ge [sflag:s26], $0x3C00  }
0x1d: {  	[sflag:s26] =	ssyncset.done $0x0  }
0x1e: {  	[sflag:s26] =	ssyncadd.s32 $0xFFFFC400  }
0x1f: {  	_ =	swait.ge [sflag:s28], $0x3C00  }
0x20: {  	[sflag:s28] =	ssyncset.done $0x0  }
0x21: {  	s31 =	sadd.s32 $0x1, s31;
	[sflag:s28] =	ssyncadd.s32 $0xFFFFC400  }
0x22: {  	p0 =	sne.s32 s31, s6;
	_ =	swait.ge [sflag:s29], $0x3C00  }
.Ltmp1:
0x23: {  	[sflag:s29] =	ssyncset.done $0x0;
	(pc) =	sbr.rel @!p0 .LBB2_5-.Ltmp1, $4  }
0x24: {  	[sflag:s29] =	ssyncadd.s32 $0xFFFFC400  }
0x25: {  	_ =	swait.ge [sflag:s30], $0x2800  }
0x26: {  	[sflag:s30] =	ssyncset.done $0x0  }
0x27: {  	[sflag:s30] =	ssyncadd.s32 $0xFFFFD800  }
.LBB2_1:
0x28: {  	s0 =	rddreg [dreg:$0x3]  }
0x29: {  	[tilespmem:s3], [sflag:$0xD] =	stream.linear.gather [hbm4b:s0+s3], $0x1500, $0x38;
	[tilespmem:$0x18000] =	vst v63  }
0x2a: {  	_ =	swait.ge [sflag:s8], $0x1500  }
0x2b: {  	[sflag:s8] =	ssyncset.done $0x0  }
0x2c: {  	[sflag:s8] =	ssyncadd.s32 $0xFFFFEB00  }
0x2d: {  	[tilespmem:s10], [sflag:$0x1] =	stream.indirect.gather [hbm4b:s2+s9], $0x80, s3, s9, $0xb8;
	[tilespmem:$0x18000] =	vst v63  }
0x2e: {  	s11 =	simm.s32 $0x80  }
0x2f: {  	[tilespmem:s12], [sflag:$0x2] =	stream.indirect.gather [hbm4b:s2+s9], $0x80, s11, s9, $0xb8;
	[tilespmem:$0x18000] =	vst v63  }
0x30: {  	s13 =	simm.s32 $0x100;
	s7 =	smov.u32 s1;
	s0 =	simm.s32 $0x0  }
0x31: {  	[tilespmem:s14], [sflag:$0x3] =	stream.indirect.gather [hbm4b:s2+s9], $0x80, s13, s9, $0xb8;
	[tilespmem:$0x18000] =	vst v63  }
.LBB2_2:
0x32: {  	_ =	swait.ge [sflag:s15], $0x3C00  }
0x33: {  	p0 =	seq.s32 s0, $0x0;
	[sflag:s15] =	ssyncset.done $0x0  }
0x34: {  	s13 =	simm.s32 @!p0 $0xA;
	[sflag:s15] =	ssyncadd.s32 $0xFFFFC400  }
0x35: {  	[hbm4b:s7+s3] =	stream.linear.scatter [tilespmem:s10], [sflag:$0x7], $0x3C00, $0x38;
	[tilespmem:$0x18000] =	vst v63  }
0x36: {  	_ =	swait.ge @!p0 [sflag:s13], $0x3C00  }
0x37: {  	s11 =	sshra.s32 s0, $0x2;
	[sflag:s13] =	ssyncset.done @!p0 $0x0  }
0x38: {  	s4 =	sadd.s32 $0x180, s11;
	[sflag:s13] =	ssyncadd.s32 @!p0 $0xFFFFC400  }
0x39: {  	[tilespmem:s16], [sflag:$0x4] =	stream.indirect.gather [hbm4b:s2+s9], $0x80, s4, s9, $0xb8;
	[tilespmem:$0x18000] =	vst v63  }
0x3a: {  	_ =	swait.ge [sflag:s17], $0x3C00  }
0x3b: {  	[sflag:s17] =	ssyncset.done $0x0  }
0x3c: {  	s5 =	sadd.s32 $0x780, s7;
	s13 =	simm.s32 @!p0 $0xB;
	[sflag:s17] =	ssyncadd.s32 $0xFFFFC400  }
0x3d: {  	[hbm4b:s5+s3] =	stream.linear.scatter [tilespmem:s12], [sflag:$0x8], $0x3C00, $0x38;
	[tilespmem:$0x18000] =	vst v63  }
0x3e: {  	_ =	swait.ge @!p0 [sflag:s13], $0x3C00  }
0x3f: {  	[sflag:s13] =	ssyncset.done @!p0 $0x0  }
0x40: {  	s4 =	sadd.s32 $0x200, s11;
	[sflag:s13] =	ssyncadd.s32 @!p0 $0xFFFFC400  }
0x41: {  	[tilespmem:s18], [sflag:$0x5] =	stream.indirect.gather [hbm4b:s2+s9], $0x80, s4, s9, $0xb8;
	[tilespmem:$0x18000] =	vst v63  }
0x42: {  	_ =	swait.ge [sflag:s19], $0x3C00  }
0x43: {  	[sflag:s19] =	ssyncset.done $0x0  }
0x44: {  	s5 =	sadd.s32 $0xF00, s7;
	s13 =	simm.s32 @!p0 $0xC;
	[sflag:s19] =	ssyncadd.s32 $0xFFFFC400  }
0x45: {  	[hbm4b:s5+s3] =	stream.linear.scatter [tilespmem:s14], [sflag:$0x9], $0x3C00, $0x38;
	[tilespmem:$0x18000] =	vst v63  }
0x46: {  	_ =	swait.ge @!p0 [sflag:s13], $0x3C00  }
0x47: {  	[sflag:s13] =	ssyncset.done @!p0 $0x0  }
0x48: {  	s4 =	sadd.s32 $0x280, s11;
	[sflag:s13] =	ssyncadd.s32 @!p0 $0xFFFFC400  }
0x49: {  	[tilespmem:s20], [sflag:$0x6] =	stream.indirect.gather [hbm4b:s2+s9], $0x80, s4, s9, $0xb8;
	[tilespmem:$0x18000] =	vst v63  }
0x4a: {  	_ =	swait.ge [sflag:s21], $0x3C00  }
0x4b: {  	p0 =	seq.s32 s0, $0x4800;
	[sflag:s21] =	ssyncset.done $0x0  }
0x4c: {  	s5 =	sadd.s32 $0x1680, s7;
	s13 =	simm.s32 @!p0 $0x7;
	[sflag:s21] =	ssyncadd.s32 $0xFFFFC400  }
0x4d: {  	[hbm4b:s5+s3] =	stream.linear.scatter [tilespmem:s16], [sflag:$0xA], $0x3C00, $0x38;
	[tilespmem:$0x18000] =	vst v63  }
0x4e: {  	_ =	swait.ge @!p0 [sflag:s13], $0x3C00  }
0x4f: {  	[sflag:s13] =	ssyncset.done @!p0 $0x0  }
0x50: {  	[sflag:s13] =	ssyncadd.s32 @!p0 $0xFFFFC400;
	s13 =	sshra.s32 @!p0 s0, $0x2  }
0x51: {  	s4 =	simm.s32 @!p0 $0x78;
	s5 =	simm.s32 @!p0 $0x1800;
	s13 =	sadd.s32 @!p0 $0x300, s13  }
0x52: {  	[tilespmem:s5], [sflag:$0x1] =	stream.indirect.gather @!p0 [hbm4b:s2+s4], $0x80, s13, s4, $0xb8;
	[tilespmem:$0x18000] =	vst v63  }
.Ltmp2:
0x53: {  	_ = 	snop;
	(pc) =	sbr.rel @p0 .LBB2_4-.Ltmp2, $4  }
0x54: {  	_ =	swait.ge [sflag:s22], $0x3C00  }
0x55: {  	[sflag:s22] =	ssyncset.done $0x0  }
0x56: {  	s13 =	sadd.s32 $0x1E00, s7;
	[sflag:s22] =	ssyncadd.s32 $0xFFFFC400  }
0x57: {  	[hbm4b:s13+s3] =	stream.linear.scatter [tilespmem:s18], [sflag:$0xB], $0x3C00, $0x38;
	[tilespmem:$0x18000] =	vst v63  }
0x58: {  	_ =	swait.ge [sflag:s25], $0x3C00  }
0x59: {  	[sflag:s25] =	ssyncset.done $0x0  }
0x5a: {  	s4 =	sadd.s32 $0x380, s11;
	[sflag:s25] =	ssyncadd.s32 $0xFFFFC400  }
0x5b: {  	[tilespmem:s12], [sflag:$0x2] =	stream.indirect.gather [hbm4b:s2+s9], $0x80, s4, s9, $0xb8;
	[tilespmem:$0x18000] =	vst v63  }
0x5c: {  	_ =	swait.ge [sflag:s23], $0x3C00  }
0x5d: {  	[sflag:s23] =	ssyncset.done $0x0  }
0x5e: {  	s5 =	sadd.s32 $0x2580, s7;
	[sflag:s23] =	ssyncadd.s32 $0xFFFFC400  }
0x5f: {  	[hbm4b:s5+s3] =	stream.linear.scatter [tilespmem:s20], [sflag:$0xC], $0x3C00, $0x38;
	[tilespmem:$0x18000] =	vst v63  }
.Ltmp3:
0x60: {  	_ = 	snop;
	(pc) =	sbr.rel .LBB2_2-.Ltmp3, $4  }
0x61: {  	_ =	swait.ge [sflag:s26], $0x3C00  }
0x62: {  	s13 =	sadd.s32 $0x400, s11;
	[sflag:s26] =	ssyncset.done $0x0  }
0x63: {  	s0 =	sadd.s32 $0xC00, s0;
	s7 =	sadd.s32 $0x2D00, s7;
	[sflag:s26] =	ssyncadd.s32 $0xFFFFC400  }
0x64: {  	[tilespmem:s14], [sflag:$0x3] =	stream.indirect.gather [hbm4b:s2+s9], $0x80, s13, s9, $0xb8;
	[tilespmem:$0x18000] =	vst v63  }
.LBB2_5:
0x65: {  	_ =	sfence.sel $0x180000  }
0x66: {  	[bflag:$0x0] =	sbarrier.arrive $0xFFFF  }
0x67: {  	_ =	strace $0x9000004A  }
0x68: {  	s0 =	stileid.u32;
	[bflag:$0x2] =	sbarrier.arrive $0xFFFF  }
0x69: {  	p0 =	sne.s32 s0, $0x0;
	s0 =	rddreg [dreg:$0x2]  }
0x6a: {  	s0 =	sadd.s32 @!p0 $0x100000, s0  }
0x6b: {  	[sflag:s0] =	ssyncadd.tile.s32 @!p0 $0x1;
	_ =	shalt  }
.Lfunc_end2:
_tile_overlayer_lowered:
.L_overlay_start_2:
0x6c: {  	(tag) =	ssettag $0x2  }
0x6d: {  	s0 =	rddreg [dreg:$0x0];
	s2 =	stileid.u32  }
0x6e: {  	s1 =	rddreg [dreg:$0x1];
	p0 =	sne.s32 s2, $0x0  }
0x6f: {  	s3 =	rddreg [dreg:$0x2];
	[bflag:$0x3] =	sbarrier.arrive $0xFFFF;
	s2 =	simm.s32 @!p0 $0x1C0D  }
0x70: {  	[timem:s3], [sflag:s2] =	dma.local @!p0 [hbm:s0], s1  }
0x71: {  	s0 =	simm.s32 @!p0 $0xD  }
0x72: {  	_ =	swait.ge @!p0 [sflag:s0], s1  }
0x73: {  	s1 =	ssub.s32 @!p0 $0x0, s1;
	[sflag:s0] =	ssyncset.done @!p0 $0x0  }
0x74: {  	[sflag:s0] =	ssyncadd.s32 @!p0 s1  }
0x75: {  	[bflag:$0x3] =	sbarrier.arrive $0xFFFF  }
0x76: {  	_ =	shalt  }

</sc_bundles>
